<compile_context>
chip_gen: v7x
topology: tpu7x:2x2x1
jax: 0.10.2.dev20260603
libtpu: 0.0.44.dev20260713+nightly
codegen_flags: <defaults>
</compile_context>

<pallas_src>
import functools

import jax
import jax.numpy as jnp
from jax import lax
from jax.experimental import pallas as pl
from jax.experimental.pallas import tpu as pltpu
from jax.experimental.pallas import tpu_sc as plsc

N_SRC = 10000
N_DST = 10000
E = 320000
D = 128
DH = 64
NC = 2
NS = 16
CHUNK = 80
EPT = E // NS
NCH = EPT // CHUNK
TROWS = 20480
RPT = TROWS // NS
W = 50
NW = NCH // W


def _sc_seg_body(hcat, ef, src3, dst3, fwd3, out_s, out_c,
                 dstv, fwdv, srcv, h_0, ef_0, val_0, h_1, ef_1, val_1,
                 ones_v, zv, table, cnt, sem_h0, sem_e0, sem_h1, sem_e1,
                 sem_s0, sem_c0, sem_s1, sem_c1):
    c = lax.axis_index("c")
    s = lax.axis_index("s")
    ebase = s * EPT

    for k in range(CHUNK // 16):
        ones_v[pl.ds(16 * k, 16)] = jnp.full((16,), 1.0, jnp.float32)
        zv[pl.ds(16 * k, 16)] = jnp.zeros((16,), jnp.float32)

    def _zero_val(r, carry):
        for k in range(DH // 16):
            val_0[r, pl.ds(16 * k, 16)] = jnp.zeros((16,), jnp.float32)
        return carry
    lax.fori_loop(0, CHUNK, _zero_val, 0)

    zrow = s * RPT
    for z in range(RPT // CHUNK):
        pltpu.sync_copy(val_0, table.at[pl.ds(zrow + z * CHUNK, CHUNK)])
        pltpu.sync_copy(zv, cnt.at[pl.ds(zrow + z * CHUNK, CHUNK)])
    plsc.subcore_barrier()

    def _window(w, carry):
        pltpu.sync_copy(dst3.at[s, pl.ds(w * W, W)], dstv)
        pltpu.sync_copy(fwd3.at[s, pl.ds(w * W, W)], fwdv)
        pltpu.sync_copy(src3.at[s, pl.ds(w * W, W)], srcv)

        def _mkidx(r, carry2):
            for k in range(CHUNK // 16):
                sl = pl.ds(16 * k, 16)
                dstv[r, sl] = dstv[r, sl] + fwdv[r, sl] * N_DST
                srcv[r, sl] = srcv[r, sl] + c * N_SRC
            return carry2
        lax.fori_loop(0, W, _mkidx, 0)

        def _fetch(j, h_b, ef_b, sem_hb, sem_eb):
            pltpu.async_copy(hcat.at[srcv.at[j]], h_b, sem_hb)
            pltpu.async_copy(
                ef.at[pl.ds(ebase + (w * W + j) * CHUNK, CHUNK),
                      pl.ds(c * DH, DH)],
                ef_b, sem_eb)

        def _wait_fetch(j, h_b, ef_b, sem_hb, sem_eb):
            pltpu.make_async_copy(hcat.at[srcv.at[j]], h_b, sem_hb).wait()
            pltpu.make_async_copy(
                ef.at[pl.ds(ebase + (w * W + j) * CHUNK, CHUNK),
                      pl.ds(c * DH, DH)],
                ef_b, sem_eb).wait()

        def _diff_scat(j, h_b, ef_b, val_b, sem_sb):
            def _diff(r4, carry3):
                for u in range(4):
                    r = r4 * 4 + u
                    for k in range(DH // 16):
                        sl = pl.ds(16 * k, 16)
                        val_b[r, sl] = h_b[r, sl] - ef_b[r, sl]
                return carry3
            lax.fori_loop(0, CHUNK // 4, _diff, 0)
            return pltpu.async_copy(val_b, table.at[dstv.at[j]], sem_sb,
                                    add=True)

        _fetch(0, h_0, ef_0, sem_h0, sem_e0)

        def _pair(q, carry2):
            j0 = 2 * q
            j1 = 2 * q + 1
            c0 = pltpu.async_copy(ones_v, cnt.at[dstv.at[j0]], sem_c0,
                                  add=True)
            _fetch(j1, h_1, ef_1, sem_h1, sem_e1)
            _wait_fetch(j0, h_0, ef_0, sem_h0, sem_e0)
            s0 = _diff_scat(j0, h_0, ef_0, val_0, sem_s0)
            @pl.when(q < W // 2 - 1)
            def _():
                _fetch(j0 + 2, h_0, ef_0, sem_h0, sem_e0)
            c1 = pltpu.async_copy(ones_v, cnt.at[dstv.at[j1]], sem_c1,
                                  add=True)
            _wait_fetch(j1, h_1, ef_1, sem_h1, sem_e1)
            s0.wait()
            c0.wait()
            s1 = _diff_scat(j1, h_1, ef_1, val_1, sem_s1)
            s1.wait()
            c1.wait()
            return carry2
        lax.fori_loop(0, W // 2, _pair, 0)
        return carry
    lax.fori_loop(0, NW, _window, 0)

    plsc.subcore_barrier()
    pltpu.sync_copy(table.at[pl.ds(zrow, RPT)], out_s.at[c, pl.ds(zrow, RPT)])
    pltpu.sync_copy(cnt.at[pl.ds(zrow, RPT)], out_c.at[c, pl.ds(zrow, RPT)])


def _sc_seg(hcat, ef, src3, dst3, fwd3):
    mesh = plsc.VectorSubcoreMesh(core_axis_name="c", subcore_axis_name="s")
    f = functools.partial(
        pl.kernel,
        mesh=mesh,
        compiler_params=pltpu.CompilerParams(use_tc_tiling_on_sc=False),
        out_type=[
            jax.ShapeDtypeStruct((NC, TROWS, DH), jnp.float32),
            jax.ShapeDtypeStruct((NC, TROWS), jnp.float32),
        ],
        scratch_types=[
            pltpu.VMEM((W, CHUNK), jnp.int32),
            pltpu.VMEM((W, CHUNK), jnp.int32),
            pltpu.VMEM((W, CHUNK), jnp.int32),
            pltpu.VMEM((CHUNK, DH), jnp.float32),
            pltpu.VMEM((CHUNK, DH), jnp.float32),
            pltpu.VMEM((CHUNK, DH), jnp.float32),
            pltpu.VMEM((CHUNK, DH), jnp.float32),
            pltpu.VMEM((CHUNK, DH), jnp.float32),
            pltpu.VMEM((CHUNK, DH), jnp.float32),
            pltpu.VMEM((CHUNK,), jnp.float32),
            pltpu.VMEM((CHUNK,), jnp.float32),
            pltpu.VMEM_SHARED((TROWS, DH), jnp.float32),
            pltpu.VMEM_SHARED((TROWS,), jnp.float32),
            pltpu.SemaphoreType.DMA,
            pltpu.SemaphoreType.DMA,
            pltpu.SemaphoreType.DMA,
            pltpu.SemaphoreType.DMA,
            pltpu.SemaphoreType.DMA,
            pltpu.SemaphoreType.DMA,
            pltpu.SemaphoreType.DMA,
            pltpu.SemaphoreType.DMA,
        ],
    )(_sc_seg_body)
    return f(hcat, ef, src3, dst3, fwd3)


def _n_assemble_body(sf, sr, cf, cr, wit, wot, bi, bo, o):
    acc = jnp.dot(sf[0], wit[:DH, :], preferred_element_type=jnp.float32)
    acc = acc + jnp.dot(sf[1], wit[DH:, :], preferred_element_type=jnp.float32)
    acc = acc + jnp.dot(sr[0], wot[:DH, :], preferred_element_type=jnp.float32)
    acc = acc + jnp.dot(sr[1], wot[DH:, :], preferred_element_type=jnp.float32)
    o[...] = acc + cf[0] * bi[...] + cr[0] * bo[...]


def _n_assemble(S, C3, wit, wot, bi, bo, interpret=False):
    R = 1000
    nfb = N_DST // R
    grid = (N_DST // R,)
    return pl.pallas_call(
        _n_assemble_body,
        grid=grid,
        in_specs=[
            pl.BlockSpec((NC, R, DH), lambda i: (0, i + nfb, 0)),
            pl.BlockSpec((NC, R, DH), lambda i: (0, i, 0)),
            pl.BlockSpec((NC, R, 1), lambda i: (0, i + nfb, 0)),
            pl.BlockSpec((NC, R, 1), lambda i: (0, i, 0)),
            pl.BlockSpec((D, D), lambda i: (0, 0)),
            pl.BlockSpec((D, D), lambda i: (0, 0)),
            pl.BlockSpec((1, D), lambda i: (0, 0)),
            pl.BlockSpec((1, D), lambda i: (0, 0)),
        ],
        out_specs=pl.BlockSpec((R, D), lambda i: (i, 0)),
        out_shape=jax.ShapeDtypeStruct((N_DST, D), jnp.float32),
        interpret=interpret,
    )(S, S, C3, C3, wit, wot, bi, bo)


def _e_out_body(x, w, b, o):
    o[...] = jnp.dot(x[...], w[...], preferred_element_type=jnp.float32) + b[...]


def _e_out(ef, wrt, br, interpret=False):
    BE = 2000
    return pl.pallas_call(
        _e_out_body,
        grid=(E // BE,),
        in_specs=[
            pl.BlockSpec((BE, D), lambda i: (i, 0)),
            pl.BlockSpec((D, D), lambda i: (0, 0)),
            pl.BlockSpec((1, D), lambda i: (0, 0)),
        ],
        out_specs=pl.BlockSpec((BE, D), lambda i: (i, 0)),
        out_shape=jax.ShapeDtypeStruct((E, D), jnp.float32),
        interpret=interpret,
    )(ef, wrt, br)


def kernel(h_src, h_dst, edge_feat, edge_index, forward_mask, reverse_mask,
           WI, bI, WO, bO, WR, bR):
    fwd = forward_mask.astype(jnp.int32)
    hcat = jnp.concatenate([h_src[:, :DH], h_src[:, DH:]], axis=0)
    src3 = edge_index[0].reshape(NS, NCH, CHUNK)
    dst3 = edge_index[1].reshape(NS, NCH, CHUNK)
    fwd3 = fwd.reshape(NS, NCH, CHUNK)

    S, C = _sc_seg(hcat, edge_feat, src3, dst3, fwd3)
    C3 = C.reshape(NC, TROWS, 1)
    n_out = _n_assemble(S, C3, WI.T, WO.T,
                        bI.reshape(1, D), bO.reshape(1, D))
    e_out = _e_out(edge_feat, WR.T, bR.reshape(1, D))
    return (n_out, e_out)

# --- scband reference (transcript-rebuilt; emitter-appended) ---
"""Pipeline reference for scband-sageconv-14422500180562 (READ-ONLY COPY).

The authoritative reference and input builder live on the scoring server;
editing this copy changes nothing except your own understanding.
"""

import jax
import jax.numpy as jnp
import numpy as np

N_SRC = 10000
N_DST = 10000
E = 320000
D_IN = 128
D_OUT = 128


def setup_inputs(seed: int = 0) -> dict:
    key = jax.random.key(seed)
    ks = jax.random.split(key, 12)
    h_src = jax.random.normal(ks[0], (N_SRC, D_IN), dtype=jnp.float32)
    h_dst = jax.random.normal(ks[1], (N_DST, D_IN), dtype=jnp.float32)
    edge_feat = jax.random.normal(ks[2], (E, D_IN), dtype=jnp.float32)
    edge_index = jax.random.randint(ks[3], (2, E), 0, N_SRC, dtype=jnp.int32)
    forward_mask = jax.random.randint(ks[4], (E,), 0, 2, dtype=jnp.int32) > 0
    reverse_mask = jnp.logical_not(forward_mask)
    s = 1.0 / np.sqrt(D_IN)
    WI = jax.random.uniform(ks[5], (D_OUT, D_IN), dtype=jnp.float32, minval=-s, maxval=s)
    bI = jax.random.uniform(ks[6], (D_OUT,), dtype=jnp.float32, minval=-s, maxval=s)
    WO = jax.random.uniform(ks[7], (D_OUT, D_IN), dtype=jnp.float32, minval=-s, maxval=s)
    bO = jax.random.uniform(ks[8], (D_OUT,), dtype=jnp.float32, minval=-s, maxval=s)
    WR = jax.random.uniform(ks[9], (D_OUT, D_IN), dtype=jnp.float32, minval=-s, maxval=s)
    bR = jax.random.uniform(ks[10], (D_OUT,), dtype=jnp.float32, minval=-s, maxval=s)
    return {
        "h_src": h_src,
        "h_dst": h_dst,
        "edge_feat": edge_feat,
        "edge_index": edge_index,
        "forward_mask": forward_mask,
        "reverse_mask": reverse_mask,
        "WI": WI, "bI": bI,
        "WO": WO, "bO": bO,
        "WR": WR, "bR": bR,
    }


def reference(h_src, h_dst, edge_feat, edge_index, forward_mask, reverse_mask,
              WI, bI, WO, bO, WR, bR):
    src = edge_index[0]
    dst = edge_index[1]
    # comp_fn == 'sub': u_sub_e -> h_src[src] - edge_feat  (edge-wise gather + sub)
    comp_h = jnp.take(h_src, src, axis=0) - edge_feat
    # linearI on forward edges, linearO on reverse edges
    comp_h_I = comp_h @ WI.T + bI
    comp_h_O = comp_h @ WO.T + bO
    # new_comp_h = zeros; reverse edges written first, forward edges overwrite
    new_comp_h = jnp.zeros((comp_h.shape[0], D_OUT), dtype=comp_h.dtype)
    new_comp_h = jnp.where(reverse_mask[:, None], comp_h_O, new_comp_h)
    new_comp_h = jnp.where(forward_mask[:, None], comp_h_I, new_comp_h)
    # update_all(copy_e, sum): scatter-add edge messages to destination nodes
    n_output = jax.ops.segment_sum(new_comp_h, dst, num_segments=N_DST)
    # linearR on edge features
    e_output = edge_feat @ WR.T + bR
    return (n_output, e_output)

if __name__ == "__main__":
    import jax
    _d = setup_inputs()
    print(jax.jit(kernel)(*tuple(_d.values())))

</pallas_src>

<mosaic_0001>
#map = affine_map<(d0, d1) -> (0, 0)>
#map1 = affine_map<(d0, d1) -> (0, 0, 0)>
module attributes {stable_mosaic.version = 14 : i64} {
  func.func @_sc_seg_body(%arg0: i32, %arg1: i32, %arg2: memref<20000x64xf32, #tpu.memory_space<hbm>>, %arg3: memref<320000x128xf32, #tpu.memory_space<hbm>>, %arg4: memref<16x250x80xi32, #tpu.memory_space<hbm>>, %arg5: memref<16x250x80xi32, #tpu.memory_space<hbm>>, %arg6: memref<16x250x80xi32, #tpu.memory_space<hbm>>, %arg7: memref<2x20480x64xf32, #tpu.memory_space<hbm>>, %arg8: memref<2x20480xf32, #tpu.memory_space<hbm>>, %arg9: memref<50x80xi32, #tpu.memory_space<vmem>>, %arg10: memref<50x80xi32, #tpu.memory_space<vmem>>, %arg11: memref<50x80xi32, #tpu.memory_space<vmem>>, %arg12: memref<80x64xf32, #tpu.memory_space<vmem>>, %arg13: memref<80x64xf32, #tpu.memory_space<vmem>>, %arg14: memref<80x64xf32, #tpu.memory_space<vmem>>, %arg15: memref<80x64xf32, #tpu.memory_space<vmem>>, %arg16: memref<80x64xf32, #tpu.memory_space<vmem>>, %arg17: memref<80x64xf32, #tpu.memory_space<vmem>>, %arg18: memref<80xf32, #tpu.memory_space<vmem>>, %arg19: memref<80xf32, #tpu.memory_space<vmem>>, %arg20: memref<20480x64xf32, #tpu.memory_space<vmem_shared>>, %arg21: memref<20480xf32, #tpu.memory_space<vmem_shared>>, %arg22: memref<!tpu.dma_semaphore, #tpu.memory_space<semaphore_mem>>, %arg23: memref<!tpu.dma_semaphore, #tpu.memory_space<semaphore_mem>>, %arg24: memref<!tpu.dma_semaphore, #tpu.memory_space<semaphore_mem>>, %arg25: memref<!tpu.dma_semaphore, #tpu.memory_space<semaphore_mem>>, %arg26: memref<!tpu.dma_semaphore, #tpu.memory_space<semaphore_mem>>, %arg27: memref<!tpu.dma_semaphore, #tpu.memory_space<semaphore_mem>>, %arg28: memref<!tpu.dma_semaphore, #tpu.memory_space<semaphore_mem>>, %arg29: memref<!tpu.dma_semaphore, #tpu.memory_space<semaphore_mem>>) attributes {dimension_semantics = [#tpu.dimension_semantics<core_parallel>, #tpu.dimension_semantics<subcore_parallel>], iteration_bounds = array<i64: 2, 16>, scalar_prefetch = 0 : i64, scratch_operands = 21 : i64, tpu.core_type = #tpu.core_type<sc_vector_subcore>, window_params = [{transform_indices = #map}, {transform_indices = #map}, {transform_indices = #map1}, {transform_indices = #map1}, {transform_indices = #map1}, {transform_indices = #map1}, {transform_indices = #map}]} {
    %mul3A = arith.constant 20000 : i32
    %mul3A_0 = arith.muli %arg1, %mul3A : i32
    %broadcast_in_dim3A = arith.constant 1.000000e+00 : f32
    %broadcast_in_dim3A_1 = vector.broadcast %broadcast_in_dim3A : f32 to vector<16xf32>
    %swap3A = arith.constant 0 : index
    %swap3A_2 = tpu.vector_load %arg18[%swap3A] {strides = array<i32>} : memref<80xf32, #tpu.memory_space<vmem>>, vector<16xf32>,
    %swap3A_3 = vector.shape_cast %swap3A_2 : vector<16xf32> to vector<16xf32>
    %swap3A_4 = vector.shape_cast %broadcast_in_dim3A_1 : vector<16xf32> to vector<16xf32>
    tpu.vector_store %arg18[%swap3A], %swap3A_4 {strides = array<i32>} : memref<80xf32, #tpu.memory_space<vmem>>, vector<16xf32>,
    %broadcast_in_dim3A_5 = arith.constant 0.000000e+00 : f32
    %broadcast_in_dim3A_6 = vector.broadcast %broadcast_in_dim3A_5 : f32 to vector<16xf32>
    %swap3A_7 = arith.constant 0 : index
    %swap3A_8 = tpu.vector_load %arg19[%swap3A_7] {strides = array<i32>} : memref<80xf32, #tpu.memory_space<vmem>>, vector<16xf32>,
    %swap3A_9 = vector.shape_cast %swap3A_8 : vector<16xf32> to vector<16xf32>
    %swap3A_10 = vector.shape_cast %broadcast_in_dim3A_6 : vector<16xf32> to vector<16xf32>
    tpu.vector_store %arg19[%swap3A_7], %swap3A_10 {strides = array<i32>} : memref<80xf32, #tpu.memory_space<vmem>>, vector<16xf32>,
    %broadcast_in_dim3A_11 = arith.constant 1.000000e+00 : f32
    %broadcast_in_dim3A_12 = vector.broadcast %broadcast_in_dim3A_11 : f32 to vector<16xf32>
    %swap3A_13 = arith.constant 16 : index
    %swap3A_14 = tpu.vector_load %arg18[%swap3A_13] {strides = array<i32>} : memref<80xf32, #tpu.memory_space<vmem>>, vector<16xf32>,
    %swap3A_15 = vector.shape_cast %swap3A_14 : vector<16xf32> to vector<16xf32>
    %swap3A_16 = vector.shape_cast %broadcast_in_dim3A_12 : vector<16xf32> to vector<16xf32>
    tpu.vector_store %arg18[%swap3A_13], %swap3A_16 {strides = array<i32>} : memref<80xf32, #tpu.memory_space<vmem>>, vector<16xf32>,
    %broadcast_in_dim3A_17 = arith.constant 0.000000e+00 : f32
    %broadcast_in_dim3A_18 = vector.broadcast %broadcast_in_dim3A_17 : f32 to vector<16xf32>
    %swap3A_19 = arith.constant 16 : index
    %swap3A_20 = tpu.vector_load %arg19[%swap3A_19] {strides = array<i32>} : memref<80xf32, #tpu.memory_space<vmem>>, vector<16xf32>,
    %swap3A_21 = vector.shape_cast %swap3A_20 : vector<16xf32> to vector<16xf32>
    %swap3A_22 = vector.shape_cast %broadcast_in_dim3A_18 : vector<16xf32> to vector<16xf32>
    tpu.vector_store %arg19[%swap3A_19], %swap3A_22 {strides = array<i32>} : memref<80xf32, #tpu.memory_space<vmem>>, vector<16xf32>,
    %broadcast_in_dim3A_23 = arith.constant 1.000000e+00 : f32
    %broadcast_in_dim3A_24 = vector.broadcast %broadcast_in_dim3A_23 : f32 to vector<16xf32>
    %swap3A_25 = arith.constant 32 : index
    %swap3A_26 = tpu.vector_load %arg18[%swap3A_25] {strides = array<i32>} : memref<80xf32, #tpu.memory_space<vmem>>, vector<16xf32>,
    %swap3A_27 = vector.shape_cast %swap3A_26 : vector<16xf32> to vector<16xf32>
    %swap3A_28 = vector.shape_cast %broadcast_in_dim3A_24 : vector<16xf32> to vector<16xf32>
    tpu.vector_store %arg18[%swap3A_25], %swap3A_28 {strides = array<i32>} : memref<80xf32, #tpu.memory_space<vmem>>, vector<16xf32>,
    %broadcast_in_dim3A_29 = arith.constant 0.000000e+00 : f32
    %broadcast_in_dim3A_30 = vector.broadcast %broadcast_in_dim3A_29 : f32 to vector<16xf32>
    %swap3A_31 = arith.constant 32 : index
    %swap3A_32 = tpu.vector_load %arg19[%swap3A_31] {strides = array<i32>} : memref<80xf32, #tpu.memory_space<vmem>>, vector<16xf32>,
    %swap3A_33 = vector.shape_cast %swap3A_32 : vector<16xf32> to vector<16xf32>
    %swap3A_34 = vector.shape_cast %broadcast_in_dim3A_30 : vector<16xf32> to vector<16xf32>
    tpu.vector_store %arg19[%swap3A_31], %swap3A_34 {strides = array<i32>} : memref<80xf32, #tpu.memory_space<vmem>>, vector<16xf32>,
    %broadcast_in_dim3A_35 = arith.constant 1.000000e+00 : f32
    %broadcast_in_dim3A_36 = vector.broadcast %broadcast_in_dim3A_35 : f32 to vector<16xf32>
    %swap3A_37 = arith.constant 48 : index
    %swap3A_38 = tpu.vector_load %arg18[%swap3A_37] {strides = array<i32>} : memref<80xf32, #tpu.memory_space<vmem>>, vector<16xf32>,
    %swap3A_39 = vector.shape_cast %swap3A_38 : vector<16xf32> to vector<16xf32>
    %swap3A_40 = vector.shape_cast %broadcast_in_dim3A_36 : vector<16xf32> to vector<16xf32>
    tpu.vector_store %arg18[%swap3A_37], %swap3A_40 {strides = array<i32>} : memref<80xf32, #tpu.memory_space<vmem>>, vector<16xf32>,
    %broadcast_in_dim3A_41 = arith.constant 0.000000e+00 : f32
    %broadcast_in_dim3A_42 = vector.broadcast %broadcast_in_dim3A_41 : f32 to vector<16xf32>
    %swap3A_43 = arith.constant 48 : index
    %swap3A_44 = tpu.vector_load %arg19[%swap3A_43] {strides = array<i32>} : memref<80xf32, #tpu.memory_space<vmem>>, vector<16xf32>,
    %swap3A_45 = vector.shape_cast %swap3A_44 : vector<16xf32> to vector<16xf32>
    %swap3A_46 = vector.shape_cast %broadcast_in_dim3A_42 : vector<16xf32> to vector<16xf32>
    tpu.vector_store %arg19[%swap3A_43], %swap3A_46 {strides = array<i32>} : memref<80xf32, #tpu.memory_space<vmem>>, vector<16xf32>,
    %broadcast_in_dim3A_47 = arith.constant 1.000000e+00 : f32
    %broadcast_in_dim3A_48 = vector.broadcast %broadcast_in_dim3A_47 : f32 to vector<16xf32>
    %swap3A_49 = arith.constant 64 : index
    %swap3A_50 = tpu.vector_load %arg18[%swap3A_49] {strides = array<i32>} : memref<80xf32, #tpu.memory_space<vmem>>, vector<16xf32>,
    %swap3A_51 = vector.shape_cast %swap3A_50 : vector<16xf32> to vector<16xf32>
    %swap3A_52 = vector.shape_cast %broadcast_in_dim3A_48 : vector<16xf32> to vector<16xf32>
    tpu.vector_store %arg18[%swap3A_49], %swap3A_52 {strides = array<i32>} : memref<80xf32, #tpu.memory_space<vmem>>, vector<16xf32>,
    %broadcast_in_dim3A_53 = arith.constant 0.000000e+00 : f32
    %broadcast_in_dim3A_54 = vector.broadcast %broadcast_in_dim3A_53 : f32 to vector<16xf32>
    %swap3A_55 = arith.constant 64 : index
    %swap3A_56 = tpu.vector_load %arg19[%swap3A_55] {strides = array<i32>} : memref<80xf32, #tpu.memory_space<vmem>>, vector<16xf32>,
    %swap3A_57 = vector.shape_cast %swap3A_56 : vector<16xf32> to vector<16xf32>
    %swap3A_58 = vector.shape_cast %broadcast_in_dim3A_54 : vector<16xf32> to vector<16xf32>
    tpu.vector_store %arg19[%swap3A_55], %swap3A_58 {strides = array<i32>} : memref<80xf32, #tpu.memory_space<vmem>>, vector<16xf32>,
    %scan3A = arith.constant 0 : i32
    %scan3A_59 = arith.constant 0 : i32
    %scan3A_60 = arith.constant 80 : i32
    %scan3A_61 = arith.addi %scan3A_59, %scan3A_60 : i32
    %scan3A_62 = arith.constant 1 : i32
    scf.for %scan3A_136 = %scan3A_59 to %scan3A_61 step %scan3A_62  : i32 {
      %broadcast_in_dim3A_137 = arith.constant 0.000000e+00 : f32
      %broadcast_in_dim3A_138 = vector.broadcast %broadcast_in_dim3A_137 : f32 to vector<16xf32>
      %swap3A_139 = arith.index_cast %scan3A_136 : i32 to index
      %swap3A_140 = arith.constant 0 : index
      %swap3A_141 = tpu.vector_load %arg14[%swap3A_139, %swap3A_140] {strides = array<i32>} : memref<80x64xf32, #tpu.memory_space<vmem>>, vector<1x16xf32>,
      %swap3A_142 = vector.shape_cast %swap3A_141 : vector<1x16xf32> to vector<16xf32>
      %swap3A_143 = vector.shape_cast %broadcast_in_dim3A_138 : vector<16xf32> to vector<1x16xf32>
      tpu.vector_store %arg14[%swap3A_139, %swap3A_140], %swap3A_143 {strides = array<i32>} : memref<80x64xf32, #tpu.memory_space<vmem>>, vector<1x16xf32>,
      %broadcast_in_dim3A_144 = arith.constant 0.000000e+00 : f32
      %broadcast_in_dim3A_145 = vector.broadcast %broadcast_in_dim3A_144 : f32 to vector<16xf32>
      %swap3A_146 = arith.index_cast %scan3A_136 : i32 to index
      %swap3A_147 = arith.constant 16 : index
      %swap3A_148 = tpu.vector_load %arg14[%swap3A_146, %swap3A_147] {strides = array<i32>} : memref<80x64xf32, #tpu.memory_space<vmem>>, vector<1x16xf32>,
      %swap3A_149 = vector.shape_cast %swap3A_148 : vector<1x16xf32> to vector<16xf32>
      %swap3A_150 = vector.shape_cast %broadcast_in_dim3A_145 : vector<16xf32> to vector<1x16xf32>
      tpu.vector_store %arg14[%swap3A_146, %swap3A_147], %swap3A_150 {strides = array<i32>} : memref<80x64xf32, #tpu.memory_space<vmem>>, vector<1x16xf32>,
      %broadcast_in_dim3A_151 = arith.constant 0.000000e+00 : f32
      %broadcast_in_dim3A_152 = vector.broadcast %broadcast_in_dim3A_151 : f32 to vector<16xf32>
      %swap3A_153 = arith.index_cast %scan3A_136 : i32 to index
      %swap3A_154 = arith.constant 32 : index
      %swap3A_155 = tpu.vector_load %arg14[%swap3A_153, %swap3A_154] {strides = array<i32>} : memref<80x64xf32, #tpu.memory_space<vmem>>, vector<1x16xf32>,
      %swap3A_156 = vector.shape_cast %swap3A_155 : vector<1x16xf32> to vector<16xf32>
      %swap3A_157 = vector.shape_cast %broadcast_in_dim3A_152 : vector<16xf32> to vector<1x16xf32>
      tpu.vector_store %arg14[%swap3A_153, %swap3A_154], %swap3A_157 {strides = array<i32>} : memref<80x64xf32, #tpu.memory_space<vmem>>, vector<1x16xf32>,
      %broadcast_in_dim3A_158 = arith.constant 0.000000e+00 : f32
      %broadcast_in_dim3A_159 = vector.broadcast %broadcast_in_dim3A_158 : f32 to vector<16xf32>
      %swap3A_160 = arith.index_cast %scan3A_136 : i32 to index
      %swap3A_161 = arith.constant 48 : index
      %swap3A_162 = tpu.vector_load %arg14[%swap3A_160, %swap3A_161] {strides = array<i32>} : memref<80x64xf32, #tpu.memory_space<vmem>>, vector<1x16xf32>,
      %swap3A_163 = vector.shape_cast %swap3A_162 : vector<1x16xf32> to vector<16xf32>
      %swap3A_164 = vector.shape_cast %broadcast_in_dim3A_159 : vector<16xf32> to vector<1x16xf32>
      tpu.vector_store %arg14[%swap3A_160, %swap3A_161], %swap3A_164 {strides = array<i32>} : memref<80x64xf32, #tpu.memory_space<vmem>>, vector<1x16xf32>,
    }
    %scan3A_63 = arith.constant 80 : i32
    %mul3A_64 = arith.constant 1280 : i32
    %mul3A_65 = arith.muli %arg1, %mul3A_64 : i32
    %add3A = arith.constant 0 : i32
    %add3A_66 = arith.addi %mul3A_65, %add3A : i32
    "tpu.region"() ({
      %run_scoped3A = tpu.sem_alloc : memref<!tpu.dma_semaphore, #tpu.memory_space<semaphore_mem>>
      %dma_start3A = arith.constant 0 : i32
      %dma_start3A_136 = tpu.memref_slice %arg20[%add3A_66, %dma_start3A] : memref<20480x64xf32, #tpu.memory_space<vmem_shared>> -> memref<80x64xf32, #tpu.memory_space<vmem_shared>>
      %dma_start3A_137 = arith.constant 0 : i32
      %dma_start3A_138 = tpu.memref_slice %arg20[%add3A_66, %dma_start3A_137] : memref<20480x64xf32, #tpu.memory_space<vmem_shared>> -> memref<80x64xf32, #tpu.memory_space<vmem_shared>>
      tpu.enqueue_dma source(%arg14 : memref<80x64xf32, #tpu.memory_space<vmem>>) target(%dma_start3A_138 : memref<80x64xf32, #tpu.memory_space<vmem_shared>>) target_semaphore(%run_scoped3A : memref<!tpu.dma_semaphore, #tpu.memory_space<semaphore_mem>>)
      %dma_wait3A = arith.constant 0 : i32
      %dma_wait3A_139 = tpu.memref_slice %arg20[%add3A_66, %dma_wait3A] : memref<20480x64xf32, #tpu.memory_space<vmem_shared>> -> memref<80x64xf32, #tpu.memory_space<vmem_shared>>
      %dma_wait3A_140 = arith.constant 0 : i32
      %dma_wait3A_141 = tpu.memref_slice %arg20[%add3A_66, %dma_wait3A_140] : memref<20480x64xf32, #tpu.memory_space<vmem_shared>> -> memref<80x64xf32, #tpu.memory_space<vmem_shared>>
      tpu.wait_dma2 semaphore(%run_scoped3A : memref<!tpu.dma_semaphore, #tpu.memory_space<semaphore_mem>>) src(%arg14 : memref<80x64xf32, #tpu.memory_space<vmem>>) dst(%dma_wait3A_141 : memref<80x64xf32, #tpu.memory_space<vmem_shared>>)
      tpu.yield
    }) : () -> ()
    %add3A_67 = arith.constant 0 : i32
    %add3A_68 = arith.addi %mul3A_65, %add3A_67 : i32
    "tpu.region"() ({
      %run_scoped3A = tpu.sem_alloc : memref<!tpu.dma_semaphore, #tpu.memory_space<semaphore_mem>>
      %dma_start3A = tpu.memref_slice %arg21[%add3A_68] : memref<20480xf32, #tpu.memory_space<vmem_shared>> -> memref<80xf32, #tpu.memory_space<vmem_shared>>
      %dma_start3A_136 = tpu.memref_slice %arg21[%add3A_68] : memref<20480xf32, #tpu.memory_space<vmem_shared>> -> memref<80xf32, #tpu.memory_space<vmem_shared>>
      tpu.enqueue_dma source(%arg19 : memref<80xf32, #tpu.memory_space<vmem>>) target(%dma_start3A_136 : memref<80xf32, #tpu.memory_space<vmem_shared>>) target_semaphore(%run_scoped3A : memref<!tpu.dma_semaphore, #tpu.memory_space<semaphore_mem>>)
      %dma_wait3A = tpu.memref_slice %arg21[%add3A_68] : memref<20480xf32, #tpu.memory_space<vmem_shared>> -> memref<80xf32, #tpu.memory_space<vmem_shared>>
      %dma_wait3A_137 = tpu.memref_slice %arg21[%add3A_68] : memref<20480xf32, #tpu.memory_space<vmem_shared>> -> memref<80xf32, #tpu.memory_space<vmem_shared>>
      tpu.wait_dma2 semaphore(%run_scoped3A : memref<!tpu.dma_semaphore, #tpu.memory_space<semaphore_mem>>) src(%arg19 : memref<80xf32, #tpu.memory_space<vmem>>) dst(%dma_wait3A_137 : memref<80xf32, #tpu.memory_space<vmem_shared>>)
      tpu.yield
    }) : () -> ()
    %add3A_69 = arith.constant 80 : i32
    %add3A_70 = arith.addi %mul3A_65, %add3A_69 : i32
    "tpu.region"() ({
      %run_scoped3A = tpu.sem_alloc : memref<!tpu.dma_semaphore, #tpu.memory_space<semaphore_mem>>
      %dma_start3A = arith.constant 0 : i32
      %dma_start3A_136 = tpu.memref_slice %arg20[%add3A_70, %dma_start3A] : memref<20480x64xf32, #tpu.memory_space<vmem_shared>> -> memref<80x64xf32, #tpu.memory_space<vmem_shared>>
      %dma_start3A_137 = arith.constant 0 : i32
      %dma_start3A_138 = tpu.memref_slice %arg20[%add3A_70, %dma_start3A_137] : memref<20480x64xf32, #tpu.memory_space<vmem_shared>> -> memref<80x64xf32, #tpu.memory_space<vmem_shared>>
      tpu.enqueue_dma source(%arg14 : memref<80x64xf32, #tpu.memory_space<vmem>>) target(%dma_start3A_138 : memref<80x64xf32, #tpu.memory_space<vmem_shared>>) target_semaphore(%run_scoped3A : memref<!tpu.dma_semaphore, #tpu.memory_space<semaphore_mem>>)
      %dma_wait3A = arith.constant 0 : i32
      %dma_wait3A_139 = tpu.memref_slice %arg20[%add3A_70, %dma_wait3A] : memref<20480x64xf32, #tpu.memory_space<vmem_shared>> -> memref<80x64xf32, #tpu.memory_space<vmem_shared>>
      %dma_wait3A_140 = arith.constant 0 : i32
      %dma_wait3A_141 = tpu.memref_slice %arg20[%add3A_70, %dma_wait3A_140] : memref<20480x64xf32, #tpu.memory_space<vmem_shared>> -> memref<80x64xf32, #tpu.memory_space<vmem_shared>>
      tpu.wait_dma2 semaphore(%run_scoped3A : memref<!tpu.dma_semaphore, #tpu.memory_space<semaphore_mem>>) src(%arg14 : memref<80x64xf32, #tpu.memory_space<vmem>>) dst(%dma_wait3A_141 : memref<80x64xf32, #tpu.memory_space<vmem_shared>>)
      tpu.yield
    }) : () -> ()
    %add3A_71 = arith.constant 80 : i32
    %add3A_72 = arith.addi %mul3A_65, %add3A_71 : i32
    "tpu.region"() ({
      %run_scoped3A = tpu.sem_alloc : memref<!tpu.dma_semaphore, #tpu.memory_space<semaphore_mem>>
      %dma_start3A = tpu.memref_slice %arg21[%add3A_72] : memref<20480xf32, #tpu.memory_space<vmem_shared>> -> memref<80xf32, #tpu.memory_space<vmem_shared>>
      %dma_start3A_136 = tpu.memref_slice %arg21[%add3A_72] : memref<20480xf32, #tpu.memory_space<vmem_shared>> -> memref<80xf32, #tpu.memory_space<vmem_shared>>
      tpu.enqueue_dma source(%arg19 : memref<80xf32, #tpu.memory_space<vmem>>) target(%dma_start3A_136 : memref<80xf32, #tpu.memory_space<vmem_shared>>) target_semaphore(%run_scoped3A : memref<!tpu.dma_semaphore, #tpu.memory_space<semaphore_mem>>)
      %dma_wait3A = tpu.memref_slice %arg21[%add3A_72] : memref<20480xf32, #tpu.memory_space<vmem_shared>> -> memref<80xf32, #tpu.memory_space<vmem_shared>>
      %dma_wait3A_137 = tpu.memref_slice %arg21[%add3A_72] : memref<20480xf32, #tpu.memory_space<vmem_shared>> -> memref<80xf32, #tpu.memory_space<vmem_shared>>
      tpu.wait_dma2 semaphore(%run_scoped3A : memref<!tpu.dma_semaphore, #tpu.memory_space<semaphore_mem>>) src(%arg19 : memref<80xf32, #tpu.memory_space<vmem>>) dst(%dma_wait3A_137 : memref<80xf32, #tpu.memory_space<vmem_shared>>)
      tpu.yield
    }) : () -> ()
    %add3A_73 = arith.constant 160 : i32
    %add3A_74 = arith.addi %mul3A_65, %add3A_73 : i32
    "tpu.region"() ({
      %run_scoped3A = tpu.sem_alloc : memref<!tpu.dma_semaphore, #tpu.memory_space<semaphore_mem>>
      %dma_start3A = arith.constant 0 : i32
      %dma_start3A_136 = tpu.memref_slice %arg20[%add3A_74, %dma_start3A] : memref<20480x64xf32, #tpu.memory_space<vmem_shared>> -> memref<80x64xf32, #tpu.memory_space<vmem_shared>>
      %dma_start3A_137 = arith.constant 0 : i32
      %dma_start3A_138 = tpu.memref_slice %arg20[%add3A_74, %dma_start3A_137] : memref<20480x64xf32, #tpu.memory_space<vmem_shared>> -> memref<80x64xf32, #tpu.memory_space<vmem_shared>>
      tpu.enqueue_dma source(%arg14 : memref<80x64xf32, #tpu.memory_space<vmem>>) target(%dma_start3A_138 : memref<80x64xf32, #tpu.memory_space<vmem_shared>>) target_semaphore(%run_scoped3A : memref<!tpu.dma_semaphore, #tpu.memory_space<semaphore_mem>>)
      %dma_wait3A = arith.constant 0 : i32
      %dma_wait3A_139 = tpu.memref_slice %arg20[%add3A_74, %dma_wait3A] : memref<20480x64xf32, #tpu.memory_space<vmem_shared>> -> memref<80x64xf32, #tpu.memory_space<vmem_shared>>
      %dma_wait3A_140 = arith.constant 0 : i32
      %dma_wait3A_141 = tpu.memref_slice %arg20[%add3A_74, %dma_wait3A_140] : memref<20480x64xf32, #tpu.memory_space<vmem_shared>> -> memref<80x64xf32, #tpu.memory_space<vmem_shared>>
      tpu.wait_dma2 semaphore(%run_scoped3A : memref<!tpu.dma_semaphore, #tpu.memory_space<semaphore_mem>>) src(%arg14 : memref<80x64xf32, #tpu.memory_space<vmem>>) dst(%dma_wait3A_141 : memref<80x64xf32, #tpu.memory_space<vmem_shared>>)
      tpu.yield
    }) : () -> ()
    %add3A_75 = arith.constant 160 : i32
    %add3A_76 = arith.addi %mul3A_65, %add3A_75 : i32
    "tpu.region"() ({
      %run_scoped3A = tpu.sem_alloc : memref<!tpu.dma_semaphore, #tpu.memory_space<semaphore_mem>>
      %dma_start3A = tpu.memref_slice %arg21[%add3A_76] : memref<20480xf32, #tpu.memory_space<vmem_shared>> -> memref<80xf32, #tpu.memory_space<vmem_shared>>
      %dma_start3A_136 = tpu.memref_slice %arg21[%add3A_76] : memref<20480xf32, #tpu.memory_space<vmem_shared>> -> memref<80xf32, #tpu.memory_space<vmem_shared>>
      tpu.enqueue_dma source(%arg19 : memref<80xf32, #tpu.memory_space<vmem>>) target(%dma_start3A_136 : memref<80xf32, #tpu.memory_space<vmem_shared>>) target_semaphore(%run_scoped3A : memref<!tpu.dma_semaphore, #tpu.memory_space<semaphore_mem>>)
      %dma_wait3A = tpu.memref_slice %arg21[%add3A_76] : memref<20480xf32, #tpu.memory_space<vmem_shared>> -> memref<80xf32, #tpu.memory_space<vmem_shared>>
      %dma_wait3A_137 = tpu.memref_slice %arg21[%add3A_76] : memref<20480xf32, #tpu.memory_space<vmem_shared>> -> memref<80xf32, #tpu.memory_space<vmem_shared>>
      tpu.wait_dma2 semaphore(%run_scoped3A : memref<!tpu.dma_semaphore, #tpu.memory_space<semaphore_mem>>) src(%arg19 : memref<80xf32, #tpu.memory_space<vmem>>) dst(%dma_wait3A_137 : memref<80xf32, #tpu.memory_space<vmem_shared>>)
      tpu.yield
    }) : () -> ()
    %add3A_77 = arith.constant 240 : i32
    %add3A_78 = arith.addi %mul3A_65, %add3A_77 : i32
    "tpu.region"() ({
      %run_scoped3A = tpu.sem_alloc : memref<!tpu.dma_semaphore, #tpu.memory_space<semaphore_mem>>
      %dma_start3A = arith.constant 0 : i32
      %dma_start3A_136 = tpu.memref_slice %arg20[%add3A_78, %dma_start3A] : memref<20480x64xf32, #tpu.memory_space<vmem_shared>> -> memref<80x64xf32, #tpu.memory_space<vmem_shared>>
      %dma_start3A_137 = arith.constant 0 : i32
      %dma_start3A_138 = tpu.memref_slice %arg20[%add3A_78, %dma_start3A_137] : memref<20480x64xf32, #tpu.memory_space<vmem_shared>> -> memref<80x64xf32, #tpu.memory_space<vmem_shared>>
      tpu.enqueue_dma source(%arg14 : memref<80x64xf32, #tpu.memory_space<vmem>>) target(%dma_start3A_138 : memref<80x64xf32, #tpu.memory_space<vmem_shared>>) target_semaphore(%run_scoped3A : memref<!tpu.dma_semaphore, #tpu.memory_space<semaphore_mem>>)
      %dma_wait3A = arith.constant 0 : i32
      %dma_wait3A_139 = tpu.memref_slice %arg20[%add3A_78, %dma_wait3A] : memref<20480x64xf32, #tpu.memory_space<vmem_shared>> -> memref<80x64xf32, #tpu.memory_space<vmem_shared>>
      %dma_wait3A_140 = arith.constant 0 : i32
      %dma_wait3A_141 = tpu.memref_slice %arg20[%add3A_78, %dma_wait3A_140] : memref<20480x64xf32, #tpu.memory_space<vmem_shared>> -> memref<80x64xf32, #tpu.memory_space<vmem_shared>>
      tpu.wait_dma2 semaphore(%run_scoped3A : memref<!tpu.dma_semaphore, #tpu.memory_space<semaphore_mem>>) src(%arg14 : memref<80x64xf32, #tpu.memory_space<vmem>>) dst(%dma_wait3A_141 : memref<80x64xf32, #tpu.memory_space<vmem_shared>>)
      tpu.yield
    }) : () -> ()
    %add3A_79 = arith.constant 240 : i32
    %add3A_80 = arith.addi %mul3A_65, %add3A_79 : i32
    "tpu.region"() ({
      %run_scoped3A = tpu.sem_alloc : memref<!tpu.dma_semaphore, #tpu.memory_space<semaphore_mem>>
      %dma_start3A = tpu.memref_slice %arg21[%add3A_80] : memref<20480xf32, #tpu.memory_space<vmem_shared>> -> memref<80xf32, #tpu.memory_space<vmem_shared>>
      %dma_start3A_136 = tpu.memref_slice %arg21[%add3A_80] : memref<20480xf32, #tpu.memory_space<vmem_shared>> -> memref<80xf32, #tpu.memory_space<vmem_shared>>
      tpu.enqueue_dma source(%arg19 : memref<80xf32, #tpu.memory_space<vmem>>) target(%dma_start3A_136 : memref<80xf32, #tpu.memory_space<vmem_shared>>) target_semaphore(%run_scoped3A : memref<!tpu.dma_semaphore, #tpu.memory_space<semaphore_mem>>)
      %dma_wait3A = tpu.memref_slice %arg21[%add3A_80] : memref<20480xf32, #tpu.memory_space<vmem_shared>> -> memref<80xf32, #tpu.memory_space<vmem_shared>>
      %dma_wait3A_137 = tpu.memref_slice %arg21[%add3A_80] : memref<20480xf32, #tpu.memory_space<vmem_shared>> -> memref<80xf32, #tpu.memory_space<vmem_shared>>
      tpu.wait_dma2 semaphore(%run_scoped3A : memref<!tpu.dma_semaphore, #tpu.memory_space<semaphore_mem>>) src(%arg19 : memref<80xf32, #tpu.memory_space<vmem>>) dst(%dma_wait3A_137 : memref<80xf32, #tpu.memory_space<vmem_shared>>)
      tpu.yield
    }) : () -> ()
    %add3A_81 = arith.constant 320 : i32
    %add3A_82 = arith.addi %mul3A_65, %add3A_81 : i32
    "tpu.region"() ({
      %run_scoped3A = tpu.sem_alloc : memref<!tpu.dma_semaphore, #tpu.memory_space<semaphore_mem>>
      %dma_start3A = arith.constant 0 : i32
      %dma_start3A_136 = tpu.memref_slice %arg20[%add3A_82, %dma_start3A] : memref<20480x64xf32, #tpu.memory_space<vmem_shared>> -> memref<80x64xf32, #tpu.memory_space<vmem_shared>>
      %dma_start3A_137 = arith.constant 0 : i32
      %dma_start3A_138 = tpu.memref_slice %arg20[%add3A_82, %dma_start3A_137] : memref<20480x64xf32, #tpu.memory_space<vmem_shared>> -> memref<80x64xf32, #tpu.memory_space<vmem_shared>>
      tpu.enqueue_dma source(%arg14 : memref<80x64xf32, #tpu.memory_space<vmem>>) target(%dma_start3A_138 : memref<80x64xf32, #tpu.memory_space<vmem_shared>>) target_semaphore(%run_scoped3A : memref<!tpu.dma_semaphore, #tpu.memory_space<semaphore_mem>>)
      %dma_wait3A = arith.constant 0 : i32
      %dma_wait3A_139 = tpu.memref_slice %arg20[%add3A_82, %dma_wait3A] : memref<20480x64xf32, #tpu.memory_space<vmem_shared>> -> memref<80x64xf32, #tpu.memory_space<vmem_shared>>
      %dma_wait3A_140 = arith.constant 0 : i32
      %dma_wait3A_141 = tpu.memref_slice %arg20[%add3A_82, %dma_wait3A_140] : memref<20480x64xf32, #tpu.memory_space<vmem_shared>> -> memref<80x64xf32, #tpu.memory_space<vmem_shared>>
      tpu.wait_dma2 semaphore(%run_scoped3A : memref<!tpu.dma_semaphore, #tpu.memory_space<semaphore_mem>>) src(%arg14 : memref<80x64xf32, #tpu.memory_space<vmem>>) dst(%dma_wait3A_141 : memref<80x64xf32, #tpu.memory_space<vmem_shared>>)
      tpu.yield
    }) : () -> ()
    %add3A_83 = arith.constant 320 : i32
    %add3A_84 = arith.addi %mul3A_65, %add3A_83 : i32
    "tpu.region"() ({
      %run_scoped3A = tpu.sem_alloc : memref<!tpu.dma_semaphore, #tpu.memory_space<semaphore_mem>>
      %dma_start3A = tpu.memref_slice %arg21[%add3A_84] : memref<20480xf32, #tpu.memory_space<vmem_shared>> -> memref<80xf32, #tpu.memory_space<vmem_shared>>
      %dma_start3A_136 = tpu.memref_slice %arg21[%add3A_84] : memref<20480xf32, #tpu.memory_space<vmem_shared>> -> memref<80xf32, #tpu.memory_space<vmem_shared>>
      tpu.enqueue_dma source(%arg19 : memref<80xf32, #tpu.memory_space<vmem>>) target(%dma_start3A_136 : memref<80xf32, #tpu.memory_space<vmem_shared>>) target_semaphore(%run_scoped3A : memref<!tpu.dma_semaphore, #tpu.memory_space<semaphore_mem>>)
      %dma_wait3A = tpu.memref_slice %arg21[%add3A_84] : memref<20480xf32, #tpu.memory_space<vmem_shared>> -> memref<80xf32, #tpu.memory_space<vmem_shared>>
      %dma_wait3A_137 = tpu.memref_slice %arg21[%add3A_84] : memref<20480xf32, #tpu.memory_space<vmem_shared>> -> memref<80xf32, #tpu.memory_space<vmem_shared>>
      tpu.wait_dma2 semaphore(%run_scoped3A : memref<!tpu.dma_semaphore, #tpu.memory_space<semaphore_mem>>) src(%arg19 : memref<80xf32, #tpu.memory_space<vmem>>) dst(%dma_wait3A_137 : memref<80xf32, #tpu.memory_space<vmem_shared>>)
      tpu.yield
    }) : () -> ()
    %add3A_85 = arith.constant 400 : i32
    %add3A_86 = arith.addi %mul3A_65, %add3A_85 : i32
    "tpu.region"() ({
      %run_scoped3A = tpu.sem_alloc : memref<!tpu.dma_semaphore, #tpu.memory_space<semaphore_mem>>
      %dma_start3A = arith.constant 0 : i32
      %dma_start3A_136 = tpu.memref_slice %arg20[%add3A_86, %dma_start3A] : memref<20480x64xf32, #tpu.memory_space<vmem_shared>> -> memref<80x64xf32, #tpu.memory_space<vmem_shared>>
      %dma_start3A_137 = arith.constant 0 : i32
      %dma_start3A_138 = tpu.memref_slice %arg20[%add3A_86, %dma_start3A_137] : memref<20480x64xf32, #tpu.memory_space<vmem_shared>> -> memref<80x64xf32, #tpu.memory_space<vmem_shared>>
      tpu.enqueue_dma source(%arg14 : memref<80x64xf32, #tpu.memory_space<vmem>>) target(%dma_start3A_138 : memref<80x64xf32, #tpu.memory_space<vmem_shared>>) target_semaphore(%run_scoped3A : memref<!tpu.dma_semaphore, #tpu.memory_space<semaphore_mem>>)
      %dma_wait3A = arith.constant 0 : i32
      %dma_wait3A_139 = tpu.memref_slice %arg20[%add3A_86, %dma_wait3A] : memref<20480x64xf32, #tpu.memory_space<vmem_shared>> -> memref<80x64xf32, #tpu.memory_space<vmem_shared>>
      %dma_wait3A_140 = arith.constant 0 : i32
      %dma_wait3A_141 = tpu.memref_slice %arg20[%add3A_86, %dma_wait3A_140] : memref<20480x64xf32, #tpu.memory_space<vmem_shared>> -> memref<80x64xf32, #tpu.memory_space<vmem_shared>>
      tpu.wait_dma2 semaphore(%run_scoped3A : memref<!tpu.dma_semaphore, #tpu.memory_space<semaphore_mem>>) src(%arg14 : memref<80x64xf32, #tpu.memory_space<vmem>>) dst(%dma_wait3A_141 : memref<80x64xf32, #tpu.memory_space<vmem_shared>>)
      tpu.yield
    }) : () -> ()
    %add3A_87 = arith.constant 400 : i32
    %add3A_88 = arith.addi %mul3A_65, %add3A_87 : i32
    "tpu.region"() ({
      %run_scoped3A = tpu.sem_alloc : memref<!tpu.dma_semaphore, #tpu.memory_space<semaphore_mem>>
      %dma_start3A = tpu.memref_slice %arg21[%add3A_88] : memref<20480xf32, #tpu.memory_space<vmem_shared>> -> memref<80xf32, #tpu.memory_space<vmem_shared>>
      %dma_start3A_136 = tpu.memref_slice %arg21[%add3A_88] : memref<20480xf32, #tpu.memory_space<vmem_shared>> -> memref<80xf32, #tpu.memory_space<vmem_shared>>
      tpu.enqueue_dma source(%arg19 : memref<80xf32, #tpu.memory_space<vmem>>) target(%dma_start3A_136 : memref<80xf32, #tpu.memory_space<vmem_shared>>) target_semaphore(%run_scoped3A : memref<!tpu.dma_semaphore, #tpu.memory_space<semaphore_mem>>)
      %dma_wait3A = tpu.memref_slice %arg21[%add3A_88] : memref<20480xf32, #tpu.memory_space<vmem_shared>> -> memref<80xf32, #tpu.memory_space<vmem_shared>>
      %dma_wait3A_137 = tpu.memref_slice %arg21[%add3A_88] : memref<20480xf32, #tpu.memory_space<vmem_shared>> -> memref<80xf32, #tpu.memory_space<vmem_shared>>
      tpu.wait_dma2 semaphore(%run_scoped3A : memref<!tpu.dma_semaphore, #tpu.memory_space<semaphore_mem>>) src(%arg19 : memref<80xf32, #tpu.memory_space<vmem>>) dst(%dma_wait3A_137 : memref<80xf32, #tpu.memory_space<vmem_shared>>)
      tpu.yield
    }) : () -> ()
    %add3A_89 = arith.constant 480 : i32
    %add3A_90 = arith.addi %mul3A_65, %add3A_89 : i32
    "tpu.region"() ({
      %run_scoped3A = tpu.sem_alloc : memref<!tpu.dma_semaphore, #tpu.memory_space<semaphore_mem>>
      %dma_start3A = arith.constant 0 : i32
      %dma_start3A_136 = tpu.memref_slice %arg20[%add3A_90, %dma_start3A] : memref<20480x64xf32, #tpu.memory_space<vmem_shared>> -> memref<80x64xf32, #tpu.memory_space<vmem_shared>>
      %dma_start3A_137 = arith.constant 0 : i32
      %dma_start3A_138 = tpu.memref_slice %arg20[%add3A_90, %dma_start3A_137] : memref<20480x64xf32, #tpu.memory_space<vmem_shared>> -> memref<80x64xf32, #tpu.memory_space<vmem_shared>>
      tpu.enqueue_dma source(%arg14 : memref<80x64xf32, #tpu.memory_space<vmem>>) target(%dma_start3A_138 : memref<80x64xf32, #tpu.memory_space<vmem_shared>>) target_semaphore(%run_scoped3A : memref<!tpu.dma_semaphore, #tpu.memory_space<semaphore_mem>>)
      %dma_wait3A = arith.constant 0 : i32
      %dma_wait3A_139 = tpu.memref_slice %arg20[%add3A_90, %dma_wait3A] : memref<20480x64xf32, #tpu.memory_space<vmem_shared>> -> memref<80x64xf32, #tpu.memory_space<vmem_shared>>
      %dma_wait3A_140 = arith.constant 0 : i32
      %dma_wait3A_141 = tpu.memref_slice %arg20[%add3A_90, %dma_wait3A_140] : memref<20480x64xf32, #tpu.memory_space<vmem_shared>> -> memref<80x64xf32, #tpu.memory_space<vmem_shared>>
      tpu.wait_dma2 semaphore(%run_scoped3A : memref<!tpu.dma_semaphore, #tpu.memory_space<semaphore_mem>>) src(%arg14 : memref<80x64xf32, #tpu.memory_space<vmem>>) dst(%dma_wait3A_141 : memref<80x64xf32, #tpu.memory_space<vmem_shared>>)
      tpu.yield
    }) : () -> ()
    %add3A_91 = arith.constant 480 : i32
    %add3A_92 = arith.addi %mul3A_65, %add3A_91 : i32
    "tpu.region"() ({
      %run_scoped3A = tpu.sem_alloc : memref<!tpu.dma_semaphore, #tpu.memory_space<semaphore_mem>>
      %dma_start3A = tpu.memref_slice %arg21[%add3A_92] : memref<20480xf32, #tpu.memory_space<vmem_shared>> -> memref<80xf32, #tpu.memory_space<vmem_shared>>
      %dma_start3A_136 = tpu.memref_slice %arg21[%add3A_92] : memref<20480xf32, #tpu.memory_space<vmem_shared>> -> memref<80xf32, #tpu.memory_space<vmem_shared>>
      tpu.enqueue_dma source(%arg19 : memref<80xf32, #tpu.memory_space<vmem>>) target(%dma_start3A_136 : memref<80xf32, #tpu.memory_space<vmem_shared>>) target_semaphore(%run_scoped3A : memref<!tpu.dma_semaphore, #tpu.memory_space<semaphore_mem>>)
      %dma_wait3A = tpu.memref_slice %arg21[%add3A_92] : memref<20480xf32, #tpu.memory_space<vmem_shared>> -> memref<80xf32, #tpu.memory_space<vmem_shared>>
      %dma_wait3A_137 = tpu.memref_slice %arg21[%add3A_92] : memref<20480xf32, #tpu.memory_space<vmem_shared>> -> memref<80xf32, #tpu.memory_space<vmem_shared>>
      tpu.wait_dma2 semaphore(%run_scoped3A : memref<!tpu.dma_semaphore, #tpu.memory_space<semaphore_mem>>) src(%arg19 : memref<80xf32, #tpu.memory_space<vmem>>) dst(%dma_wait3A_137 : memref<80xf32, #tpu.memory_space<vmem_shared>>)
      tpu.yield
    }) : () -> ()
    %add3A_93 = arith.constant 560 : i32
    %add3A_94 = arith.addi %mul3A_65, %add3A_93 : i32
    "tpu.region"() ({
      %run_scoped3A = tpu.sem_alloc : memref<!tpu.dma_semaphore, #tpu.memory_space<semaphore_mem>>
      %dma_start3A = arith.constant 0 : i32
      %dma_start3A_136 = tpu.memref_slice %arg20[%add3A_94, %dma_start3A] : memref<20480x64xf32, #tpu.memory_space<vmem_shared>> -> memref<80x64xf32, #tpu.memory_space<vmem_shared>>
      %dma_start3A_137 = arith.constant 0 : i32
      %dma_start3A_138 = tpu.memref_slice %arg20[%add3A_94, %dma_start3A_137] : memref<20480x64xf32, #tpu.memory_space<vmem_shared>> -> memref<80x64xf32, #tpu.memory_space<vmem_shared>>
      tpu.enqueue_dma source(%arg14 : memref<80x64xf32, #tpu.memory_space<vmem>>) target(%dma_start3A_138 : memref<80x64xf32, #tpu.memory_space<vmem_shared>>) target_semaphore(%run_scoped3A : memref<!tpu.dma_semaphore, #tpu.memory_space<semaphore_mem>>)
      %dma_wait3A = arith.constant 0 : i32
      %dma_wait3A_139 = tpu.memref_slice %arg20[%add3A_94, %dma_wait3A] : memref<20480x64xf32, #tpu.memory_space<vmem_shared>> -> memref<80x64xf32, #tpu.memory_space<vmem_shared>>
      %dma_wait3A_140 = arith.constant 0 : i32
      %dma_wait3A_141 = tpu.memref_slice %arg20[%add3A_94, %dma_wait3A_140] : memref<20480x64xf32, #tpu.memory_space<vmem_shared>> -> memref<80x64xf32, #tpu.memory_space<vmem_shared>>
      tpu.wait_dma2 semaphore(%run_scoped3A : memref<!tpu.dma_semaphore, #tpu.memory_space<semaphore_mem>>) src(%arg14 : memref<80x64xf32, #tpu.memory_space<vmem>>) dst(%dma_wait3A_141 : memref<80x64xf32, #tpu.memory_space<vmem_shared>>)
      tpu.yield
    }) : () -> ()
    %add3A_95 = arith.constant 560 : i32
    %add3A_96 = arith.addi %mul3A_65, %add3A_95 : i32
    "tpu.region"() ({
      %run_scoped3A = tpu.sem_alloc : memref<!tpu.dma_semaphore, #tpu.memory_space<semaphore_mem>>
      %dma_start3A = tpu.memref_slice %arg21[%add3A_96] : memref<20480xf32, #tpu.memory_space<vmem_shared>> -> memref<80xf32, #tpu.memory_space<vmem_shared>>
      %dma_start3A_136 = tpu.memref_slice %arg21[%add3A_96] : memref<20480xf32, #tpu.memory_space<vmem_shared>> -> memref<80xf32, #tpu.memory_space<vmem_shared>>
      tpu.enqueue_dma source(%arg19 : memref<80xf32, #tpu.memory_space<vmem>>) target(%dma_start3A_136 : memref<80xf32, #tpu.memory_space<vmem_shared>>) target_semaphore(%run_scoped3A : memref<!tpu.dma_semaphore, #tpu.memory_space<semaphore_mem>>)
      %dma_wait3A = tpu.memref_slice %arg21[%add3A_96] : memref<20480xf32, #tpu.memory_space<vmem_shared>> -> memref<80xf32, #tpu.memory_space<vmem_shared>>
      %dma_wait3A_137 = tpu.memref_slice %arg21[%add3A_96] : memref<20480xf32, #tpu.memory_space<vmem_shared>> -> memref<80xf32, #tpu.memory_space<vmem_shared>>
      tpu.wait_dma2 semaphore(%run_scoped3A : memref<!tpu.dma_semaphore, #tpu.memory_space<semaphore_mem>>) src(%arg19 : memref<80xf32, #tpu.memory_space<vmem>>) dst(%dma_wait3A_137 : memref<80xf32, #tpu.memory_space<vmem_shared>>)
      tpu.yield
    }) : () -> ()
    %add3A_97 = arith.constant 640 : i32
    %add3A_98 = arith.addi %mul3A_65, %add3A_97 : i32
    "tpu.region"() ({
      %run_scoped3A = tpu.sem_alloc : memref<!tpu.dma_semaphore, #tpu.memory_space<semaphore_mem>>
      %dma_start3A = arith.constant 0 : i32
      %dma_start3A_136 = tpu.memref_slice %arg20[%add3A_98, %dma_start3A] : memref<20480x64xf32, #tpu.memory_space<vmem_shared>> -> memref<80x64xf32, #tpu.memory_space<vmem_shared>>
      %dma_start3A_137 = arith.constant 0 : i32
      %dma_start3A_138 = tpu.memref_slice %arg20[%add3A_98, %dma_start3A_137] : memref<20480x64xf32, #tpu.memory_space<vmem_shared>> -> memref<80x64xf32, #tpu.memory_space<vmem_shared>>
      tpu.enqueue_dma source(%arg14 : memref<80x64xf32, #tpu.memory_space<vmem>>) target(%dma_start3A_138 : memref<80x64xf32, #tpu.memory_space<vmem_shared>>) target_semaphore(%run_scoped3A : memref<!tpu.dma_semaphore, #tpu.memory_space<semaphore_mem>>)
      %dma_wait3A = arith.constant 0 : i32
      %dma_wait3A_139 = tpu.memref_slice %arg20[%add3A_98, %dma_wait3A] : memref<20480x64xf32, #tpu.memory_space<vmem_shared>> -> memref<80x64xf32, #tpu.memory_space<vmem_shared>>
      %dma_wait3A_140 = arith.constant 0 : i32
      %dma_wait3A_141 = tpu.memref_slice %arg20[%add3A_98, %dma_wait3A_140] : memref<20480x64xf32, #tpu.memory_space<vmem_shared>> -> memref<80x64xf32, #tpu.memory_space<vmem_shared>>
      tpu.wait_dma2 semaphore(%run_scoped3A : memref<!tpu.dma_semaphore, #tpu.memory_space<semaphore_mem>>) src(%arg14 : memref<80x64xf32, #tpu.memory_space<vmem>>) dst(%dma_wait3A_141 : memref<80x64xf32, #tpu.memory_space<vmem_shared>>)
      tpu.yield
    }) : () -> ()
    %add3A_99 = arith.constant 640 : i32
    %add3A_100 = arith.addi %mul3A_65, %add3A_99 : i32
    "tpu.region"() ({
      %run_scoped3A = tpu.sem_alloc : memref<!tpu.dma_semaphore, #tpu.memory_space<semaphore_mem>>
      %dma_start3A = tpu.memref_slice %arg21[%add3A_100] : memref<20480xf32, #tpu.memory_space<vmem_shared>> -> memref<80xf32, #tpu.memory_space<vmem_shared>>
      %dma_start3A_136 = tpu.memref_slice %arg21[%add3A_100] : memref<20480xf32, #tpu.memory_space<vmem_shared>> -> memref<80xf32, #tpu.memory_space<vmem_shared>>
      tpu.enqueue_dma source(%arg19 : memref<80xf32, #tpu.memory_space<vmem>>) target(%dma_start3A_136 : memref<80xf32, #tpu.memory_space<vmem_shared>>) target_semaphore(%run_scoped3A : memref<!tpu.dma_semaphore, #tpu.memory_space<semaphore_mem>>)
      %dma_wait3A = tpu.memref_slice %arg21[%add3A_100] : memref<20480xf32, #tpu.memory_space<vmem_shared>> -> memref<80xf32, #tpu.memory_space<vmem_shared>>
      %dma_wait3A_137 = tpu.memref_slice %arg21[%add3A_100] : memref<20480xf32, #tpu.memory_space<vmem_shared>> -> memref<80xf32, #tpu.memory_space<vmem_shared>>
      tpu.wait_dma2 semaphore(%run_scoped3A : memref<!tpu.dma_semaphore, #tpu.memory_space<semaphore_mem>>) src(%arg19 : memref<80xf32, #tpu.memory_space<vmem>>) dst(%dma_wait3A_137 : memref<80xf32, #tpu.memory_space<vmem_shared>>)
      tpu.yield
    }) : () -> ()
    %add3A_101 = arith.constant 720 : i32
    %add3A_102 = arith.addi %mul3A_65, %add3A_101 : i32
    "tpu.region"() ({
      %run_scoped3A = tpu.sem_alloc : memref<!tpu.dma_semaphore, #tpu.memory_space<semaphore_mem>>
      %dma_start3A = arith.constant 0 : i32
      %dma_start3A_136 = tpu.memref_slice %arg20[%add3A_102, %dma_start3A] : memref<20480x64xf32, #tpu.memory_space<vmem_shared>> -> memref<80x64xf32, #tpu.memory_space<vmem_shared>>
      %dma_start3A_137 = arith.constant 0 : i32
      %dma_start3A_138 = tpu.memref_slice %arg20[%add3A_102, %dma_start3A_137] : memref<20480x64xf32, #tpu.memory_space<vmem_shared>> -> memref<80x64xf32, #tpu.memory_space<vmem_shared>>
      tpu.enqueue_dma source(%arg14 : memref<80x64xf32, #tpu.memory_space<vmem>>) target(%dma_start3A_138 : memref<80x64xf32, #tpu.memory_space<vmem_shared>>) target_semaphore(%run_scoped3A : memref<!tpu.dma_semaphore, #tpu.memory_space<semaphore_mem>>)
      %dma_wait3A = arith.constant 0 : i32
      %dma_wait3A_139 = tpu.memref_slice %arg20[%add3A_102, %dma_wait3A] : memref<20480x64xf32, #tpu.memory_space<vmem_shared>> -> memref<80x64xf32, #tpu.memory_space<vmem_shared>>
      %dma_wait3A_140 = arith.constant 0 : i32
      %dma_wait3A_141 = tpu.memref_slice %arg20[%add3A_102, %dma_wait3A_140] : memref<20480x64xf32, #tpu.memory_space<vmem_shared>> -> memref<80x64xf32, #tpu.memory_space<vmem_shared>>
      tpu.wait_dma2 semaphore(%run_scoped3A : memref<!tpu.dma_semaphore, #tpu.memory_space<semaphore_mem>>) src(%arg14 : memref<80x64xf32, #tpu.memory_space<vmem>>) dst(%dma_wait3A_141 : memref<80x64xf32, #tpu.memory_space<vmem_shared>>)
      tpu.yield
    }) : () -> ()
    %add3A_103 = arith.constant 720 : i32
    %add3A_104 = arith.addi %mul3A_65, %add3A_103 : i32
    "tpu.region"() ({
      %run_scoped3A = tpu.sem_alloc : memref<!tpu.dma_semaphore, #tpu.memory_space<semaphore_mem>>
      %dma_start3A = tpu.memref_slice %arg21[%add3A_104] : memref<20480xf32, #tpu.memory_space<vmem_shared>> -> memref<80xf32, #tpu.memory_space<vmem_shared>>
      %dma_start3A_136 = tpu.memref_slice %arg21[%add3A_104] : memref<20480xf32, #tpu.memory_space<vmem_shared>> -> memref<80xf32, #tpu.memory_space<vmem_shared>>
      tpu.enqueue_dma source(%arg19 : memref<80xf32, #tpu.memory_space<vmem>>) target(%dma_start3A_136 : memref<80xf32, #tpu.memory_space<vmem_shared>>) target_semaphore(%run_scoped3A : memref<!tpu.dma_semaphore, #tpu.memory_space<semaphore_mem>>)
      %dma_wait3A = tpu.memref_slice %arg21[%add3A_104] : memref<20480xf32, #tpu.memory_space<vmem_shared>> -> memref<80xf32, #tpu.memory_space<vmem_shared>>
      %dma_wait3A_137 = tpu.memref_slice %arg21[%add3A_104] : memref<20480xf32, #tpu.memory_space<vmem_shared>> -> memref<80xf32, #tpu.memory_space<vmem_shared>>
      tpu.wait_dma2 semaphore(%run_scoped3A : memref<!tpu.dma_semaphore, #tpu.memory_space<semaphore_mem>>) src(%arg19 : memref<80xf32, #tpu.memory_space<vmem>>) dst(%dma_wait3A_137 : memref<80xf32, #tpu.memory_space<vmem_shared>>)
      tpu.yield
    }) : () -> ()
    %add3A_105 = arith.constant 800 : i32
    %add3A_106 = arith.addi %mul3A_65, %add3A_105 : i32
    "tpu.region"() ({
      %run_scoped3A = tpu.sem_alloc : memref<!tpu.dma_semaphore, #tpu.memory_space<semaphore_mem>>
      %dma_start3A = arith.constant 0 : i32
      %dma_start3A_136 = tpu.memref_slice %arg20[%add3A_106, %dma_start3A] : memref<20480x64xf32, #tpu.memory_space<vmem_shared>> -> memref<80x64xf32, #tpu.memory_space<vmem_shared>>
      %dma_start3A_137 = arith.constant 0 : i32
      %dma_start3A_138 = tpu.memref_slice %arg20[%add3A_106, %dma_start3A_137] : memref<20480x64xf32, #tpu.memory_space<vmem_shared>> -> memref<80x64xf32, #tpu.memory_space<vmem_shared>>
      tpu.enqueue_dma source(%arg14 : memref<80x64xf32, #tpu.memory_space<vmem>>) target(%dma_start3A_138 : memref<80x64xf32, #tpu.memory_space<vmem_shared>>) target_semaphore(%run_scoped3A : memref<!tpu.dma_semaphore, #tpu.memory_space<semaphore_mem>>)
      %dma_wait3A = arith.constant 0 : i32
      %dma_wait3A_139 = tpu.memref_slice %arg20[%add3A_106, %dma_wait3A] : memref<20480x64xf32, #tpu.memory_space<vmem_shared>> -> memref<80x64xf32, #tpu.memory_space<vmem_shared>>
      %dma_wait3A_140 = arith.constant 0 : i32
      %dma_wait3A_141 = tpu.memref_slice %arg20[%add3A_106, %dma_wait3A_140] : memref<20480x64xf32, #tpu.memory_space<vmem_shared>> -> memref<80x64xf32, #tpu.memory_space<vmem_shared>>
      tpu.wait_dma2 semaphore(%run_scoped3A : memref<!tpu.dma_semaphore, #tpu.memory_space<semaphore_mem>>) src(%arg14 : memref<80x64xf32, #tpu.memory_space<vmem>>) dst(%dma_wait3A_141 : memref<80x64xf32, #tpu.memory_space<vmem_shared>>)
      tpu.yield
    }) : () -> ()
    %add3A_107 = arith.constant 800 : i32
    %add3A_108 = arith.addi %mul3A_65, %add3A_107 : i32
    "tpu.region"() ({
      %run_scoped3A = tpu.sem_alloc : memref<!tpu.dma_semaphore, #tpu.memory_space<semaphore_mem>>
      %dma_start3A = tpu.memref_slice %arg21[%add3A_108] : memref<20480xf32, #tpu.memory_space<vmem_shared>> -> memref<80xf32, #tpu.memory_space<vmem_shared>>
      %dma_start3A_136 = tpu.memref_slice %arg21[%add3A_108] : memref<20480xf32, #tpu.memory_space<vmem_shared>> -> memref<80xf32, #tpu.memory_space<vmem_shared>>
      tpu.enqueue_dma source(%arg19 : memref<80xf32, #tpu.memory_space<vmem>>) target(%dma_start3A_136 : memref<80xf32, #tpu.memory_space<vmem_shared>>) target_semaphore(%run_scoped3A : memref<!tpu.dma_semaphore, #tpu.memory_space<semaphore_mem>>)
      %dma_wait3A = tpu.memref_slice %arg21[%add3A_108] : memref<20480xf32, #tpu.memory_space<vmem_shared>> -> memref<80xf32, #tpu.memory_space<vmem_shared>>
      %dma_wait3A_137 = tpu.memref_slice %arg21[%add3A_108] : memref<20480xf32, #tpu.memory_space<vmem_shared>> -> memref<80xf32, #tpu.memory_space<vmem_shared>>
      tpu.wait_dma2 semaphore(%run_scoped3A : memref<!tpu.dma_semaphore, #tpu.memory_space<semaphore_mem>>) src(%arg19 : memref<80xf32, #tpu.memory_space<vmem>>) dst(%dma_wait3A_137 : memref<80xf32, #tpu.memory_space<vmem_shared>>)
      tpu.yield
    }) : () -> ()
    %add3A_109 = arith.constant 880 : i32
    %add3A_110 = arith.addi %mul3A_65, %add3A_109 : i32
    "tpu.region"() ({
      %run_scoped3A = tpu.sem_alloc : memref<!tpu.dma_semaphore, #tpu.memory_space<semaphore_mem>>
      %dma_start3A = arith.constant 0 : i32
      %dma_start3A_136 = tpu.memref_slice %arg20[%add3A_110, %dma_start3A] : memref<20480x64xf32, #tpu.memory_space<vmem_shared>> -> memref<80x64xf32, #tpu.memory_space<vmem_shared>>
      %dma_start3A_137 = arith.constant 0 : i32
      %dma_start3A_138 = tpu.memref_slice %arg20[%add3A_110, %dma_start3A_137] : memref<20480x64xf32, #tpu.memory_space<vmem_shared>> -> memref<80x64xf32, #tpu.memory_space<vmem_shared>>
      tpu.enqueue_dma source(%arg14 : memref<80x64xf32, #tpu.memory_space<vmem>>) target(%dma_start3A_138 : memref<80x64xf32, #tpu.memory_space<vmem_shared>>) target_semaphore(%run_scoped3A : memref<!tpu.dma_semaphore, #tpu.memory_space<semaphore_mem>>)
      %dma_wait3A = arith.constant 0 : i32
      %dma_wait3A_139 = tpu.memref_slice %arg20[%add3A_110, %dma_wait3A] : memref<20480x64xf32, #tpu.memory_space<vmem_shared>> -> memref<80x64xf32, #tpu.memory_space<vmem_shared>>
      %dma_wait3A_140 = arith.constant 0 : i32
      %dma_wait3A_141 = tpu.memref_slice %arg20[%add3A_110, %dma_wait3A_140] : memref<20480x64xf32, #tpu.memory_space<vmem_shared>> -> memref<80x64xf32, #tpu.memory_space<vmem_shared>>
      tpu.wait_dma2 semaphore(%run_scoped3A : memref<!tpu.dma_semaphore, #tpu.memory_space<semaphore_mem>>) src(%arg14 : memref<80x64xf32, #tpu.memory_space<vmem>>) dst(%dma_wait3A_141 : memref<80x64xf32, #tpu.memory_space<vmem_shared>>)
      tpu.yield
    }) : () -> ()
    %add3A_111 = arith.constant 880 : i32
    %add3A_112 = arith.addi %mul3A_65, %add3A_111 : i32
    "tpu.region"() ({
      %run_scoped3A = tpu.sem_alloc : memref<!tpu.dma_semaphore, #tpu.memory_space<semaphore_mem>>
      %dma_start3A = tpu.memref_slice %arg21[%add3A_112] : memref<20480xf32, #tpu.memory_space<vmem_shared>> -> memref<80xf32, #tpu.memory_space<vmem_shared>>
      %dma_start3A_136 = tpu.memref_slice %arg21[%add3A_112] : memref<20480xf32, #tpu.memory_space<vmem_shared>> -> memref<80xf32, #tpu.memory_space<vmem_shared>>
      tpu.enqueue_dma source(%arg19 : memref<80xf32, #tpu.memory_space<vmem>>) target(%dma_start3A_136 : memref<80xf32, #tpu.memory_space<vmem_shared>>) target_semaphore(%run_scoped3A : memref<!tpu.dma_semaphore, #tpu.memory_space<semaphore_mem>>)
      %dma_wait3A = tpu.memref_slice %arg21[%add3A_112] : memref<20480xf32, #tpu.memory_space<vmem_shared>> -> memref<80xf32, #tpu.memory_space<vmem_shared>>
      %dma_wait3A_137 = tpu.memref_slice %arg21[%add3A_112] : memref<20480xf32, #tpu.memory_space<vmem_shared>> -> memref<80xf32, #tpu.memory_space<vmem_shared>>
      tpu.wait_dma2 semaphore(%run_scoped3A : memref<!tpu.dma_semaphore, #tpu.memory_space<semaphore_mem>>) src(%arg19 : memref<80xf32, #tpu.memory_space<vmem>>) dst(%dma_wait3A_137 : memref<80xf32, #tpu.memory_space<vmem_shared>>)
      tpu.yield
    }) : () -> ()
    %add3A_113 = arith.constant 960 : i32
    %add3A_114 = arith.addi %mul3A_65, %add3A_113 : i32
    "tpu.region"() ({
      %run_scoped3A = tpu.sem_alloc : memref<!tpu.dma_semaphore, #tpu.memory_space<semaphore_mem>>
      %dma_start3A = arith.constant 0 : i32
      %dma_start3A_136 = tpu.memref_slice %arg20[%add3A_114, %dma_start3A] : memref<20480x64xf32, #tpu.memory_space<vmem_shared>> -> memref<80x64xf32, #tpu.memory_space<vmem_shared>>
      %dma_start3A_137 = arith.constant 0 : i32
      %dma_start3A_138 = tpu.memref_slice %arg20[%add3A_114, %dma_start3A_137] : memref<20480x64xf32, #tpu.memory_space<vmem_shared>> -> memref<80x64xf32, #tpu.memory_space<vmem_shared>>
      tpu.enqueue_dma source(%arg14 : memref<80x64xf32, #tpu.memory_space<vmem>>) target(%dma_start3A_138 : memref<80x64xf32, #tpu.memory_space<vmem_shared>>) target_semaphore(%run_scoped3A : memref<!tpu.dma_semaphore, #tpu.memory_space<semaphore_mem>>)
      %dma_wait3A = arith.constant 0 : i32
      %dma_wait3A_139 = tpu.memref_slice %arg20[%add3A_114, %dma_wait3A] : memref<20480x64xf32, #tpu.memory_space<vmem_shared>> -> memref<80x64xf32, #tpu.memory_space<vmem_shared>>
      %dma_wait3A_140 = arith.constant 0 : i32
      %dma_wait3A_141 = tpu.memref_slice %arg20[%add3A_114, %dma_wait3A_140] : memref<20480x64xf32, #tpu.memory_space<vmem_shared>> -> memref<80x64xf32, #tpu.memory_space<vmem_shared>>
      tpu.wait_dma2 semaphore(%run_scoped3A : memref<!tpu.dma_semaphore, #tpu.memory_space<semaphore_mem>>) src(%arg14 : memref<80x64xf32, #tpu.memory_space<vmem>>) dst(%dma_wait3A_141 : memref<80x64xf32, #tpu.memory_space<vmem_shared>>)
      tpu.yield
    }) : () -> ()
    %add3A_115 = arith.constant 960 : i32
    %add3A_116 = arith.addi %mul3A_65, %add3A_115 : i32
    "tpu.region"() ({
      %run_scoped3A = tpu.sem_alloc : memref<!tpu.dma_semaphore, #tpu.memory_space<semaphore_mem>>
      %dma_start3A = tpu.memref_slice %arg21[%add3A_116] : memref<20480xf32, #tpu.memory_space<vmem_shared>> -> memref<80xf32, #tpu.memory_space<vmem_shared>>
      %dma_start3A_136 = tpu.memref_slice %arg21[%add3A_116] : memref<20480xf32, #tpu.memory_space<vmem_shared>> -> memref<80xf32, #tpu.memory_space<vmem_shared>>
      tpu.enqueue_dma source(%arg19 : memref<80xf32, #tpu.memory_space<vmem>>) target(%dma_start3A_136 : memref<80xf32, #tpu.memory_space<vmem_shared>>) target_semaphore(%run_scoped3A : memref<!tpu.dma_semaphore, #tpu.memory_space<semaphore_mem>>)
      %dma_wait3A = tpu.memref_slice %arg21[%add3A_116] : memref<20480xf32, #tpu.memory_space<vmem_shared>> -> memref<80xf32, #tpu.memory_space<vmem_shared>>
      %dma_wait3A_137 = tpu.memref_slice %arg21[%add3A_116] : memref<20480xf32, #tpu.memory_space<vmem_shared>> -> memref<80xf32, #tpu.memory_space<vmem_shared>>
      tpu.wait_dma2 semaphore(%run_scoped3A : memref<!tpu.dma_semaphore, #tpu.memory_space<semaphore_mem>>) src(%arg19 : memref<80xf32, #tpu.memory_space<vmem>>) dst(%dma_wait3A_137 : memref<80xf32, #tpu.memory_space<vmem_shared>>)
      tpu.yield
    }) : () -> ()
    %add3A_117 = arith.constant 1040 : i32
    %add3A_118 = arith.addi %mul3A_65, %add3A_117 : i32
    "tpu.region"() ({
      %run_scoped3A = tpu.sem_alloc : memref<!tpu.dma_semaphore, #tpu.memory_space<semaphore_mem>>
      %dma_start3A = arith.constant 0 : i32
      %dma_start3A_136 = tpu.memref_slice %arg20[%add3A_118, %dma_start3A] : memref<20480x64xf32, #tpu.memory_space<vmem_shared>> -> memref<80x64xf32, #tpu.memory_space<vmem_shared>>
      %dma_start3A_137 = arith.constant 0 : i32
      %dma_start3A_138 = tpu.memref_slice %arg20[%add3A_118, %dma_start3A_137] : memref<20480x64xf32, #tpu.memory_space<vmem_shared>> -> memref<80x64xf32, #tpu.memory_space<vmem_shared>>
      tpu.enqueue_dma source(%arg14 : memref<80x64xf32, #tpu.memory_space<vmem>>) target(%dma_start3A_138 : memref<80x64xf32, #tpu.memory_space<vmem_shared>>) target_semaphore(%run_scoped3A : memref<!tpu.dma_semaphore, #tpu.memory_space<semaphore_mem>>)
      %dma_wait3A = arith.constant 0 : i32
      %dma_wait3A_139 = tpu.memref_slice %arg20[%add3A_118, %dma_wait3A] : memref<20480x64xf32, #tpu.memory_space<vmem_shared>> -> memref<80x64xf32, #tpu.memory_space<vmem_shared>>
      %dma_wait3A_140 = arith.constant 0 : i32
      %dma_wait3A_141 = tpu.memref_slice %arg20[%add3A_118, %dma_wait3A_140] : memref<20480x64xf32, #tpu.memory_space<vmem_shared>> -> memref<80x64xf32, #tpu.memory_space<vmem_shared>>
      tpu.wait_dma2 semaphore(%run_scoped3A : memref<!tpu.dma_semaphore, #tpu.memory_space<semaphore_mem>>) src(%arg14 : memref<80x64xf32, #tpu.memory_space<vmem>>) dst(%dma_wait3A_141 : memref<80x64xf32, #tpu.memory_space<vmem_shared>>)
      tpu.yield
    }) : () -> ()
    %add3A_119 = arith.constant 1040 : i32
    %add3A_120 = arith.addi %mul3A_65, %add3A_119 : i32
    "tpu.region"() ({
      %run_scoped3A = tpu.sem_alloc : memref<!tpu.dma_semaphore, #tpu.memory_space<semaphore_mem>>
      %dma_start3A = tpu.memref_slice %arg21[%add3A_120] : memref<20480xf32, #tpu.memory_space<vmem_shared>> -> memref<80xf32, #tpu.memory_space<vmem_shared>>
      %dma_start3A_136 = tpu.memref_slice %arg21[%add3A_120] : memref<20480xf32, #tpu.memory_space<vmem_shared>> -> memref<80xf32, #tpu.memory_space<vmem_shared>>
      tpu.enqueue_dma source(%arg19 : memref<80xf32, #tpu.memory_space<vmem>>) target(%dma_start3A_136 : memref<80xf32, #tpu.memory_space<vmem_shared>>) target_semaphore(%run_scoped3A : memref<!tpu.dma_semaphore, #tpu.memory_space<semaphore_mem>>)
      %dma_wait3A = tpu.memref_slice %arg21[%add3A_120] : memref<20480xf32, #tpu.memory_space<vmem_shared>> -> memref<80xf32, #tpu.memory_space<vmem_shared>>
      %dma_wait3A_137 = tpu.memref_slice %arg21[%add3A_120] : memref<20480xf32, #tpu.memory_space<vmem_shared>> -> memref<80xf32, #tpu.memory_space<vmem_shared>>
      tpu.wait_dma2 semaphore(%run_scoped3A : memref<!tpu.dma_semaphore, #tpu.memory_space<semaphore_mem>>) src(%arg19 : memref<80xf32, #tpu.memory_space<vmem>>) dst(%dma_wait3A_137 : memref<80xf32, #tpu.memory_space<vmem_shared>>)
      tpu.yield
    }) : () -> ()
    %add3A_121 = arith.constant 1120 : i32
    %add3A_122 = arith.addi %mul3A_65, %add3A_121 : i32
    "tpu.region"() ({
      %run_scoped3A = tpu.sem_alloc : memref<!tpu.dma_semaphore, #tpu.memory_space<semaphore_mem>>
      %dma_start3A = arith.constant 0 : i32
      %dma_start3A_136 = tpu.memref_slice %arg20[%add3A_122, %dma_start3A] : memref<20480x64xf32, #tpu.memory_space<vmem_shared>> -> memref<80x64xf32, #tpu.memory_space<vmem_shared>>
      %dma_start3A_137 = arith.constant 0 : i32
      %dma_start3A_138 = tpu.memref_slice %arg20[%add3A_122, %dma_start3A_137] : memref<20480x64xf32, #tpu.memory_space<vmem_shared>> -> memref<80x64xf32, #tpu.memory_space<vmem_shared>>
      tpu.enqueue_dma source(%arg14 : memref<80x64xf32, #tpu.memory_space<vmem>>) target(%dma_start3A_138 : memref<80x64xf32, #tpu.memory_space<vmem_shared>>) target_semaphore(%run_scoped3A : memref<!tpu.dma_semaphore, #tpu.memory_space<semaphore_mem>>)
      %dma_wait3A = arith.constant 0 : i32
      %dma_wait3A_139 = tpu.memref_slice %arg20[%add3A_122, %dma_wait3A] : memref<20480x64xf32, #tpu.memory_space<vmem_shared>> -> memref<80x64xf32, #tpu.memory_space<vmem_shared>>
      %dma_wait3A_140 = arith.constant 0 : i32
      %dma_wait3A_141 = tpu.memref_slice %arg20[%add3A_122, %dma_wait3A_140] : memref<20480x64xf32, #tpu.memory_space<vmem_shared>> -> memref<80x64xf32, #tpu.memory_space<vmem_shared>>
      tpu.wait_dma2 semaphore(%run_scoped3A : memref<!tpu.dma_semaphore, #tpu.memory_space<semaphore_mem>>) src(%arg14 : memref<80x64xf32, #tpu.memory_space<vmem>>) dst(%dma_wait3A_141 : memref<80x64xf32, #tpu.memory_space<vmem_shared>>)
      tpu.yield
    }) : () -> ()
    %add3A_123 = arith.constant 1120 : i32
    %add3A_124 = arith.addi %mul3A_65, %add3A_123 : i32
    "tpu.region"() ({
      %run_scoped3A = tpu.sem_alloc : memref<!tpu.dma_semaphore, #tpu.memory_space<semaphore_mem>>
      %dma_start3A = tpu.memref_slice %arg21[%add3A_124] : memref<20480xf32, #tpu.memory_space<vmem_shared>> -> memref<80xf32, #tpu.memory_space<vmem_shared>>
      %dma_start3A_136 = tpu.memref_slice %arg21[%add3A_124] : memref<20480xf32, #tpu.memory_space<vmem_shared>> -> memref<80xf32, #tpu.memory_space<vmem_shared>>
      tpu.enqueue_dma source(%arg19 : memref<80xf32, #tpu.memory_space<vmem>>) target(%dma_start3A_136 : memref<80xf32, #tpu.memory_space<vmem_shared>>) target_semaphore(%run_scoped3A : memref<!tpu.dma_semaphore, #tpu.memory_space<semaphore_mem>>)
      %dma_wait3A = tpu.memref_slice %arg21[%add3A_124] : memref<20480xf32, #tpu.memory_space<vmem_shared>> -> memref<80xf32, #tpu.memory_space<vmem_shared>>
      %dma_wait3A_137 = tpu.memref_slice %arg21[%add3A_124] : memref<20480xf32, #tpu.memory_space<vmem_shared>> -> memref<80xf32, #tpu.memory_space<vmem_shared>>
      tpu.wait_dma2 semaphore(%run_scoped3A : memref<!tpu.dma_semaphore, #tpu.memory_space<semaphore_mem>>) src(%arg19 : memref<80xf32, #tpu.memory_space<vmem>>) dst(%dma_wait3A_137 : memref<80xf32, #tpu.memory_space<vmem_shared>>)
      tpu.yield
    }) : () -> ()
    %add3A_125 = arith.constant 1200 : i32
    %add3A_126 = arith.addi %mul3A_65, %add3A_125 : i32
    "tpu.region"() ({
      %run_scoped3A = tpu.sem_alloc : memref<!tpu.dma_semaphore, #tpu.memory_space<semaphore_mem>>
      %dma_start3A = arith.constant 0 : i32
      %dma_start3A_136 = tpu.memref_slice %arg20[%add3A_126, %dma_start3A] : memref<20480x64xf32, #tpu.memory_space<vmem_shared>> -> memref<80x64xf32, #tpu.memory_space<vmem_shared>>
      %dma_start3A_137 = arith.constant 0 : i32
      %dma_start3A_138 = tpu.memref_slice %arg20[%add3A_126, %dma_start3A_137] : memref<20480x64xf32, #tpu.memory_space<vmem_shared>> -> memref<80x64xf32, #tpu.memory_space<vmem_shared>>
      tpu.enqueue_dma source(%arg14 : memref<80x64xf32, #tpu.memory_space<vmem>>) target(%dma_start3A_138 : memref<80x64xf32, #tpu.memory_space<vmem_shared>>) target_semaphore(%run_scoped3A : memref<!tpu.dma_semaphore, #tpu.memory_space<semaphore_mem>>)
      %dma_wait3A = arith.constant 0 : i32
      %dma_wait3A_139 = tpu.memref_slice %arg20[%add3A_126, %dma_wait3A] : memref<20480x64xf32, #tpu.memory_space<vmem_shared>> -> memref<80x64xf32, #tpu.memory_space<vmem_shared>>
      %dma_wait3A_140 = arith.constant 0 : i32
      %dma_wait3A_141 = tpu.memref_slice %arg20[%add3A_126, %dma_wait3A_140] : memref<20480x64xf32, #tpu.memory_space<vmem_shared>> -> memref<80x64xf32, #tpu.memory_space<vmem_shared>>
      tpu.wait_dma2 semaphore(%run_scoped3A : memref<!tpu.dma_semaphore, #tpu.memory_space<semaphore_mem>>) src(%arg14 : memref<80x64xf32, #tpu.memory_space<vmem>>) dst(%dma_wait3A_141 : memref<80x64xf32, #tpu.memory_space<vmem_shared>>)
      tpu.yield
    }) : () -> ()
    %add3A_127 = arith.constant 1200 : i32
    %add3A_128 = arith.addi %mul3A_65, %add3A_127 : i32
    "tpu.region"() ({
      %run_scoped3A = tpu.sem_alloc : memref<!tpu.dma_semaphore, #tpu.memory_space<semaphore_mem>>
      %dma_start3A = tpu.memref_slice %arg21[%add3A_128] : memref<20480xf32, #tpu.memory_space<vmem_shared>> -> memref<80xf32, #tpu.memory_space<vmem_shared>>
      %dma_start3A_136 = tpu.memref_slice %arg21[%add3A_128] : memref<20480xf32, #tpu.memory_space<vmem_shared>> -> memref<80xf32, #tpu.memory_space<vmem_shared>>
      tpu.enqueue_dma source(%arg19 : memref<80xf32, #tpu.memory_space<vmem>>) target(%dma_start3A_136 : memref<80xf32, #tpu.memory_space<vmem_shared>>) target_semaphore(%run_scoped3A : memref<!tpu.dma_semaphore, #tpu.memory_space<semaphore_mem>>)
      %dma_wait3A = tpu.memref_slice %arg21[%add3A_128] : memref<20480xf32, #tpu.memory_space<vmem_shared>> -> memref<80xf32, #tpu.memory_space<vmem_shared>>
      %dma_wait3A_137 = tpu.memref_slice %arg21[%add3A_128] : memref<20480xf32, #tpu.memory_space<vmem_shared>> -> memref<80xf32, #tpu.memory_space<vmem_shared>>
      tpu.wait_dma2 semaphore(%run_scoped3A : memref<!tpu.dma_semaphore, #tpu.memory_space<semaphore_mem>>) src(%arg19 : memref<80xf32, #tpu.memory_space<vmem>>) dst(%dma_wait3A_137 : memref<80xf32, #tpu.memory_space<vmem_shared>>)
      tpu.yield
    }) : () -> ()
    %barrier3A = arith.constant 0 : index
    tpu.barrier barrier_id(%barrier3A)
    %scan3A_129 = arith.constant 0 : i32
    %scan3A_130 = arith.constant 0 : i32
    %scan3A_131 = arith.constant 5 : i32
    %scan3A_132 = arith.addi %scan3A_130, %scan3A_131 : i32
    %scan3A_133 = arith.constant 1 : i32
    scf.for %scan3A_136 = %scan3A_130 to %scan3A_132 step %scan3A_133  : i32 {
      %mul3A_137 = arith.constant 50 : i32
      %mul3A_138 = arith.muli %scan3A_136, %mul3A_137 : i32
      "tpu.region"() ({
        %run_scoped3A = tpu.sem_alloc : memref<!tpu.dma_semaphore, #tpu.memory_space<semaphore_mem>>
        %dma_start3A_172 = arith.constant 0 : i32
        %dma_start3A_173 = tpu.memref_slice %arg5[%arg1, %mul3A_138, %dma_start3A_172] : memref<16x250x80xi32, #tpu.memory_space<hbm>> -> memref<1x50x80xi32, #tpu.memory_space<hbm>>
        %dma_start3A_174 = tpu.memref_squeeze %dma_start3A_173 : memref<1x50x80xi32, #tpu.memory_space<hbm>> -> memref<50x80xi32, #tpu.memory_space<hbm>>
        %dma_start3A_175 = arith.constant 0 : i32
        %dma_start3A_176 = tpu.memref_slice %arg5[%arg1, %mul3A_138, %dma_start3A_175] : memref<16x250x80xi32, #tpu.memory_space<hbm>> -> memref<1x50x80xi32, #tpu.memory_space<hbm>>
        %dma_start3A_177 = tpu.memref_squeeze %dma_start3A_176 : memref<1x50x80xi32, #tpu.memory_space<hbm>> -> memref<50x80xi32, #tpu.memory_space<hbm>>
        tpu.enqueue_dma source(%dma_start3A_177 : memref<50x80xi32, #tpu.memory_space<hbm>>) target(%arg9 : memref<50x80xi32, #tpu.memory_space<vmem>>) target_semaphore(%run_scoped3A : memref<!tpu.dma_semaphore, #tpu.memory_space<semaphore_mem>>)
        %dma_wait3A = arith.constant 0 : i32
        %dma_wait3A_178 = tpu.memref_slice %arg5[%arg1, %mul3A_138, %dma_wait3A] : memref<16x250x80xi32, #tpu.memory_space<hbm>> -> memref<1x50x80xi32, #tpu.memory_space<hbm>>
        %dma_wait3A_179 = tpu.memref_squeeze %dma_wait3A_178 : memref<1x50x80xi32, #tpu.memory_space<hbm>> -> memref<50x80xi32, #tpu.memory_space<hbm>>
        %dma_wait3A_180 = arith.constant 0 : i32
        %dma_wait3A_181 = tpu.memref_slice %arg5[%arg1, %mul3A_138, %dma_wait3A_180] : memref<16x250x80xi32, #tpu.memory_space<hbm>> -> memref<1x50x80xi32, #tpu.memory_space<hbm>>
        %dma_wait3A_182 = tpu.memref_squeeze %dma_wait3A_181 : memref<1x50x80xi32, #tpu.memory_space<hbm>> -> memref<50x80xi32, #tpu.memory_space<hbm>>
        tpu.wait_dma2 semaphore(%run_scoped3A : memref<!tpu.dma_semaphore, #tpu.memory_space<semaphore_mem>>) src(%dma_wait3A_182 : memref<50x80xi32, #tpu.memory_space<hbm>>) dst(%arg9 : memref<50x80xi32, #tpu.memory_space<vmem>>)
        tpu.yield
      }) : () -> ()
      %mul3A_139 = arith.constant 50 : i32
      %mul3A_140 = arith.muli %scan3A_136, %mul3A_139 : i32
      "tpu.region"() ({
        %run_scoped3A = tpu.sem_alloc : memref<!tpu.dma_semaphore, #tpu.memory_space<semaphore_mem>>
        %dma_start3A_172 = arith.constant 0 : i32
        %dma_start3A_173 = tpu.memref_slice %arg6[%arg1, %mul3A_140, %dma_start3A_172] : memref<16x250x80xi32, #tpu.memory_space<hbm>> -> memref<1x50x80xi32, #tpu.memory_space<hbm>>
        %dma_start3A_174 = tpu.memref_squeeze %dma_start3A_173 : memref<1x50x80xi32, #tpu.memory_space<hbm>> -> memref<50x80xi32, #tpu.memory_space<hbm>>
        %dma_start3A_175 = arith.constant 0 : i32
        %dma_start3A_176 = tpu.memref_slice %arg6[%arg1, %mul3A_140, %dma_start3A_175] : memref<16x250x80xi32, #tpu.memory_space<hbm>> -> memref<1x50x80xi32, #tpu.memory_space<hbm>>
        %dma_start3A_177 = tpu.memref_squeeze %dma_start3A_176 : memref<1x50x80xi32, #tpu.memory_space<hbm>> -> memref<50x80xi32, #tpu.memory_space<hbm>>
        tpu.enqueue_dma source(%dma_start3A_177 : memref<50x80xi32, #tpu.memory_space<hbm>>) target(%arg10 : memref<50x80xi32, #tpu.memory_space<vmem>>) target_semaphore(%run_scoped3A : memref<!tpu.dma_semaphore, #tpu.memory_space<semaphore_mem>>)
        %dma_wait3A = arith.constant 0 : i32
        %dma_wait3A_178 = tpu.memref_slice %arg6[%arg1, %mul3A_140, %dma_wait3A] : memref<16x250x80xi32, #tpu.memory_space<hbm>> -> memref<1x50x80xi32, #tpu.memory_space<hbm>>
        %dma_wait3A_179 = tpu.memref_squeeze %dma_wait3A_178 : memref<1x50x80xi32, #tpu.memory_space<hbm>> -> memref<50x80xi32, #tpu.memory_space<hbm>>
        %dma_wait3A_180 = arith.constant 0 : i32
        %dma_wait3A_181 = tpu.memref_slice %arg6[%arg1, %mul3A_140, %dma_wait3A_180] : memref<16x250x80xi32, #tpu.memory_space<hbm>> -> memref<1x50x80xi32, #tpu.memory_space<hbm>>
        %dma_wait3A_182 = tpu.memref_squeeze %dma_wait3A_181 : memref<1x50x80xi32, #tpu.memory_space<hbm>> -> memref<50x80xi32, #tpu.memory_space<hbm>>
        tpu.wait_dma2 semaphore(%run_scoped3A : memref<!tpu.dma_semaphore, #tpu.memory_space<semaphore_mem>>) src(%dma_wait3A_182 : memref<50x80xi32, #tpu.memory_space<hbm>>) dst(%arg10 : memref<50x80xi32, #tpu.memory_space<vmem>>)
        tpu.yield
      }) : () -> ()
      %mul3A_141 = arith.constant 50 : i32
      %mul3A_142 = arith.muli %scan3A_136, %mul3A_141 : i32
      "tpu.region"() ({
        %run_scoped3A = tpu.sem_alloc : memref<!tpu.dma_semaphore, #tpu.memory_space<semaphore_mem>>
        %dma_start3A_172 = arith.constant 0 : i32
        %dma_start3A_173 = tpu.memref_slice %arg4[%arg1, %mul3A_142, %dma_start3A_172] : memref<16x250x80xi32, #tpu.memory_space<hbm>> -> memref<1x50x80xi32, #tpu.memory_space<hbm>>
        %dma_start3A_174 = tpu.memref_squeeze %dma_start3A_173 : memref<1x50x80xi32, #tpu.memory_space<hbm>> -> memref<50x80xi32, #tpu.memory_space<hbm>>
        %dma_start3A_175 = arith.constant 0 : i32
        %dma_start3A_176 = tpu.memref_slice %arg4[%arg1, %mul3A_142, %dma_start3A_175] : memref<16x250x80xi32, #tpu.memory_space<hbm>> -> memref<1x50x80xi32, #tpu.memory_space<hbm>>
        %dma_start3A_177 = tpu.memref_squeeze %dma_start3A_176 : memref<1x50x80xi32, #tpu.memory_space<hbm>> -> memref<50x80xi32, #tpu.memory_space<hbm>>
        tpu.enqueue_dma source(%dma_start3A_177 : memref<50x80xi32, #tpu.memory_space<hbm>>) target(%arg11 : memref<50x80xi32, #tpu.memory_space<vmem>>) target_semaphore(%run_scoped3A : memref<!tpu.dma_semaphore, #tpu.memory_space<semaphore_mem>>)
        %dma_wait3A = arith.constant 0 : i32
        %dma_wait3A_178 = tpu.memref_slice %arg4[%arg1, %mul3A_142, %dma_wait3A] : memref<16x250x80xi32, #tpu.memory_space<hbm>> -> memref<1x50x80xi32, #tpu.memory_space<hbm>>
        %dma_wait3A_179 = tpu.memref_squeeze %dma_wait3A_178 : memref<1x50x80xi32, #tpu.memory_space<hbm>> -> memref<50x80xi32, #tpu.memory_space<hbm>>
        %dma_wait3A_180 = arith.constant 0 : i32
        %dma_wait3A_181 = tpu.memref_slice %arg4[%arg1, %mul3A_142, %dma_wait3A_180] : memref<16x250x80xi32, #tpu.memory_space<hbm>> -> memref<1x50x80xi32, #tpu.memory_space<hbm>>
        %dma_wait3A_182 = tpu.memref_squeeze %dma_wait3A_181 : memref<1x50x80xi32, #tpu.memory_space<hbm>> -> memref<50x80xi32, #tpu.memory_space<hbm>>
        tpu.wait_dma2 semaphore(%run_scoped3A : memref<!tpu.dma_semaphore, #tpu.memory_space<semaphore_mem>>) src(%dma_wait3A_182 : memref<50x80xi32, #tpu.memory_space<hbm>>) dst(%arg11 : memref<50x80xi32, #tpu.memory_space<vmem>>)
        tpu.yield
      }) : () -> ()
      %scan3A_143 = arith.constant 0 : i32
      %scan3A_144 = arith.constant 0 : i32
      %scan3A_145 = arith.constant 50 : i32
      %scan3A_146 = arith.addi %scan3A_144, %scan3A_145 : i32
      %scan3A_147 = arith.constant 1 : i32
      scf.for %scan3A_172 = %scan3A_144 to %scan3A_146 step %scan3A_147  : i32 {
        %get3A = arith.index_cast %scan3A_172 : i32 to index
        %get3A_173 = arith.constant 0 : index
        %get3A_174 = tpu.vector_load %arg9[%get3A, %get3A_173] {strides = array<i32>} : memref<50x80xi32, #tpu.memory_space<vmem>>, vector<1x16xi32>,
        %get3A_175 = vector.shape_cast %get3A_174 : vector<1x16xi32> to vector<16xi32>
        %get3A_176 = arith.index_cast %scan3A_172 : i32 to index
        %get3A_177 = arith.constant 0 : index
        %get3A_178 = tpu.vector_load %arg10[%get3A_176, %get3A_177] {strides = array<i32>} : memref<50x80xi32, #tpu.memory_space<vmem>>, vector<1x16xi32>,
        %get3A_179 = vector.shape_cast %get3A_178 : vector<1x16xi32> to vector<16xi32>
        %mul3A_180 = arith.constant 10000 : i32
        %mul3A_181 = vector.broadcast %mul3A_180 : i32 to vector<16xi32>
        %mul3A_182 = arith.muli %get3A_179, %mul3A_181 : vector<16xi32>
        %add3A_183 = arith.addi %get3A_175, %mul3A_182 : vector<16xi32>
        %swap3A_184 = arith.index_cast %scan3A_172 : i32 to index
        %swap3A_185 = arith.constant 0 : index
        %swap3A_186 = tpu.vector_load %arg9[%swap3A_184, %swap3A_185] {strides = array<i32>} : memref<50x80xi32, #tpu.memory_space<vmem>>, vector<1x16xi32>,
        %swap3A_187 = vector.shape_cast %swap3A_186 : vector<1x16xi32> to vector<16xi32>
        %swap3A_188 = vector.shape_cast %add3A_183 : vector<16xi32> to vector<1x16xi32>
        tpu.vector_store %arg9[%swap3A_184, %swap3A_185], %swap3A_188 {strides = array<i32>} : memref<50x80xi32, #tpu.memory_space<vmem>>, vector<1x16xi32>,
        %get3A_189 = arith.index_cast %scan3A_172 : i32 to index
        %get3A_190 = arith.constant 0 : index
        %get3A_191 = tpu.vector_load %arg11[%get3A_189, %get3A_190] {strides = array<i32>} : memref<50x80xi32, #tpu.memory_space<vmem>>, vector<1x16xi32>,
        %get3A_192 = vector.shape_cast %get3A_191 : vector<1x16xi32> to vector<16xi32>
        %mul3A_193 = arith.constant 10000 : i32
        %mul3A_194 = arith.muli %arg0, %mul3A_193 : i32
        %add3A_195 = vector.broadcast %mul3A_194 : i32 to vector<16xi32>
        %add3A_196 = arith.addi %get3A_192, %add3A_195 : vector<16xi32>
        %swap3A_197 = arith.index_cast %scan3A_172 : i32 to index
        %swap3A_198 = arith.constant 0 : index
        %swap3A_199 = tpu.vector_load %arg11[%swap3A_197, %swap3A_198] {strides = array<i32>} : memref<50x80xi32, #tpu.memory_space<vmem>>, vector<1x16xi32>,
        %swap3A_200 = vector.shape_cast %swap3A_199 : vector<1x16xi32> to vector<16xi32>
        %swap3A_201 = vector.shape_cast %add3A_196 : vector<16xi32> to vector<1x16xi32>
        tpu.vector_store %arg11[%swap3A_197, %swap3A_198], %swap3A_201 {strides = array<i32>} : memref<50x80xi32, #tpu.memory_space<vmem>>, vector<1x16xi32>,
        %get3A_202 = arith.index_cast %scan3A_172 : i32 to index
        %get3A_203 = arith.constant 16 : index
        %get3A_204 = tpu.vector_load %arg9[%get3A_202, %get3A_203] {strides = array<i32>} : memref<50x80xi32, #tpu.memory_space<vmem>>, vector<1x16xi32>,
        %get3A_205 = vector.shape_cast %get3A_204 : vector<1x16xi32> to vector<16xi32>
        %get3A_206 = arith.index_cast %scan3A_172 : i32 to index
        %get3A_207 = arith.constant 16 : index
        %get3A_208 = tpu.vector_load %arg10[%get3A_206, %get3A_207] {strides = array<i32>} : memref<50x80xi32, #tpu.memory_space<vmem>>, vector<1x16xi32>,
        %get3A_209 = vector.shape_cast %get3A_208 : vector<1x16xi32> to vector<16xi32>
        %mul3A_210 = arith.constant 10000 : i32
        %mul3A_211 = vector.broadcast %mul3A_210 : i32 to vector<16xi32>
        %mul3A_212 = arith.muli %get3A_209, %mul3A_211 : vector<16xi32>
        %add3A_213 = arith.addi %get3A_205, %mul3A_212 : vector<16xi32>
        %swap3A_214 = arith.index_cast %scan3A_172 : i32 to index
        %swap3A_215 = arith.constant 16 : index
        %swap3A_216 = tpu.vector_load %arg9[%swap3A_214, %swap3A_215] {strides = array<i32>} : memref<50x80xi32, #tpu.memory_space<vmem>>, vector<1x16xi32>,
        %swap3A_217 = vector.shape_cast %swap3A_216 : vector<1x16xi32> to vector<16xi32>
        %swap3A_218 = vector.shape_cast %add3A_213 : vector<16xi32> to vector<1x16xi32>
        tpu.vector_store %arg9[%swap3A_214, %swap3A_215], %swap3A_218 {strides = array<i32>} : memref<50x80xi32, #tpu.memory_space<vmem>>, vector<1x16xi32>,
        %get3A_219 = arith.index_cast %scan3A_172 : i32 to index
        %get3A_220 = arith.constant 16 : index
        %get3A_221 = tpu.vector_load %arg11[%get3A_219, %get3A_220] {strides = array<i32>} : memref<50x80xi32, #tpu.memory_space<vmem>>, vector<1x16xi32>,
        %get3A_222 = vector.shape_cast %get3A_221 : vector<1x16xi32> to vector<16xi32>
        %mul3A_223 = arith.constant 10000 : i32
        %mul3A_224 = arith.muli %arg0, %mul3A_223 : i32
        %add3A_225 = vector.broadcast %mul3A_224 : i32 to vector<16xi32>
        %add3A_226 = arith.addi %get3A_222, %add3A_225 : vector<16xi32>
        %swap3A_227 = arith.index_cast %scan3A_172 : i32 to index
        %swap3A_228 = arith.constant 16 : index
        %swap3A_229 = tpu.vector_load %arg11[%swap3A_227, %swap3A_228] {strides = array<i32>} : memref<50x80xi32, #tpu.memory_space<vmem>>, vector<1x16xi32>,
        %swap3A_230 = vector.shape_cast %swap3A_229 : vector<1x16xi32> to vector<16xi32>
        %swap3A_231 = vector.shape_cast %add3A_226 : vector<16xi32> to vector<1x16xi32>
        tpu.vector_store %arg11[%swap3A_227, %swap3A_228], %swap3A_231 {strides = array<i32>} : memref<50x80xi32, #tpu.memory_space<vmem>>, vector<1x16xi32>,
        %get3A_232 = arith.index_cast %scan3A_172 : i32 to index
        %get3A_233 = arith.constant 32 : index
        %get3A_234 = tpu.vector_load %arg9[%get3A_232, %get3A_233] {strides = array<i32>} : memref<50x80xi32, #tpu.memory_space<vmem>>, vector<1x16xi32>,
        %get3A_235 = vector.shape_cast %get3A_234 : vector<1x16xi32> to vector<16xi32>
        %get3A_236 = arith.index_cast %scan3A_172 : i32 to index
        %get3A_237 = arith.constant 32 : index
        %get3A_238 = tpu.vector_load %arg10[%get3A_236, %get3A_237] {strides = array<i32>} : memref<50x80xi32, #tpu.memory_space<vmem>>, vector<1x16xi32>,
        %get3A_239 = vector.shape_cast %get3A_238 : vector<1x16xi32> to vector<16xi32>
        %mul3A_240 = arith.constant 10000 : i32
        %mul3A_241 = vector.broadcast %mul3A_240 : i32 to vector<16xi32>
        %mul3A_242 = arith.muli %get3A_239, %mul3A_241 : vector<16xi32>
        %add3A_243 = arith.addi %get3A_235, %mul3A_242 : vector<16xi32>
        %swap3A_244 = arith.index_cast %scan3A_172 : i32 to index
        %swap3A_245 = arith.constant 32 : index
        %swap3A_246 = tpu.vector_load %arg9[%swap3A_244, %swap3A_245] {strides = array<i32>} : memref<50x80xi32, #tpu.memory_space<vmem>>, vector<1x16xi32>,
        %swap3A_247 = vector.shape_cast %swap3A_246 : vector<1x16xi32> to vector<16xi32>
        %swap3A_248 = vector.shape_cast %add3A_243 : vector<16xi32> to vector<1x16xi32>
        tpu.vector_store %arg9[%swap3A_244, %swap3A_245], %swap3A_248 {strides = array<i32>} : memref<50x80xi32, #tpu.memory_space<vmem>>, vector<1x16xi32>,
        %get3A_249 = arith.index_cast %scan3A_172 : i32 to index
        %get3A_250 = arith.constant 32 : index
        %get3A_251 = tpu.vector_load %arg11[%get3A_249, %get3A_250] {strides = array<i32>} : memref<50x80xi32, #tpu.memory_space<vmem>>, vector<1x16xi32>,
        %get3A_252 = vector.shape_cast %get3A_251 : vector<1x16xi32> to vector<16xi32>
        %mul3A_253 = arith.constant 10000 : i32
        %mul3A_254 = arith.muli %arg0, %mul3A_253 : i32
        %add3A_255 = vector.broadcast %mul3A_254 : i32 to vector<16xi32>
        %add3A_256 = arith.addi %get3A_252, %add3A_255 : vector<16xi32>
        %swap3A_257 = arith.index_cast %scan3A_172 : i32 to index
        %swap3A_258 = arith.constant 32 : index
        %swap3A_259 = tpu.vector_load %arg11[%swap3A_257, %swap3A_258] {strides = array<i32>} : memref<50x80xi32, #tpu.memory_space<vmem>>, vector<1x16xi32>,
        %swap3A_260 = vector.shape_cast %swap3A_259 : vector<1x16xi32> to vector<16xi32>
        %swap3A_261 = vector.shape_cast %add3A_256 : vector<16xi32> to vector<1x16xi32>
        tpu.vector_store %arg11[%swap3A_257, %swap3A_258], %swap3A_261 {strides = array<i32>} : memref<50x80xi32, #tpu.memory_space<vmem>>, vector<1x16xi32>,
        %get3A_262 = arith.index_cast %scan3A_172 : i32 to index
        %get3A_263 = arith.constant 48 : index
        %get3A_264 = tpu.vector_load %arg9[%get3A_262, %get3A_263] {strides = array<i32>} : memref<50x80xi32, #tpu.memory_space<vmem>>, vector<1x16xi32>,
        %get3A_265 = vector.shape_cast %get3A_264 : vector<1x16xi32> to vector<16xi32>
        %get3A_266 = arith.index_cast %scan3A_172 : i32 to index
        %get3A_267 = arith.constant 48 : index
        %get3A_268 = tpu.vector_load %arg10[%get3A_266, %get3A_267] {strides = array<i32>} : memref<50x80xi32, #tpu.memory_space<vmem>>, vector<1x16xi32>,
        %get3A_269 = vector.shape_cast %get3A_268 : vector<1x16xi32> to vector<16xi32>
        %mul3A_270 = arith.constant 10000 : i32
        %mul3A_271 = vector.broadcast %mul3A_270 : i32 to vector<16xi32>
        %mul3A_272 = arith.muli %get3A_269, %mul3A_271 : vector<16xi32>
        %add3A_273 = arith.addi %get3A_265, %mul3A_272 : vector<16xi32>
        %swap3A_274 = arith.index_cast %scan3A_172 : i32 to index
        %swap3A_275 = arith.constant 48 : index
        %swap3A_276 = tpu.vector_load %arg9[%swap3A_274, %swap3A_275] {strides = array<i32>} : memref<50x80xi32, #tpu.memory_space<vmem>>, vector<1x16xi32>,
        %swap3A_277 = vector.shape_cast %swap3A_276 : vector<1x16xi32> to vector<16xi32>
        %swap3A_278 = vector.shape_cast %add3A_273 : vector<16xi32> to vector<1x16xi32>
        tpu.vector_store %arg9[%swap3A_274, %swap3A_275], %swap3A_278 {strides = array<i32>} : memref<50x80xi32, #tpu.memory_space<vmem>>, vector<1x16xi32>,
        %get3A_279 = arith.index_cast %scan3A_172 : i32 to index
        %get3A_280 = arith.constant 48 : index
        %get3A_281 = tpu.vector_load %arg11[%get3A_279, %get3A_280] {strides = array<i32>} : memref<50x80xi32, #tpu.memory_space<vmem>>, vector<1x16xi32>,
        %get3A_282 = vector.shape_cast %get3A_281 : vector<1x16xi32> to vector<16xi32>
        %mul3A_283 = arith.constant 10000 : i32
        %mul3A_284 = arith.muli %arg0, %mul3A_283 : i32
        %add3A_285 = vector.broadcast %mul3A_284 : i32 to vector<16xi32>
        %add3A_286 = arith.addi %get3A_282, %add3A_285 : vector<16xi32>
        %swap3A_287 = arith.index_cast %scan3A_172 : i32 to index
        %swap3A_288 = arith.constant 48 : index
        %swap3A_289 = tpu.vector_load %arg11[%swap3A_287, %swap3A_288] {strides = array<i32>} : memref<50x80xi32, #tpu.memory_space<vmem>>, vector<1x16xi32>,
        %swap3A_290 = vector.shape_cast %swap3A_289 : vector<1x16xi32> to vector<16xi32>
        %swap3A_291 = vector.shape_cast %add3A_286 : vector<16xi32> to vector<1x16xi32>
        tpu.vector_store %arg11[%swap3A_287, %swap3A_288], %swap3A_291 {strides = array<i32>} : memref<50x80xi32, #tpu.memory_space<vmem>>, vector<1x16xi32>,
        %get3A_292 = arith.index_cast %scan3A_172 : i32 to index
        %get3A_293 = arith.constant 64 : index
        %get3A_294 = tpu.vector_load %arg9[%get3A_292, %get3A_293] {strides = array<i32>} : memref<50x80xi32, #tpu.memory_space<vmem>>, vector<1x16xi32>,
        %get3A_295 = vector.shape_cast %get3A_294 : vector<1x16xi32> to vector<16xi32>
        %get3A_296 = arith.index_cast %scan3A_172 : i32 to index
        %get3A_297 = arith.constant 64 : index
        %get3A_298 = tpu.vector_load %arg10[%get3A_296, %get3A_297] {strides = array<i32>} : memref<50x80xi32, #tpu.memory_space<vmem>>, vector<1x16xi32>,
        %get3A_299 = vector.shape_cast %get3A_298 : vector<1x16xi32> to vector<16xi32>
        %mul3A_300 = arith.constant 10000 : i32
        %mul3A_301 = vector.broadcast %mul3A_300 : i32 to vector<16xi32>
        %mul3A_302 = arith.muli %get3A_299, %mul3A_301 : vector<16xi32>
        %add3A_303 = arith.addi %get3A_295, %mul3A_302 : vector<16xi32>
        %swap3A_304 = arith.index_cast %scan3A_172 : i32 to index
        %swap3A_305 = arith.constant 64 : index
        %swap3A_306 = tpu.vector_load %arg9[%swap3A_304, %swap3A_305] {strides = array<i32>} : memref<50x80xi32, #tpu.memory_space<vmem>>, vector<1x16xi32>,
        %swap3A_307 = vector.shape_cast %swap3A_306 : vector<1x16xi32> to vector<16xi32>
        %swap3A_308 = vector.shape_cast %add3A_303 : vector<16xi32> to vector<1x16xi32>
        tpu.vector_store %arg9[%swap3A_304, %swap3A_305], %swap3A_308 {strides = array<i32>} : memref<50x80xi32, #tpu.memory_space<vmem>>, vector<1x16xi32>,
        %get3A_309 = arith.index_cast %scan3A_172 : i32 to index
        %get3A_310 = arith.constant 64 : index
        %get3A_311 = tpu.vector_load %arg11[%get3A_309, %get3A_310] {strides = array<i32>} : memref<50x80xi32, #tpu.memory_space<vmem>>, vector<1x16xi32>,
        %get3A_312 = vector.shape_cast %get3A_311 : vector<1x16xi32> to vector<16xi32>
        %mul3A_313 = arith.constant 10000 : i32
        %mul3A_314 = arith.muli %arg0, %mul3A_313 : i32
        %add3A_315 = vector.broadcast %mul3A_314 : i32 to vector<16xi32>
        %add3A_316 = arith.addi %get3A_312, %add3A_315 : vector<16xi32>
        %swap3A_317 = arith.index_cast %scan3A_172 : i32 to index
        %swap3A_318 = arith.constant 64 : index
        %swap3A_319 = tpu.vector_load %arg11[%swap3A_317, %swap3A_318] {strides = array<i32>} : memref<50x80xi32, #tpu.memory_space<vmem>>, vector<1x16xi32>,
        %swap3A_320 = vector.shape_cast %swap3A_319 : vector<1x16xi32> to vector<16xi32>
        %swap3A_321 = vector.shape_cast %add3A_316 : vector<16xi32> to vector<1x16xi32>
        tpu.vector_store %arg11[%swap3A_317, %swap3A_318], %swap3A_321 {strides = array<i32>} : memref<50x80xi32, #tpu.memory_space<vmem>>, vector<1x16xi32>,
      }
      %scan3A_148 = arith.constant 50 : i32
      %dma_start3A = arith.constant 0 : i32
      %dma_start3A_149 = arith.constant 0 : i32
      %dma_start3A_150 = tpu.memref_slice %arg11[%dma_start3A, %dma_start3A_149] : memref<50x80xi32, #tpu.memory_space<vmem>> -> memref<1x80xi32, #tpu.memory_space<vmem>>
      %dma_start3A_151 = tpu.memref_squeeze %dma_start3A_150 : memref<1x80xi32, #tpu.memory_space<vmem>> -> memref<80xi32, #tpu.memory_space<vmem>>
      %dma_start3A_152 = arith.constant 0 : i32
      %dma_start3A_153 = arith.constant 0 : i32
      %dma_start3A_154 = tpu.memref_slice %arg2[%dma_start3A_152, %dma_start3A_153] : memref<20000x64xf32, #tpu.memory_space<hbm>> -> memref<20000x64xf32, #tpu.memory_space<hbm>>
      tpu.enqueue_indirect_dma source(%dma_start3A_154 : memref<20000x64xf32, #tpu.memory_space<hbm>>) target(%arg12 : memref<80x64xf32, #tpu.memory_space<vmem>>) offsets(%dma_start3A_151 : memref<80xi32, #tpu.memory_space<vmem>>) semaphore(%arg22 : memref<!tpu.dma_semaphore, #tpu.memory_space<semaphore_mem>>)
      %mul3A_155 = arith.constant 50 : i32
      %mul3A_156 = arith.muli %scan3A_136, %mul3A_155 : i32
      %add3A_157 = arith.constant 0 : i32
      %add3A_158 = arith.addi %mul3A_156, %add3A_157 : i32
      %mul3A_159 = arith.constant 80 : i32
      %mul3A_160 = arith.muli %add3A_158, %mul3A_159 : i32
      %add3A_161 = arith.addi %mul3A_0, %mul3A_160 : i32
      %mul3A_162 = arith.constant 64 : i32
      %mul3A_163 = arith.muli %arg0, %mul3A_162 : i32
      %dma_start3A_164 = tpu.memref_slice %arg3[%add3A_161, %mul3A_163] : memref<320000x128xf32, #tpu.memory_space<hbm>> -> memref<80x64xf32, #tpu.memory_space<hbm>>
      %dma_start3A_165 = tpu.memref_slice %arg3[%add3A_161, %mul3A_163] : memref<320000x128xf32, #tpu.memory_space<hbm>> -> memref<80x64xf32, #tpu.memory_space<hbm>>
      tpu.enqueue_dma source(%dma_start3A_165 : memref<80x64xf32, #tpu.memory_space<hbm>>) target(%arg13 : memref<80x64xf32, #tpu.memory_space<vmem>>) target_semaphore(%arg23 : memref<!tpu.dma_semaphore, #tpu.memory_space<semaphore_mem>>)
      %scan3A_166 = arith.constant 0 : i32
      %scan3A_167 = arith.constant 0 : i32
      %scan3A_168 = arith.constant 25 : i32
      %scan3A_169 = arith.addi %scan3A_167, %scan3A_168 : i32
      %scan3A_170 = arith.constant 1 : i32
      scf.for %scan3A_172 = %scan3A_167 to %scan3A_169 step %scan3A_170  : i32 {
        %mul3A_173 = arith.constant 2 : i32
        %mul3A_174 = arith.muli %mul3A_173, %scan3A_172 : i32
        %mul3A_175 = arith.constant 2 : i32
        %mul3A_176 = arith.muli %mul3A_175, %scan3A_172 : i32
        %add3A_177 = arith.constant 1 : i32
        %add3A_178 = arith.addi %mul3A_176, %add3A_177 : i32
        %dma_start3A_179 = arith.constant 0 : i32
        %dma_start3A_180 = tpu.memref_slice %arg9[%mul3A_174, %dma_start3A_179] : memref<50x80xi32, #tpu.memory_space<vmem>> -> memref<1x80xi32, #tpu.memory_space<vmem>>
        %dma_start3A_181 = tpu.memref_squeeze %dma_start3A_180 : memref<1x80xi32, #tpu.memory_space<vmem>> -> memref<80xi32, #tpu.memory_space<vmem>>
        %dma_start3A_182 = arith.constant 0 : i32
        %dma_start3A_183 = tpu.memref_slice %arg21[%dma_start3A_182] : memref<20480xf32, #tpu.memory_space<vmem_shared>> -> memref<20480xf32, #tpu.memory_space<vmem_shared>>
        tpu.enqueue_indirect_dma source(%arg18 : memref<80xf32, #tpu.memory_space<vmem>>) target(%dma_start3A_183 : memref<20480xf32, #tpu.memory_space<vmem_shared>>) offsets(%dma_start3A_181 : memref<80xi32, #tpu.memory_space<vmem>>) semaphore(%arg27 : memref<!tpu.dma_semaphore, #tpu.memory_space<semaphore_mem>>) {add = true}
        %dma_start3A_184 = arith.constant 0 : i32
        %dma_start3A_185 = tpu.memref_slice %arg11[%add3A_178, %dma_start3A_184] : memref<50x80xi32, #tpu.memory_space<vmem>> -> memref<1x80xi32, #tpu.memory_space<vmem>>
        %dma_start3A_186 = tpu.memref_squeeze %dma_start3A_185 : memref<1x80xi32, #tpu.memory_space<vmem>> -> memref<80xi32, #tpu.memory_space<vmem>>
        %dma_start3A_187 = arith.constant 0 : i32
        %dma_start3A_188 = arith.constant 0 : i32
        %dma_start3A_189 = tpu.memref_slice %arg2[%dma_start3A_187, %dma_start3A_188] : memref<20000x64xf32, #tpu.memory_space<hbm>> -> memref<20000x64xf32, #tpu.memory_space<hbm>>
        tpu.enqueue_indirect_dma source(%dma_start3A_189 : memref<20000x64xf32, #tpu.memory_space<hbm>>) target(%arg15 : memref<80x64xf32, #tpu.memory_space<vmem>>) offsets(%dma_start3A_186 : memref<80xi32, #tpu.memory_space<vmem>>) semaphore(%arg24 : memref<!tpu.dma_semaphore, #tpu.memory_space<semaphore_mem>>)
        %mul3A_190 = arith.constant 50 : i32
        %mul3A_191 = arith.muli %scan3A_136, %mul3A_190 : i32
        %add3A_192 = arith.addi %mul3A_191, %add3A_178 : i32
        %mul3A_193 = arith.constant 80 : i32
        %mul3A_194 = arith.muli %add3A_192, %mul3A_193 : i32
        %add3A_195 = arith.addi %mul3A_0, %mul3A_194 : i32
        %mul3A_196 = arith.constant 64 : i32
        %mul3A_197 = arith.muli %arg0, %mul3A_196 : i32
        %dma_start3A_198 = tpu.memref_slice %arg3[%add3A_195, %mul3A_197] : memref<320000x128xf32, #tpu.memory_space<hbm>> -> memref<80x64xf32, #tpu.memory_space<hbm>>
        %dma_start3A_199 = tpu.memref_slice %arg3[%add3A_195, %mul3A_197] : memref<320000x128xf32, #tpu.memory_space<hbm>> -> memref<80x64xf32, #tpu.memory_space<hbm>>
        tpu.enqueue_dma source(%dma_start3A_199 : memref<80x64xf32, #tpu.memory_space<hbm>>) target(%arg16 : memref<80x64xf32, #tpu.memory_space<vmem>>) target_semaphore(%arg25 : memref<!tpu.dma_semaphore, #tpu.memory_space<semaphore_mem>>)
        %dma_wait3A = arith.constant 0 : i32
        %dma_wait3A_200 = tpu.memref_slice %arg11[%mul3A_174, %dma_wait3A] : memref<50x80xi32, #tpu.memory_space<vmem>> -> memref<1x80xi32, #tpu.memory_space<vmem>>
        %dma_wait3A_201 = tpu.memref_squeeze %dma_wait3A_200 : memref<1x80xi32, #tpu.memory_space<vmem>> -> memref<80xi32, #tpu.memory_space<vmem>>
        %dma_wait3A_202 = arith.constant 0 : i32
        %dma_wait3A_203 = arith.constant 0 : i32
        %dma_wait3A_204 = tpu.memref_slice %arg2[%dma_wait3A_202, %dma_wait3A_203] : memref<20000x64xf32, #tpu.memory_space<hbm>> -> memref<20000x64xf32, #tpu.memory_space<hbm>>
        tpu.wait_indirect_dma semaphore(%arg22 : memref<!tpu.dma_semaphore, #tpu.memory_space<semaphore_mem>>) src(%dma_wait3A_204 : memref<20000x64xf32, #tpu.memory_space<hbm>>) dst(%arg12 : memref<80x64xf32, #tpu.memory_space<vmem>>)
        %mul3A_205 = arith.constant 50 : i32
        %mul3A_206 = arith.muli %scan3A_136, %mul3A_205 : i32
        %add3A_207 = arith.addi %mul3A_206, %mul3A_174 : i32
        %mul3A_208 = arith.constant 80 : i32
        %mul3A_209 = arith.muli %add3A_207, %mul3A_208 : i32
        %add3A_210 = arith.addi %mul3A_0, %mul3A_209 : i32
        %mul3A_211 = arith.constant 64 : i32
        %mul3A_212 = arith.muli %arg0, %mul3A_211 : i32
        %dma_wait3A_213 = tpu.memref_slice %arg3[%add3A_210, %mul3A_212] : memref<320000x128xf32, #tpu.memory_space<hbm>> -> memref<80x64xf32, #tpu.memory_space<hbm>>
        %dma_wait3A_214 = tpu.memref_slice %arg3[%add3A_210, %mul3A_212] : memref<320000x128xf32, #tpu.memory_space<hbm>> -> memref<80x64xf32, #tpu.memory_space<hbm>>
        tpu.wait_dma2 semaphore(%arg23 : memref<!tpu.dma_semaphore, #tpu.memory_space<semaphore_mem>>) src(%dma_wait3A_214 : memref<80x64xf32, #tpu.memory_space<hbm>>) dst(%arg13 : memref<80x64xf32, #tpu.memory_space<vmem>>)
        %scan3A_215 = arith.constant 0 : i32
        %scan3A_216 = arith.constant 0 : i32
        %scan3A_217 = arith.constant 20 : i32
        %scan3A_218 = arith.addi %scan3A_216, %scan3A_217 : i32
        %scan3A_219 = arith.constant 1 : i32
        scf.for %scan3A_284 = %scan3A_216 to %scan3A_218 step %scan3A_219  : i32 {
          %mul3A_285 = arith.constant 4 : i32
          %mul3A_286 = arith.muli %scan3A_284, %mul3A_285 : i32
          %add3A_287 = arith.constant 0 : i32
          %add3A_288 = arith.addi %mul3A_286, %add3A_287 : i32
          %get3A = arith.index_cast %add3A_288 : i32 to index
          %get3A_289 = arith.constant 0 : index
          %get3A_290 = tpu.vector_load %arg12[%get3A, %get3A_289] {strides = array<i32>} : memref<80x64xf32, #tpu.memory_space<vmem>>, vector<1x16xf32>,
          %get3A_291 = vector.shape_cast %get3A_290 : vector<1x16xf32> to vector<16xf32>
          %get3A_292 = arith.index_cast %add3A_288 : i32 to index
          %get3A_293 = arith.constant 0 : index
          %get3A_294 = tpu.vector_load %arg13[%get3A_292, %get3A_293] {strides = array<i32>} : memref<80x64xf32, #tpu.memory_space<vmem>>, vector<1x16xf32>,
          %get3A_295 = vector.shape_cast %get3A_294 : vector<1x16xf32> to vector<16xf32>
          %sub3A = arith.subf %get3A_291, %get3A_295 : vector<16xf32>
          %swap3A_296 = arith.index_cast %add3A_288 : i32 to index
          %swap3A_297 = arith.constant 0 : index
          %swap3A_298 = tpu.vector_load %arg14[%swap3A_296, %swap3A_297] {strides = array<i32>} : memref<80x64xf32, #tpu.memory_space<vmem>>, vector<1x16xf32>,
          %swap3A_299 = vector.shape_cast %swap3A_298 : vector<1x16xf32> to vector<16xf32>
          %swap3A_300 = vector.shape_cast %sub3A : vector<16xf32> to vector<1x16xf32>
          tpu.vector_store %arg14[%swap3A_296, %swap3A_297], %swap3A_300 {strides = array<i32>} : memref<80x64xf32, #tpu.memory_space<vmem>>, vector<1x16xf32>,
          %get3A_301 = arith.index_cast %add3A_288 : i32 to index
          %get3A_302 = arith.constant 16 : index
          %get3A_303 = tpu.vector_load %arg12[%get3A_301, %get3A_302] {strides = array<i32>} : memref<80x64xf32, #tpu.memory_space<vmem>>, vector<1x16xf32>,
          %get3A_304 = vector.shape_cast %get3A_303 : vector<1x16xf32> to vector<16xf32>
          %get3A_305 = arith.index_cast %add3A_288 : i32 to index
          %get3A_306 = arith.constant 16 : index
          %get3A_307 = tpu.vector_load %arg13[%get3A_305, %get3A_306] {strides = array<i32>} : memref<80x64xf32, #tpu.memory_space<vmem>>, vector<1x16xf32>,
          %get3A_308 = vector.shape_cast %get3A_307 : vector<1x16xf32> to vector<16xf32>
          %sub3A_309 = arith.subf %get3A_304, %get3A_308 : vector<16xf32>
          %swap3A_310 = arith.index_cast %add3A_288 : i32 to index
          %swap3A_311 = arith.constant 16 : index
          %swap3A_312 = tpu.vector_load %arg14[%swap3A_310, %swap3A_311] {strides = array<i32>} : memref<80x64xf32, #tpu.memory_space<vmem>>, vector<1x16xf32>,
          %swap3A_313 = vector.shape_cast %swap3A_312 : vector<1x16xf32> to vector<16xf32>
          %swap3A_314 = vector.shape_cast %sub3A_309 : vector<16xf32> to vector<1x16xf32>
          tpu.vector_store %arg14[%swap3A_310, %swap3A_311], %swap3A_314 {strides = array<i32>} : memref<80x64xf32, #tpu.memory_space<vmem>>, vector<1x16xf32>,
          %get3A_315 = arith.index_cast %add3A_288 : i32 to index
          %get3A_316 = arith.constant 32 : index
          %get3A_317 = tpu.vector_load %arg12[%get3A_315, %get3A_316] {strides = array<i32>} : memref<80x64xf32, #tpu.memory_space<vmem>>, vector<1x16xf32>,
          %get3A_318 = vector.shape_cast %get3A_317 : vector<1x16xf32> to vector<16xf32>
          %get3A_319 = arith.index_cast %add3A_288 : i32 to index
          %get3A_320 = arith.constant 32 : index
          %get3A_321 = tpu.vector_load %arg13[%get3A_319, %get3A_320] {strides = array<i32>} : memref<80x64xf32, #tpu.memory_space<vmem>>, vector<1x16xf32>,
          %get3A_322 = vector.shape_cast %get3A_321 : vector<1x16xf32> to vector<16xf32>
          %sub3A_323 = arith.subf %get3A_318, %get3A_322 : vector<16xf32>
          %swap3A_324 = arith.index_cast %add3A_288 : i32 to index
          %swap3A_325 = arith.constant 32 : index
          %swap3A_326 = tpu.vector_load %arg14[%swap3A_324, %swap3A_325] {strides = array<i32>} : memref<80x64xf32, #tpu.memory_space<vmem>>, vector<1x16xf32>,
          %swap3A_327 = vector.shape_cast %swap3A_326 : vector<1x16xf32> to vector<16xf32>
          %swap3A_328 = vector.shape_cast %sub3A_323 : vector<16xf32> to vector<1x16xf32>
          tpu.vector_store %arg14[%swap3A_324, %swap3A_325], %swap3A_328 {strides = array<i32>} : memref<80x64xf32, #tpu.memory_space<vmem>>, vector<1x16xf32>,
          %get3A_329 = arith.index_cast %add3A_288 : i32 to index
          %get3A_330 = arith.constant 48 : index
          %get3A_331 = tpu.vector_load %arg12[%get3A_329, %get3A_330] {strides = array<i32>} : memref<80x64xf32, #tpu.memory_space<vmem>>, vector<1x16xf32>,
          %get3A_332 = vector.shape_cast %get3A_331 : vector<1x16xf32> to vector<16xf32>
          %get3A_333 = arith.index_cast %add3A_288 : i32 to index
          %get3A_334 = arith.constant 48 : index
          %get3A_335 = tpu.vector_load %arg13[%get3A_333, %get3A_334] {strides = array<i32>} : memref<80x64xf32, #tpu.memory_space<vmem>>, vector<1x16xf32>,
          %get3A_336 = vector.shape_cast %get3A_335 : vector<1x16xf32> to vector<16xf32>
          %sub3A_337 = arith.subf %get3A_332, %get3A_336 : vector<16xf32>
          %swap3A_338 = arith.index_cast %add3A_288 : i32 to index
          %swap3A_339 = arith.constant 48 : index
          %swap3A_340 = tpu.vector_load %arg14[%swap3A_338, %swap3A_339] {strides = array<i32>} : memref<80x64xf32, #tpu.memory_space<vmem>>, vector<1x16xf32>,
          %swap3A_341 = vector.shape_cast %swap3A_340 : vector<1x16xf32> to vector<16xf32>
          %swap3A_342 = vector.shape_cast %sub3A_337 : vector<16xf32> to vector<1x16xf32>
          tpu.vector_store %arg14[%swap3A_338, %swap3A_339], %swap3A_342 {strides = array<i32>} : memref<80x64xf32, #tpu.memory_space<vmem>>, vector<1x16xf32>,
          %mul3A_343 = arith.constant 4 : i32
          %mul3A_344 = arith.muli %scan3A_284, %mul3A_343 : i32
          %add3A_345 = arith.constant 1 : i32
          %add3A_346 = arith.addi %mul3A_344, %add3A_345 : i32
          %get3A_347 = arith.index_cast %add3A_346 : i32 to index
          %get3A_348 = arith.constant 0 : index
          %get3A_349 = tpu.vector_load %arg12[%get3A_347, %get3A_348] {strides = array<i32>} : memref<80x64xf32, #tpu.memory_space<vmem>>, vector<1x16xf32>,
          %get3A_350 = vector.shape_cast %get3A_349 : vector<1x16xf32> to vector<16xf32>
          %get3A_351 = arith.index_cast %add3A_346 : i32 to index
          %get3A_352 = arith.constant 0 : index
          %get3A_353 = tpu.vector_load %arg13[%get3A_351, %get3A_352] {strides = array<i32>} : memref<80x64xf32, #tpu.memory_space<vmem>>, vector<1x16xf32>,
          %get3A_354 = vector.shape_cast %get3A_353 : vector<1x16xf32> to vector<16xf32>
          %sub3A_355 = arith.subf %get3A_350, %get3A_354 : vector<16xf32>
          %swap3A_356 = arith.index_cast %add3A_346 : i32 to index
          %swap3A_357 = arith.constant 0 : index
          %swap3A_358 = tpu.vector_load %arg14[%swap3A_356, %swap3A_357] {strides = array<i32>} : memref<80x64xf32, #tpu.memory_space<vmem>>, vector<1x16xf32>,
          %swap3A_359 = vector.shape_cast %swap3A_358 : vector<1x16xf32> to vector<16xf32>
          %swap3A_360 = vector.shape_cast %sub3A_355 : vector<16xf32> to vector<1x16xf32>
          tpu.vector_store %arg14[%swap3A_356, %swap3A_357], %swap3A_360 {strides = array<i32>} : memref<80x64xf32, #tpu.memory_space<vmem>>, vector<1x16xf32>,
          %get3A_361 = arith.index_cast %add3A_346 : i32 to index
          %get3A_362 = arith.constant 16 : index
          %get3A_363 = tpu.vector_load %arg12[%get3A_361, %get3A_362] {strides = array<i32>} : memref<80x64xf32, #tpu.memory_space<vmem>>, vector<1x16xf32>,
          %get3A_364 = vector.shape_cast %get3A_363 : vector<1x16xf32> to vector<16xf32>
          %get3A_365 = arith.index_cast %add3A_346 : i32 to index
          %get3A_366 = arith.constant 16 : index
          %get3A_367 = tpu.vector_load %arg13[%get3A_365, %get3A_366] {strides = array<i32>} : memref<80x64xf32, #tpu.memory_space<vmem>>, vector<1x16xf32>,
          %get3A_368 = vector.shape_cast %get3A_367 : vector<1x16xf32> to vector<16xf32>
          %sub3A_369 = arith.subf %get3A_364, %get3A_368 : vector<16xf32>
          %swap3A_370 = arith.index_cast %add3A_346 : i32 to index
          %swap3A_371 = arith.constant 16 : index
          %swap3A_372 = tpu.vector_load %arg14[%swap3A_370, %swap3A_371] {strides = array<i32>} : memref<80x64xf32, #tpu.memory_space<vmem>>, vector<1x16xf32>,
          %swap3A_373 = vector.shape_cast %swap3A_372 : vector<1x16xf32> to vector<16xf32>
          %swap3A_374 = vector.shape_cast %sub3A_369 : vector<16xf32> to vector<1x16xf32>
          tpu.vector_store %arg14[%swap3A_370, %swap3A_371], %swap3A_374 {strides = array<i32>} : memref<80x64xf32, #tpu.memory_space<vmem>>, vector<1x16xf32>,
          %get3A_375 = arith.index_cast %add3A_346 : i32 to index
          %get3A_376 = arith.constant 32 : index
          %get3A_377 = tpu.vector_load %arg12[%get3A_375, %get3A_376] {strides = array<i32>} : memref<80x64xf32, #tpu.memory_space<vmem>>, vector<1x16xf32>,
          %get3A_378 = vector.shape_cast %get3A_377 : vector<1x16xf32> to vector<16xf32>
          %get3A_379 = arith.index_cast %add3A_346 : i32 to index
          %get3A_380 = arith.constant 32 : index
          %get3A_381 = tpu.vector_load %arg13[%get3A_379, %get3A_380] {strides = array<i32>} : memref<80x64xf32, #tpu.memory_space<vmem>>, vector<1x16xf32>,
          %get3A_382 = vector.shape_cast %get3A_381 : vector<1x16xf32> to vector<16xf32>
          %sub3A_383 = arith.subf %get3A_378, %get3A_382 : vector<16xf32>
          %swap3A_384 = arith.index_cast %add3A_346 : i32 to index
          %swap3A_385 = arith.constant 32 : index
          %swap3A_386 = tpu.vector_load %arg14[%swap3A_384, %swap3A_385] {strides = array<i32>} : memref<80x64xf32, #tpu.memory_space<vmem>>, vector<1x16xf32>,
          %swap3A_387 = vector.shape_cast %swap3A_386 : vector<1x16xf32> to vector<16xf32>
          %swap3A_388 = vector.shape_cast %sub3A_383 : vector<16xf32> to vector<1x16xf32>
          tpu.vector_store %arg14[%swap3A_384, %swap3A_385], %swap3A_388 {strides = array<i32>} : memref<80x64xf32, #tpu.memory_space<vmem>>, vector<1x16xf32>,
          %get3A_389 = arith.index_cast %add3A_346 : i32 to index
          %get3A_390 = arith.constant 48 : index
          %get3A_391 = tpu.vector_load %arg12[%get3A_389, %get3A_390] {strides = array<i32>} : memref<80x64xf32, #tpu.memory_space<vmem>>, vector<1x16xf32>,
          %get3A_392 = vector.shape_cast %get3A_391 : vector<1x16xf32> to vector<16xf32>
          %get3A_393 = arith.index_cast %add3A_346 : i32 to index
          %get3A_394 = arith.constant 48 : index
          %get3A_395 = tpu.vector_load %arg13[%get3A_393, %get3A_394] {strides = array<i32>} : memref<80x64xf32, #tpu.memory_space<vmem>>, vector<1x16xf32>,
          %get3A_396 = vector.shape_cast %get3A_395 : vector<1x16xf32> to vector<16xf32>
          %sub3A_397 = arith.subf %get3A_392, %get3A_396 : vector<16xf32>
          %swap3A_398 = arith.index_cast %add3A_346 : i32 to index
          %swap3A_399 = arith.constant 48 : index
          %swap3A_400 = tpu.vector_load %arg14[%swap3A_398, %swap3A_399] {strides = array<i32>} : memref<80x64xf32, #tpu.memory_space<vmem>>, vector<1x16xf32>,
          %swap3A_401 = vector.shape_cast %swap3A_400 : vector<1x16xf32> to vector<16xf32>
          %swap3A_402 = vector.shape_cast %sub3A_397 : vector<16xf32> to vector<1x16xf32>
          tpu.vector_store %arg14[%swap3A_398, %swap3A_399], %swap3A_402 {strides = array<i32>} : memref<80x64xf32, #tpu.memory_space<vmem>>, vector<1x16xf32>,
          %mul3A_403 = arith.constant 4 : i32
          %mul3A_404 = arith.muli %scan3A_284, %mul3A_403 : i32
          %add3A_405 = arith.constant 2 : i32
          %add3A_406 = arith.addi %mul3A_404, %add3A_405 : i32
          %get3A_407 = arith.index_cast %add3A_406 : i32 to index
          %get3A_408 = arith.constant 0 : index
          %get3A_409 = tpu.vector_load %arg12[%get3A_407, %get3A_408] {strides = array<i32>} : memref<80x64xf32, #tpu.memory_space<vmem>>, vector<1x16xf32>,
          %get3A_410 = vector.shape_cast %get3A_409 : vector<1x16xf32> to vector<16xf32>
          %get3A_411 = arith.index_cast %add3A_406 : i32 to index
          %get3A_412 = arith.constant 0 : index
          %get3A_413 = tpu.vector_load %arg13[%get3A_411, %get3A_412] {strides = array<i32>} : memref<80x64xf32, #tpu.memory_space<vmem>>, vector<1x16xf32>,
          %get3A_414 = vector.shape_cast %get3A_413 : vector<1x16xf32> to vector<16xf32>
          %sub3A_415 = arith.subf %get3A_410, %get3A_414 : vector<16xf32>
          %swap3A_416 = arith.index_cast %add3A_406 : i32 to index
          %swap3A_417 = arith.constant 0 : index
          %swap3A_418 = tpu.vector_load %arg14[%swap3A_416, %swap3A_417] {strides = array<i32>} : memref<80x64xf32, #tpu.memory_space<vmem>>, vector<1x16xf32>,
          %swap3A_419 = vector.shape_cast %swap3A_418 : vector<1x16xf32> to vector<16xf32>
          %swap3A_420 = vector.shape_cast %sub3A_415 : vector<16xf32> to vector<1x16xf32>
          tpu.vector_store %arg14[%swap3A_416, %swap3A_417], %swap3A_420 {strides = array<i32>} : memref<80x64xf32, #tpu.memory_space<vmem>>, vector<1x16xf32>,
          %get3A_421 = arith.index_cast %add3A_406 : i32 to index
          %get3A_422 = arith.constant 16 : index
          %get3A_423 = tpu.vector_load %arg12[%get3A_421, %get3A_422] {strides = array<i32>} : memref<80x64xf32, #tpu.memory_space<vmem>>, vector<1x16xf32>,
          %get3A_424 = vector.shape_cast %get3A_423 : vector<1x16xf32> to vector<16xf32>
          %get3A_425 = arith.index_cast %add3A_406 : i32 to index
          %get3A_426 = arith.constant 16 : index
          %get3A_427 = tpu.vector_load %arg13[%get3A_425, %get3A_426] {strides = array<i32>} : memref<80x64xf32, #tpu.memory_space<vmem>>, vector<1x16xf32>,
          %get3A_428 = vector.shape_cast %get3A_427 : vector<1x16xf32> to vector<16xf32>
          %sub3A_429 = arith.subf %get3A_424, %get3A_428 : vector<16xf32>
          %swap3A_430 = arith.index_cast %add3A_406 : i32 to index
          %swap3A_431 = arith.constant 16 : index
          %swap3A_432 = tpu.vector_load %arg14[%swap3A_430, %swap3A_431] {strides = array<i32>} : memref<80x64xf32, #tpu.memory_space<vmem>>, vector<1x16xf32>,
          %swap3A_433 = vector.shape_cast %swap3A_432 : vector<1x16xf32> to vector<16xf32>
          %swap3A_434 = vector.shape_cast %sub3A_429 : vector<16xf32> to vector<1x16xf32>
          tpu.vector_store %arg14[%swap3A_430, %swap3A_431], %swap3A_434 {strides = array<i32>} : memref<80x64xf32, #tpu.memory_space<vmem>>, vector<1x16xf32>,
          %get3A_435 = arith.index_cast %add3A_406 : i32 to index
          %get3A_436 = arith.constant 32 : index
          %get3A_437 = tpu.vector_load %arg12[%get3A_435, %get3A_436] {strides = array<i32>} : memref<80x64xf32, #tpu.memory_space<vmem>>, vector<1x16xf32>,
          %get3A_438 = vector.shape_cast %get3A_437 : vector<1x16xf32> to vector<16xf32>
          %get3A_439 = arith.index_cast %add3A_406 : i32 to index
          %get3A_440 = arith.constant 32 : index
          %get3A_441 = tpu.vector_load %arg13[%get3A_439, %get3A_440] {strides = array<i32>} : memref<80x64xf32, #tpu.memory_space<vmem>>, vector<1x16xf32>,
          %get3A_442 = vector.shape_cast %get3A_441 : vector<1x16xf32> to vector<16xf32>
          %sub3A_443 = arith.subf %get3A_438, %get3A_442 : vector<16xf32>
          %swap3A_444 = arith.index_cast %add3A_406 : i32 to index
          %swap3A_445 = arith.constant 32 : index
          %swap3A_446 = tpu.vector_load %arg14[%swap3A_444, %swap3A_445] {strides = array<i32>} : memref<80x64xf32, #tpu.memory_space<vmem>>, vector<1x16xf32>,
          %swap3A_447 = vector.shape_cast %swap3A_446 : vector<1x16xf32> to vector<16xf32>
          %swap3A_448 = vector.shape_cast %sub3A_443 : vector<16xf32> to vector<1x16xf32>
          tpu.vector_store %arg14[%swap3A_444, %swap3A_445], %swap3A_448 {strides = array<i32>} : memref<80x64xf32, #tpu.memory_space<vmem>>, vector<1x16xf32>,
          %get3A_449 = arith.index_cast %add3A_406 : i32 to index
          %get3A_450 = arith.constant 48 : index
          %get3A_451 = tpu.vector_load %arg12[%get3A_449, %get3A_450] {strides = array<i32>} : memref<80x64xf32, #tpu.memory_space<vmem>>, vector<1x16xf32>,
          %get3A_452 = vector.shape_cast %get3A_451 : vector<1x16xf32> to vector<16xf32>
          %get3A_453 = arith.index_cast %add3A_406 : i32 to index
          %get3A_454 = arith.constant 48 : index
          %get3A_455 = tpu.vector_load %arg13[%get3A_453, %get3A_454] {strides = array<i32>} : memref<80x64xf32, #tpu.memory_space<vmem>>, vector<1x16xf32>,
          %get3A_456 = vector.shape_cast %get3A_455 : vector<1x16xf32> to vector<16xf32>
          %sub3A_457 = arith.subf %get3A_452, %get3A_456 : vector<16xf32>
          %swap3A_458 = arith.index_cast %add3A_406 : i32 to index
          %swap3A_459 = arith.constant 48 : index
          %swap3A_460 = tpu.vector_load %arg14[%swap3A_458, %swap3A_459] {strides = array<i32>} : memref<80x64xf32, #tpu.memory_space<vmem>>, vector<1x16xf32>,
          %swap3A_461 = vector.shape_cast %swap3A_460 : vector<1x16xf32> to vector<16xf32>
          %swap3A_462 = vector.shape_cast %sub3A_457 : vector<16xf32> to vector<1x16xf32>
          tpu.vector_store %arg14[%swap3A_458, %swap3A_459], %swap3A_462 {strides = array<i32>} : memref<80x64xf32, #tpu.memory_space<vmem>>, vector<1x16xf32>,
          %mul3A_463 = arith.constant 4 : i32
          %mul3A_464 = arith.muli %scan3A_284, %mul3A_463 : i32
          %add3A_465 = arith.constant 3 : i32
          %add3A_466 = arith.addi %mul3A_464, %add3A_465 : i32
          %get3A_467 = arith.index_cast %add3A_466 : i32 to index
          %get3A_468 = arith.constant 0 : index
          %get3A_469 = tpu.vector_load %arg12[%get3A_467, %get3A_468] {strides = array<i32>} : memref<80x64xf32, #tpu.memory_space<vmem>>, vector<1x16xf32>,
          %get3A_470 = vector.shape_cast %get3A_469 : vector<1x16xf32> to vector<16xf32>
          %get3A_471 = arith.index_cast %add3A_466 : i32 to index
          %get3A_472 = arith.constant 0 : index
          %get3A_473 = tpu.vector_load %arg13[%get3A_471, %get3A_472] {strides = array<i32>} : memref<80x64xf32, #tpu.memory_space<vmem>>, vector<1x16xf32>,
          %get3A_474 = vector.shape_cast %get3A_473 : vector<1x16xf32> to vector<16xf32>
          %sub3A_475 = arith.subf %get3A_470, %get3A_474 : vector<16xf32>
          %swap3A_476 = arith.index_cast %add3A_466 : i32 to index
          %swap3A_477 = arith.constant 0 : index
          %swap3A_478 = tpu.vector_load %arg14[%swap3A_476, %swap3A_477] {strides = array<i32>} : memref<80x64xf32, #tpu.memory_space<vmem>>, vector<1x16xf32>,
          %swap3A_479 = vector.shape_cast %swap3A_478 : vector<1x16xf32> to vector<16xf32>
          %swap3A_480 = vector.shape_cast %sub3A_475 : vector<16xf32> to vector<1x16xf32>
          tpu.vector_store %arg14[%swap3A_476, %swap3A_477], %swap3A_480 {strides = array<i32>} : memref<80x64xf32, #tpu.memory_space<vmem>>, vector<1x16xf32>,
          %get3A_481 = arith.index_cast %add3A_466 : i32 to index
          %get3A_482 = arith.constant 16 : index
          %get3A_483 = tpu.vector_load %arg12[%get3A_481, %get3A_482] {strides = array<i32>} : memref<80x64xf32, #tpu.memory_space<vmem>>, vector<1x16xf32>,
          %get3A_484 = vector.shape_cast %get3A_483 : vector<1x16xf32> to vector<16xf32>
          %get3A_485 = arith.index_cast %add3A_466 : i32 to index
          %get3A_486 = arith.constant 16 : index
          %get3A_487 = tpu.vector_load %arg13[%get3A_485, %get3A_486] {strides = array<i32>} : memref<80x64xf32, #tpu.memory_space<vmem>>, vector<1x16xf32>,
          %get3A_488 = vector.shape_cast %get3A_487 : vector<1x16xf32> to vector<16xf32>
          %sub3A_489 = arith.subf %get3A_484, %get3A_488 : vector<16xf32>
          %swap3A_490 = arith.index_cast %add3A_466 : i32 to index
          %swap3A_491 = arith.constant 16 : index
          %swap3A_492 = tpu.vector_load %arg14[%swap3A_490, %swap3A_491] {strides = array<i32>} : memref<80x64xf32, #tpu.memory_space<vmem>>, vector<1x16xf32>,
          %swap3A_493 = vector.shape_cast %swap3A_492 : vector<1x16xf32> to vector<16xf32>
          %swap3A_494 = vector.shape_cast %sub3A_489 : vector<16xf32> to vector<1x16xf32>
          tpu.vector_store %arg14[%swap3A_490, %swap3A_491], %swap3A_494 {strides = array<i32>} : memref<80x64xf32, #tpu.memory_space<vmem>>, vector<1x16xf32>,
          %get3A_495 = arith.index_cast %add3A_466 : i32 to index
          %get3A_496 = arith.constant 32 : index
          %get3A_497 = tpu.vector_load %arg12[%get3A_495, %get3A_496] {strides = array<i32>} : memref<80x64xf32, #tpu.memory_space<vmem>>, vector<1x16xf32>,
          %get3A_498 = vector.shape_cast %get3A_497 : vector<1x16xf32> to vector<16xf32>
          %get3A_499 = arith.index_cast %add3A_466 : i32 to index
          %get3A_500 = arith.constant 32 : index
          %get3A_501 = tpu.vector_load %arg13[%get3A_499, %get3A_500] {strides = array<i32>} : memref<80x64xf32, #tpu.memory_space<vmem>>, vector<1x16xf32>,
          %get3A_502 = vector.shape_cast %get3A_501 : vector<1x16xf32> to vector<16xf32>
          %sub3A_503 = arith.subf %get3A_498, %get3A_502 : vector<16xf32>
          %swap3A_504 = arith.index_cast %add3A_466 : i32 to index
          %swap3A_505 = arith.constant 32 : index
          %swap3A_506 = tpu.vector_load %arg14[%swap3A_504, %swap3A_505] {strides = array<i32>} : memref<80x64xf32, #tpu.memory_space<vmem>>, vector<1x16xf32>,
          %swap3A_507 = vector.shape_cast %swap3A_506 : vector<1x16xf32> to vector<16xf32>
          %swap3A_508 = vector.shape_cast %sub3A_503 : vector<16xf32> to vector<1x16xf32>
          tpu.vector_store %arg14[%swap3A_504, %swap3A_505], %swap3A_508 {strides = array<i32>} : memref<80x64xf32, #tpu.memory_space<vmem>>, vector<1x16xf32>,
          %get3A_509 = arith.index_cast %add3A_466 : i32 to index
          %get3A_510 = arith.constant 48 : index
          %get3A_511 = tpu.vector_load %arg12[%get3A_509, %get3A_510] {strides = array<i32>} : memref<80x64xf32, #tpu.memory_space<vmem>>, vector<1x16xf32>,
          %get3A_512 = vector.shape_cast %get3A_511 : vector<1x16xf32> to vector<16xf32>
          %get3A_513 = arith.index_cast %add3A_466 : i32 to index
          %get3A_514 = arith.constant 48 : index
          %get3A_515 = tpu.vector_load %arg13[%get3A_513, %get3A_514] {strides = array<i32>} : memref<80x64xf32, #tpu.memory_space<vmem>>, vector<1x16xf32>,
          %get3A_516 = vector.shape_cast %get3A_515 : vector<1x16xf32> to vector<16xf32>
          %sub3A_517 = arith.subf %get3A_512, %get3A_516 : vector<16xf32>
          %swap3A_518 = arith.index_cast %add3A_466 : i32 to index
          %swap3A_519 = arith.constant 48 : index
          %swap3A_520 = tpu.vector_load %arg14[%swap3A_518, %swap3A_519] {strides = array<i32>} : memref<80x64xf32, #tpu.memory_space<vmem>>, vector<1x16xf32>,
          %swap3A_521 = vector.shape_cast %swap3A_520 : vector<1x16xf32> to vector<16xf32>
          %swap3A_522 = vector.shape_cast %sub3A_517 : vector<16xf32> to vector<1x16xf32>
          tpu.vector_store %arg14[%swap3A_518, %swap3A_519], %swap3A_522 {strides = array<i32>} : memref<80x64xf32, #tpu.memory_space<vmem>>, vector<1x16xf32>,
        }
        %scan3A_220 = arith.constant 20 : i32
        %dma_start3A_221 = arith.constant 0 : i32
        %dma_start3A_222 = tpu.memref_slice %arg9[%mul3A_174, %dma_start3A_221] : memref<50x80xi32, #tpu.memory_space<vmem>> -> memref<1x80xi32, #tpu.memory_space<vmem>>
        %dma_start3A_223 = tpu.memref_squeeze %dma_start3A_222 : memref<1x80xi32, #tpu.memory_space<vmem>> -> memref<80xi32, #tpu.memory_space<vmem>>
        %dma_start3A_224 = arith.constant 0 : i32
        %dma_start3A_225 = arith.constant 0 : i32
        %dma_start3A_226 = tpu.memref_slice %arg20[%dma_start3A_224, %dma_start3A_225] : memref<20480x64xf32, #tpu.memory_space<vmem_shared>> -> memref<20480x64xf32, #tpu.memory_space<vmem_shared>>
        tpu.enqueue_indirect_dma source(%arg14 : memref<80x64xf32, #tpu.memory_space<vmem>>) target(%dma_start3A_226 : memref<20480x64xf32, #tpu.memory_space<vmem_shared>>) offsets(%dma_start3A_223 : memref<80xi32, #tpu.memory_space<vmem>>) semaphore(%arg26 : memref<!tpu.dma_semaphore, #tpu.memory_space<semaphore_mem>>) {add = true}
        %lt3A = arith.constant 24 : i32
        %lt3A_227 = arith.cmpi slt, %scan3A_172, %lt3A : i32
        %convert_element_type3A = arith.extui %lt3A_227 : i1 to i32
        %cond3A = arith.constant 0 : i32
        %cond3A_228 = arith.cmpi ne, %convert_element_type3A, %cond3A : i32
        scf.if %cond3A_228 {
          %add3A_284 = arith.constant 2 : i32
          %add3A_285 = arith.addi %mul3A_174, %add3A_284 : i32
          %dma_start3A_286 = arith.constant 0 : i32
          %dma_start3A_287 = tpu.memref_slice %arg11[%add3A_285, %dma_start3A_286] : memref<50x80xi32, #tpu.memory_space<vmem>> -> memref<1x80xi32, #tpu.memory_space<vmem>>
          %dma_start3A_288 = tpu.memref_squeeze %dma_start3A_287 : memref<1x80xi32, #tpu.memory_space<vmem>> -> memref<80xi32, #tpu.memory_space<vmem>>
          %dma_start3A_289 = arith.constant 0 : i32
          %dma_start3A_290 = arith.constant 0 : i32
          %dma_start3A_291 = tpu.memref_slice %arg2[%dma_start3A_289, %dma_start3A_290] : memref<20000x64xf32, #tpu.memory_space<hbm>> -> memref<20000x64xf32, #tpu.memory_space<hbm>>
          tpu.enqueue_indirect_dma source(%dma_start3A_291 : memref<20000x64xf32, #tpu.memory_space<hbm>>) target(%arg12 : memref<80x64xf32, #tpu.memory_space<vmem>>) offsets(%dma_start3A_288 : memref<80xi32, #tpu.memory_space<vmem>>) semaphore(%arg22 : memref<!tpu.dma_semaphore, #tpu.memory_space<semaphore_mem>>)
          %mul3A_292 = arith.constant 50 : i32
          %mul3A_293 = arith.muli %scan3A_136, %mul3A_292 : i32
          %add3A_294 = arith.addi %mul3A_293, %add3A_285 : i32
          %mul3A_295 = arith.constant 80 : i32
          %mul3A_296 = arith.muli %add3A_294, %mul3A_295 : i32
          %add3A_297 = arith.addi %mul3A_0, %mul3A_296 : i32
          %mul3A_298 = arith.constant 64 : i32
          %mul3A_299 = arith.muli %arg0, %mul3A_298 : i32
          %dma_start3A_300 = tpu.memref_slice %arg3[%add3A_297, %mul3A_299] : memref<320000x128xf32, #tpu.memory_space<hbm>> -> memref<80x64xf32, #tpu.memory_space<hbm>>
          %dma_start3A_301 = tpu.memref_slice %arg3[%add3A_297, %mul3A_299] : memref<320000x128xf32, #tpu.memory_space<hbm>> -> memref<80x64xf32, #tpu.memory_space<hbm>>
          tpu.enqueue_dma source(%dma_start3A_301 : memref<80x64xf32, #tpu.memory_space<hbm>>) target(%arg13 : memref<80x64xf32, #tpu.memory_space<vmem>>) target_semaphore(%arg23 : memref<!tpu.dma_semaphore, #tpu.memory_space<semaphore_mem>>)
        } else {
        }
        %dma_start3A_229 = arith.constant 0 : i32
        %dma_start3A_230 = tpu.memref_slice %arg9[%add3A_178, %dma_start3A_229] : memref<50x80xi32, #tpu.memory_space<vmem>> -> memref<1x80xi32, #tpu.memory_space<vmem>>
        %dma_start3A_231 = tpu.memref_squeeze %dma_start3A_230 : memref<1x80xi32, #tpu.memory_space<vmem>> -> memref<80xi32, #tpu.memory_space<vmem>>
        %dma_start3A_232 = arith.constant 0 : i32
        %dma_start3A_233 = tpu.memref_slice %arg21[%dma_start3A_232] : memref<20480xf32, #tpu.memory_space<vmem_shared>> -> memref<20480xf32, #tpu.memory_space<vmem_shared>>
        tpu.enqueue_indirect_dma source(%arg18 : memref<80xf32, #tpu.memory_space<vmem>>) target(%dma_start3A_233 : memref<20480xf32, #tpu.memory_space<vmem_shared>>) offsets(%dma_start3A_231 : memref<80xi32, #tpu.memory_space<vmem>>) semaphore(%arg29 : memref<!tpu.dma_semaphore, #tpu.memory_space<semaphore_mem>>) {add = true}
        %dma_wait3A_234 = arith.constant 0 : i32
        %dma_wait3A_235 = tpu.memref_slice %arg11[%add3A_178, %dma_wait3A_234] : memref<50x80xi32, #tpu.memory_space<vmem>> -> memref<1x80xi32, #tpu.memory_space<vmem>>
        %dma_wait3A_236 = tpu.memref_squeeze %dma_wait3A_235 : memref<1x80xi32, #tpu.memory_space<vmem>> -> memref<80xi32, #tpu.memory_space<vmem>>
        %dma_wait3A_237 = arith.constant 0 : i32
        %dma_wait3A_238 = arith.constant 0 : i32
        %dma_wait3A_239 = tpu.memref_slice %arg2[%dma_wait3A_237, %dma_wait3A_238] : memref<20000x64xf32, #tpu.memory_space<hbm>> -> memref<20000x64xf32, #tpu.memory_space<hbm>>
        tpu.wait_indirect_dma semaphore(%arg24 : memref<!tpu.dma_semaphore, #tpu.memory_space<semaphore_mem>>) src(%dma_wait3A_239 : memref<20000x64xf32, #tpu.memory_space<hbm>>) dst(%arg15 : memref<80x64xf32, #tpu.memory_space<vmem>>)
        %mul3A_240 = arith.constant 50 : i32
        %mul3A_241 = arith.muli %scan3A_136, %mul3A_240 : i32
        %add3A_242 = arith.addi %mul3A_241, %add3A_178 : i32
        %mul3A_243 = arith.constant 80 : i32
        %mul3A_244 = arith.muli %add3A_242, %mul3A_243 : i32
        %add3A_245 = arith.addi %mul3A_0, %mul3A_244 : i32
        %mul3A_246 = arith.constant 64 : i32
        %mul3A_247 = arith.muli %arg0, %mul3A_246 : i32
        %dma_wait3A_248 = tpu.memref_slice %arg3[%add3A_245, %mul3A_247] : memref<320000x128xf32, #tpu.memory_space<hbm>> -> memref<80x64xf32, #tpu.memory_space<hbm>>
        %dma_wait3A_249 = tpu.memref_slice %arg3[%add3A_245, %mul3A_247] : memref<320000x128xf32, #tpu.memory_space<hbm>> -> memref<80x64xf32, #tpu.memory_space<hbm>>
        tpu.wait_dma2 semaphore(%arg25 : memref<!tpu.dma_semaphore, #tpu.memory_space<semaphore_mem>>) src(%dma_wait3A_249 : memref<80x64xf32, #tpu.memory_space<hbm>>) dst(%arg16 : memref<80x64xf32, #tpu.memory_space<vmem>>)
        %dma_wait3A_250 = arith.constant 0 : i32
        %dma_wait3A_251 = tpu.memref_slice %arg9[%mul3A_174, %dma_wait3A_250] : memref<50x80xi32, #tpu.memory_space<vmem>> -> memref<1x80xi32, #tpu.memory_space<vmem>>
        %dma_wait3A_252 = tpu.memref_squeeze %dma_wait3A_251 : memref<1x80xi32, #tpu.memory_space<vmem>> -> memref<80xi32, #tpu.memory_space<vmem>>
        %dma_wait3A_253 = arith.constant 0 : i32
        %dma_wait3A_254 = arith.constant 0 : i32
        %dma_wait3A_255 = tpu.memref_slice %arg20[%dma_wait3A_253, %dma_wait3A_254] : memref<20480x64xf32, #tpu.memory_space<vmem_shared>> -> memref<20480x64xf32, #tpu.memory_space<vmem_shared>>
        tpu.wait_indirect_dma semaphore(%arg26 : memref<!tpu.dma_semaphore, #tpu.memory_space<semaphore_mem>>) src(%arg14 : memref<80x64xf32, #tpu.memory_space<vmem>>) dst(%dma_wait3A_255 : memref<20480x64xf32, #tpu.memory_space<vmem_shared>>)
        %dma_wait3A_256 = arith.constant 0 : i32
        %dma_wait3A_257 = tpu.memref_slice %arg9[%mul3A_174, %dma_wait3A_256] : memref<50x80xi32, #tpu.memory_space<vmem>> -> memref<1x80xi32, #tpu.memory_space<vmem>>
        %dma_wait3A_258 = tpu.memref_squeeze %dma_wait3A_257 : memref<1x80xi32, #tpu.memory_space<vmem>> -> memref<80xi32, #tpu.memory_space<vmem>>
        %dma_wait3A_259 = arith.constant 0 : i32
        %dma_wait3A_260 = tpu.memref_slice %arg21[%dma_wait3A_259] : memref<20480xf32, #tpu.memory_space<vmem_shared>> -> memref<20480xf32, #tpu.memory_space<vmem_shared>>
        tpu.wait_indirect_dma semaphore(%arg27 : memref<!tpu.dma_semaphore, #tpu.memory_space<semaphore_mem>>) src(%arg18 : memref<80xf32, #tpu.memory_space<vmem>>) dst(%dma_wait3A_260 : memref<20480xf32, #tpu.memory_space<vmem_shared>>)
        %scan3A_261 = arith.constant 0 : i32
        %scan3A_262 = arith.constant 0 : i32
        %scan3A_263 = arith.constant 20 : i32
        %scan3A_264 = arith.addi %scan3A_262, %scan3A_263 : i32
        %scan3A_265 = arith.constant 1 : i32
        scf.for %scan3A_284 = %scan3A_262 to %scan3A_264 step %scan3A_265  : i32 {
          %mul3A_285 = arith.constant 4 : i32
          %mul3A_286 = arith.muli %scan3A_284, %mul3A_285 : i32
          %add3A_287 = arith.constant 0 : i32
          %add3A_288 = arith.addi %mul3A_286, %add3A_287 : i32
          %get3A = arith.index_cast %add3A_288 : i32 to index
          %get3A_289 = arith.constant 0 : index
          %get3A_290 = tpu.vector_load %arg15[%get3A, %get3A_289] {strides = array<i32>} : memref<80x64xf32, #tpu.memory_space<vmem>>, vector<1x16xf32>,
          %get3A_291 = vector.shape_cast %get3A_290 : vector<1x16xf32> to vector<16xf32>
          %get3A_292 = arith.index_cast %add3A_288 : i32 to index
          %get3A_293 = arith.constant 0 : index
          %get3A_294 = tpu.vector_load %arg16[%get3A_292, %get3A_293] {strides = array<i32>} : memref<80x64xf32, #tpu.memory_space<vmem>>, vector<1x16xf32>,
          %get3A_295 = vector.shape_cast %get3A_294 : vector<1x16xf32> to vector<16xf32>
          %sub3A = arith.subf %get3A_291, %get3A_295 : vector<16xf32>
          %swap3A_296 = arith.index_cast %add3A_288 : i32 to index
          %swap3A_297 = arith.constant 0 : index
          %swap3A_298 = tpu.vector_load %arg17[%swap3A_296, %swap3A_297] {strides = array<i32>} : memref<80x64xf32, #tpu.memory_space<vmem>>, vector<1x16xf32>,
          %swap3A_299 = vector.shape_cast %swap3A_298 : vector<1x16xf32> to vector<16xf32>
          %swap3A_300 = vector.shape_cast %sub3A : vector<16xf32> to vector<1x16xf32>
          tpu.vector_store %arg17[%swap3A_296, %swap3A_297], %swap3A_300 {strides = array<i32>} : memref<80x64xf32, #tpu.memory_space<vmem>>, vector<1x16xf32>,
          %get3A_301 = arith.index_cast %add3A_288 : i32 to index
          %get3A_302 = arith.constant 16 : index
          %get3A_303 = tpu.vector_load %arg15[%get3A_301, %get3A_302] {strides = array<i32>} : memref<80x64xf32, #tpu.memory_space<vmem>>, vector<1x16xf32>,
          %get3A_304 = vector.shape_cast %get3A_303 : vector<1x16xf32> to vector<16xf32>
          %get3A_305 = arith.index_cast %add3A_288 : i32 to index
          %get3A_306 = arith.constant 16 : index
          %get3A_307 = tpu.vector_load %arg16[%get3A_305, %get3A_306] {strides = array<i32>} : memref<80x64xf32, #tpu.memory_space<vmem>>, vector<1x16xf32>,
          %get3A_308 = vector.shape_cast %get3A_307 : vector<1x16xf32> to vector<16xf32>
          %sub3A_309 = arith.subf %get3A_304, %get3A_308 : vector<16xf32>
          %swap3A_310 = arith.index_cast %add3A_288 : i32 to index
          %swap3A_311 = arith.constant 16 : index
          %swap3A_312 = tpu.vector_load %arg17[%swap3A_310, %swap3A_311] {strides = array<i32>} : memref<80x64xf32, #tpu.memory_space<vmem>>, vector<1x16xf32>,
          %swap3A_313 = vector.shape_cast %swap3A_312 : vector<1x16xf32> to vector<16xf32>
          %swap3A_314 = vector.shape_cast %sub3A_309 : vector<16xf32> to vector<1x16xf32>
          tpu.vector_store %arg17[%swap3A_310, %swap3A_311], %swap3A_314 {strides = array<i32>} : memref<80x64xf32, #tpu.memory_space<vmem>>, vector<1x16xf32>,
          %get3A_315 = arith.index_cast %add3A_288 : i32 to index
          %get3A_316 = arith.constant 32 : index
          %get3A_317 = tpu.vector_load %arg15[%get3A_315, %get3A_316] {strides = array<i32>} : memref<80x64xf32, #tpu.memory_space<vmem>>, vector<1x16xf32>,
          %get3A_318 = vector.shape_cast %get3A_317 : vector<1x16xf32> to vector<16xf32>
          %get3A_319 = arith.index_cast %add3A_288 : i32 to index
          %get3A_320 = arith.constant 32 : index
          %get3A_321 = tpu.vector_load %arg16[%get3A_319, %get3A_320] {strides = array<i32>} : memref<80x64xf32, #tpu.memory_space<vmem>>, vector<1x16xf32>,
          %get3A_322 = vector.shape_cast %get3A_321 : vector<1x16xf32> to vector<16xf32>
          %sub3A_323 = arith.subf %get3A_318, %get3A_322 : vector<16xf32>
          %swap3A_324 = arith.index_cast %add3A_288 : i32 to index
          %swap3A_325 = arith.constant 32 : index
          %swap3A_326 = tpu.vector_load %arg17[%swap3A_324, %swap3A_325] {strides = array<i32>} : memref<80x64xf32, #tpu.memory_space<vmem>>, vector<1x16xf32>,
          %swap3A_327 = vector.shape_cast %swap3A_326 : vector<1x16xf32> to vector<16xf32>
          %swap3A_328 = vector.shape_cast %sub3A_323 : vector<16xf32> to vector<1x16xf32>
          tpu.vector_store %arg17[%swap3A_324, %swap3A_325], %swap3A_328 {strides = array<i32>} : memref<80x64xf32, #tpu.memory_space<vmem>>, vector<1x16xf32>,
          %get3A_329 = arith.index_cast %add3A_288 : i32 to index
          %get3A_330 = arith.constant 48 : index
          %get3A_331 = tpu.vector_load %arg15[%get3A_329, %get3A_330] {strides = array<i32>} : memref<80x64xf32, #tpu.memory_space<vmem>>, vector<1x16xf32>,
          %get3A_332 = vector.shape_cast %get3A_331 : vector<1x16xf32> to vector<16xf32>
          %get3A_333 = arith.index_cast %add3A_288 : i32 to index
          %get3A_334 = arith.constant 48 : index
          %get3A_335 = tpu.vector_load %arg16[%get3A_333, %get3A_334] {strides = array<i32>} : memref<80x64xf32, #tpu.memory_space<vmem>>, vector<1x16xf32>,
          %get3A_336 = vector.shape_cast %get3A_335 : vector<1x16xf32> to vector<16xf32>
          %sub3A_337 = arith.subf %get3A_332, %get3A_336 : vector<16xf32>
          %swap3A_338 = arith.index_cast %add3A_288 : i32 to index
          %swap3A_339 = arith.constant 48 : index
          %swap3A_340 = tpu.vector_load %arg17[%swap3A_338, %swap3A_339] {strides = array<i32>} : memref<80x64xf32, #tpu.memory_space<vmem>>, vector<1x16xf32>,
          %swap3A_341 = vector.shape_cast %swap3A_340 : vector<1x16xf32> to vector<16xf32>
          %swap3A_342 = vector.shape_cast %sub3A_337 : vector<16xf32> to vector<1x16xf32>
          tpu.vector_store %arg17[%swap3A_338, %swap3A_339], %swap3A_342 {strides = array<i32>} : memref<80x64xf32, #tpu.memory_space<vmem>>, vector<1x16xf32>,
          %mul3A_343 = arith.constant 4 : i32
          %mul3A_344 = arith.muli %scan3A_284, %mul3A_343 : i32
          %add3A_345 = arith.constant 1 : i32
          %add3A_346 = arith.addi %mul3A_344, %add3A_345 : i32
          %get3A_347 = arith.index_cast %add3A_346 : i32 to index
          %get3A_348 = arith.constant 0 : index
          %get3A_349 = tpu.vector_load %arg15[%get3A_347, %get3A_348] {strides = array<i32>} : memref<80x64xf32, #tpu.memory_space<vmem>>, vector<1x16xf32>,
          %get3A_350 = vector.shape_cast %get3A_349 : vector<1x16xf32> to vector<16xf32>
          %get3A_351 = arith.index_cast %add3A_346 : i32 to index
          %get3A_352 = arith.constant 0 : index
          %get3A_353 = tpu.vector_load %arg16[%get3A_351, %get3A_352] {strides = array<i32>} : memref<80x64xf32, #tpu.memory_space<vmem>>, vector<1x16xf32>,
          %get3A_354 = vector.shape_cast %get3A_353 : vector<1x16xf32> to vector<16xf32>
          %sub3A_355 = arith.subf %get3A_350, %get3A_354 : vector<16xf32>
          %swap3A_356 = arith.index_cast %add3A_346 : i32 to index
          %swap3A_357 = arith.constant 0 : index
          %swap3A_358 = tpu.vector_load %arg17[%swap3A_356, %swap3A_357] {strides = array<i32>} : memref<80x64xf32, #tpu.memory_space<vmem>>, vector<1x16xf32>,
          %swap3A_359 = vector.shape_cast %swap3A_358 : vector<1x16xf32> to vector<16xf32>
          %swap3A_360 = vector.shape_cast %sub3A_355 : vector<16xf32> to vector<1x16xf32>
          tpu.vector_store %arg17[%swap3A_356, %swap3A_357], %swap3A_360 {strides = array<i32>} : memref<80x64xf32, #tpu.memory_space<vmem>>, vector<1x16xf32>,
          %get3A_361 = arith.index_cast %add3A_346 : i32 to index
          %get3A_362 = arith.constant 16 : index
          %get3A_363 = tpu.vector_load %arg15[%get3A_361, %get3A_362] {strides = array<i32>} : memref<80x64xf32, #tpu.memory_space<vmem>>, vector<1x16xf32>,
          %get3A_364 = vector.shape_cast %get3A_363 : vector<1x16xf32> to vector<16xf32>
          %get3A_365 = arith.index_cast %add3A_346 : i32 to index
          %get3A_366 = arith.constant 16 : index
          %get3A_367 = tpu.vector_load %arg16[%get3A_365, %get3A_366] {strides = array<i32>} : memref<80x64xf32, #tpu.memory_space<vmem>>, vector<1x16xf32>,
          %get3A_368 = vector.shape_cast %get3A_367 : vector<1x16xf32> to vector<16xf32>
          %sub3A_369 = arith.subf %get3A_364, %get3A_368 : vector<16xf32>
          %swap3A_370 = arith.index_cast %add3A_346 : i32 to index
          %swap3A_371 = arith.constant 16 : index
          %swap3A_372 = tpu.vector_load %arg17[%swap3A_370, %swap3A_371] {strides = array<i32>} : memref<80x64xf32, #tpu.memory_space<vmem>>, vector<1x16xf32>,
          %swap3A_373 = vector.shape_cast %swap3A_372 : vector<1x16xf32> to vector<16xf32>
          %swap3A_374 = vector.shape_cast %sub3A_369 : vector<16xf32> to vector<1x16xf32>
          tpu.vector_store %arg17[%swap3A_370, %swap3A_371], %swap3A_374 {strides = array<i32>} : memref<80x64xf32, #tpu.memory_space<vmem>>, vector<1x16xf32>,
          %get3A_375 = arith.index_cast %add3A_346 : i32 to index
          %get3A_376 = arith.constant 32 : index
          %get3A_377 = tpu.vector_load %arg15[%get3A_375, %get3A_376] {strides = array<i32>} : memref<80x64xf32, #tpu.memory_space<vmem>>, vector<1x16xf32>,
          %get3A_378 = vector.shape_cast %get3A_377 : vector<1x16xf32> to vector<16xf32>
          %get3A_379 = arith.index_cast %add3A_346 : i32 to index
          %get3A_380 = arith.constant 32 : index
          %get3A_381 = tpu.vector_load %arg16[%get3A_379, %get3A_380] {strides = array<i32>} : memref<80x64xf32, #tpu.memory_space<vmem>>, vector<1x16xf32>,
          %get3A_382 = vector.shape_cast %get3A_381 : vector<1x16xf32> to vector<16xf32>
          %sub3A_383 = arith.subf %get3A_378, %get3A_382 : vector<16xf32>
          %swap3A_384 = arith.index_cast %add3A_346 : i32 to index
          %swap3A_385 = arith.constant 32 : index
          %swap3A_386 = tpu.vector_load %arg17[%swap3A_384, %swap3A_385] {strides = array<i32>} : memref<80x64xf32, #tpu.memory_space<vmem>>, vector<1x16xf32>,
          %swap3A_387 = vector.shape_cast %swap3A_386 : vector<1x16xf32> to vector<16xf32>
          %swap3A_388 = vector.shape_cast %sub3A_383 : vector<16xf32> to vector<1x16xf32>
          tpu.vector_store %arg17[%swap3A_384, %swap3A_385], %swap3A_388 {strides = array<i32>} : memref<80x64xf32, #tpu.memory_space<vmem>>, vector<1x16xf32>,
          %get3A_389 = arith.index_cast %add3A_346 : i32 to index
          %get3A_390 = arith.constant 48 : index
          %get3A_391 = tpu.vector_load %arg15[%get3A_389, %get3A_390] {strides = array<i32>} : memref<80x64xf32, #tpu.memory_space<vmem>>, vector<1x16xf32>,
          %get3A_392 = vector.shape_cast %get3A_391 : vector<1x16xf32> to vector<16xf32>
          %get3A_393 = arith.index_cast %add3A_346 : i32 to index
          %get3A_394 = arith.constant 48 : index
          %get3A_395 = tpu.vector_load %arg16[%get3A_393, %get3A_394] {strides = array<i32>} : memref<80x64xf32, #tpu.memory_space<vmem>>, vector<1x16xf32>,
          %get3A_396 = vector.shape_cast %get3A_395 : vector<1x16xf32> to vector<16xf32>
          %sub3A_397 = arith.subf %get3A_392, %get3A_396 : vector<16xf32>
          %swap3A_398 = arith.index_cast %add3A_346 : i32 to index
          %swap3A_399 = arith.constant 48 : index
          %swap3A_400 = tpu.vector_load %arg17[%swap3A_398, %swap3A_399] {strides = array<i32>} : memref<80x64xf32, #tpu.memory_space<vmem>>, vector<1x16xf32>,
          %swap3A_401 = vector.shape_cast %swap3A_400 : vector<1x16xf32> to vector<16xf32>
          %swap3A_402 = vector.shape_cast %sub3A_397 : vector<16xf32> to vector<1x16xf32>
          tpu.vector_store %arg17[%swap3A_398, %swap3A_399], %swap3A_402 {strides = array<i32>} : memref<80x64xf32, #tpu.memory_space<vmem>>, vector<1x16xf32>,
          %mul3A_403 = arith.constant 4 : i32
          %mul3A_404 = arith.muli %scan3A_284, %mul3A_403 : i32
          %add3A_405 = arith.constant 2 : i32
          %add3A_406 = arith.addi %mul3A_404, %add3A_405 : i32
          %get3A_407 = arith.index_cast %add3A_406 : i32 to index
          %get3A_408 = arith.constant 0 : index
          %get3A_409 = tpu.vector_load %arg15[%get3A_407, %get3A_408] {strides = array<i32>} : memref<80x64xf32, #tpu.memory_space<vmem>>, vector<1x16xf32>,
          %get3A_410 = vector.shape_cast %get3A_409 : vector<1x16xf32> to vector<16xf32>
          %get3A_411 = arith.index_cast %add3A_406 : i32 to index
          %get3A_412 = arith.constant 0 : index
          %get3A_413 = tpu.vector_load %arg16[%get3A_411, %get3A_412] {strides = array<i32>} : memref<80x64xf32, #tpu.memory_space<vmem>>, vector<1x16xf32>,
          %get3A_414 = vector.shape_cast %get3A_413 : vector<1x16xf32> to vector<16xf32>
          %sub3A_415 = arith.subf %get3A_410, %get3A_414 : vector<16xf32>
          %swap3A_416 = arith.index_cast %add3A_406 : i32 to index
          %swap3A_417 = arith.constant 0 : index
          %swap3A_418 = tpu.vector_load %arg17[%swap3A_416, %swap3A_417] {strides = array<i32>} : memref<80x64xf32, #tpu.memory_space<vmem>>, vector<1x16xf32>,
          %swap3A_419 = vector.shape_cast %swap3A_418 : vector<1x16xf32> to vector<16xf32>
          %swap3A_420 = vector.shape_cast %sub3A_415 : vector<16xf32> to vector<1x16xf32>
          tpu.vector_store %arg17[%swap3A_416, %swap3A_417], %swap3A_420 {strides = array<i32>} : memref<80x64xf32, #tpu.memory_space<vmem>>, vector<1x16xf32>,
          %get3A_421 = arith.index_cast %add3A_406 : i32 to index
          %get3A_422 = arith.constant 16 : index
          %get3A_423 = tpu.vector_load %arg15[%get3A_421, %get3A_422] {strides = array<i32>} : memref<80x64xf32, #tpu.memory_space<vmem>>, vector<1x16xf32>,
          %get3A_424 = vector.shape_cast %get3A_423 : vector<1x16xf32> to vector<16xf32>
          %get3A_425 = arith.index_cast %add3A_406 : i32 to index
          %get3A_426 = arith.constant 16 : index
          %get3A_427 = tpu.vector_load %arg16[%get3A_425, %get3A_426] {strides = array<i32>} : memref<80x64xf32, #tpu.memory_space<vmem>>, vector<1x16xf32>,
          %get3A_428 = vector.shape_cast %get3A_427 : vector<1x16xf32> to vector<16xf32>
          %sub3A_429 = arith.subf %get3A_424, %get3A_428 : vector<16xf32>
          %swap3A_430 = arith.index_cast %add3A_406 : i32 to index
          %swap3A_431 = arith.constant 16 : index
          %swap3A_432 = tpu.vector_load %arg17[%swap3A_430, %swap3A_431] {strides = array<i32>} : memref<80x64xf32, #tpu.memory_space<vmem>>, vector<1x16xf32>,
          %swap3A_433 = vector.shape_cast %swap3A_432 : vector<1x16xf32> to vector<16xf32>
          %swap3A_434 = vector.shape_cast %sub3A_429 : vector<16xf32> to vector<1x16xf32>
          tpu.vector_store %arg17[%swap3A_430, %swap3A_431], %swap3A_434 {strides = array<i32>} : memref<80x64xf32, #tpu.memory_space<vmem>>, vector<1x16xf32>,
          %get3A_435 = arith.index_cast %add3A_406 : i32 to index
          %get3A_436 = arith.constant 32 : index
          %get3A_437 = tpu.vector_load %arg15[%get3A_435, %get3A_436] {strides = array<i32>} : memref<80x64xf32, #tpu.memory_space<vmem>>, vector<1x16xf32>,
          %get3A_438 = vector.shape_cast %get3A_437 : vector<1x16xf32> to vector<16xf32>
          %get3A_439 = arith.index_cast %add3A_406 : i32 to index
          %get3A_440 = arith.constant 32 : index
          %get3A_441 = tpu.vector_load %arg16[%get3A_439, %get3A_440] {strides = array<i32>} : memref<80x64xf32, #tpu.memory_space<vmem>>, vector<1x16xf32>,
          %get3A_442 = vector.shape_cast %get3A_441 : vector<1x16xf32> to vector<16xf32>
          %sub3A_443 = arith.subf %get3A_438, %get3A_442 : vector<16xf32>
          %swap3A_444 = arith.index_cast %add3A_406 : i32 to index
          %swap3A_445 = arith.constant 32 : index
          %swap3A_446 = tpu.vector_load %arg17[%swap3A_444, %swap3A_445] {strides = array<i32>} : memref<80x64xf32, #tpu.memory_space<vmem>>, vector<1x16xf32>,
          %swap3A_447 = vector.shape_cast %swap3A_446 : vector<1x16xf32> to vector<16xf32>
          %swap3A_448 = vector.shape_cast %sub3A_443 : vector<16xf32> to vector<1x16xf32>
          tpu.vector_store %arg17[%swap3A_444, %swap3A_445], %swap3A_448 {strides = array<i32>} : memref<80x64xf32, #tpu.memory_space<vmem>>, vector<1x16xf32>,
          %get3A_449 = arith.index_cast %add3A_406 : i32 to index
          %get3A_450 = arith.constant 48 : index
          %get3A_451 = tpu.vector_load %arg15[%get3A_449, %get3A_450] {strides = array<i32>} : memref<80x64xf32, #tpu.memory_space<vmem>>, vector<1x16xf32>,
          %get3A_452 = vector.shape_cast %get3A_451 : vector<1x16xf32> to vector<16xf32>
          %get3A_453 = arith.index_cast %add3A_406 : i32 to index
          %get3A_454 = arith.constant 48 : index
          %get3A_455 = tpu.vector_load %arg16[%get3A_453, %get3A_454] {strides = array<i32>} : memref<80x64xf32, #tpu.memory_space<vmem>>, vector<1x16xf32>,
          %get3A_456 = vector.shape_cast %get3A_455 : vector<1x16xf32> to vector<16xf32>
          %sub3A_457 = arith.subf %get3A_452, %get3A_456 : vector<16xf32>
          %swap3A_458 = arith.index_cast %add3A_406 : i32 to index
          %swap3A_459 = arith.constant 48 : index
          %swap3A_460 = tpu.vector_load %arg17[%swap3A_458, %swap3A_459] {strides = array<i32>} : memref<80x64xf32, #tpu.memory_space<vmem>>, vector<1x16xf32>,
          %swap3A_461 = vector.shape_cast %swap3A_460 : vector<1x16xf32> to vector<16xf32>
          %swap3A_462 = vector.shape_cast %sub3A_457 : vector<16xf32> to vector<1x16xf32>
          tpu.vector_store %arg17[%swap3A_458, %swap3A_459], %swap3A_462 {strides = array<i32>} : memref<80x64xf32, #tpu.memory_space<vmem>>, vector<1x16xf32>,
          %mul3A_463 = arith.constant 4 : i32
          %mul3A_464 = arith.muli %scan3A_284, %mul3A_463 : i32
          %add3A_465 = arith.constant 3 : i32
          %add3A_466 = arith.addi %mul3A_464, %add3A_465 : i32
          %get3A_467 = arith.index_cast %add3A_466 : i32 to index
          %get3A_468 = arith.constant 0 : index
          %get3A_469 = tpu.vector_load %arg15[%get3A_467, %get3A_468] {strides = array<i32>} : memref<80x64xf32, #tpu.memory_space<vmem>>, vector<1x16xf32>,
          %get3A_470 = vector.shape_cast %get3A_469 : vector<1x16xf32> to vector<16xf32>
          %get3A_471 = arith.index_cast %add3A_466 : i32 to index
          %get3A_472 = arith.constant 0 : index
          %get3A_473 = tpu.vector_load %arg16[%get3A_471, %get3A_472] {strides = array<i32>} : memref<80x64xf32, #tpu.memory_space<vmem>>, vector<1x16xf32>,
          %get3A_474 = vector.shape_cast %get3A_473 : vector<1x16xf32> to vector<16xf32>
          %sub3A_475 = arith.subf %get3A_470, %get3A_474 : vector<16xf32>
          %swap3A_476 = arith.index_cast %add3A_466 : i32 to index
          %swap3A_477 = arith.constant 0 : index
          %swap3A_478 = tpu.vector_load %arg17[%swap3A_476, %swap3A_477] {strides = array<i32>} : memref<80x64xf32, #tpu.memory_space<vmem>>, vector<1x16xf32>,
          %swap3A_479 = vector.shape_cast %swap3A_478 : vector<1x16xf32> to vector<16xf32>
          %swap3A_480 = vector.shape_cast %sub3A_475 : vector<16xf32> to vector<1x16xf32>
          tpu.vector_store %arg17[%swap3A_476, %swap3A_477], %swap3A_480 {strides = array<i32>} : memref<80x64xf32, #tpu.memory_space<vmem>>, vector<1x16xf32>,
          %get3A_481 = arith.index_cast %add3A_466 : i32 to index
          %get3A_482 = arith.constant 16 : index
          %get3A_483 = tpu.vector_load %arg15[%get3A_481, %get3A_482] {strides = array<i32>} : memref<80x64xf32, #tpu.memory_space<vmem>>, vector<1x16xf32>,
          %get3A_484 = vector.shape_cast %get3A_483 : vector<1x16xf32> to vector<16xf32>
          %get3A_485 = arith.index_cast %add3A_466 : i32 to index
          %get3A_486 = arith.constant 16 : index
          %get3A_487 = tpu.vector_load %arg16[%get3A_485, %get3A_486] {strides = array<i32>} : memref<80x64xf32, #tpu.memory_space<vmem>>, vector<1x16xf32>,
          %get3A_488 = vector.shape_cast %get3A_487 : vector<1x16xf32> to vector<16xf32>
          %sub3A_489 = arith.subf %get3A_484, %get3A_488 : vector<16xf32>
          %swap3A_490 = arith.index_cast %add3A_466 : i32 to index
          %swap3A_491 = arith.constant 16 : index
          %swap3A_492 = tpu.vector_load %arg17[%swap3A_490, %swap3A_491] {strides = array<i32>} : memref<80x64xf32, #tpu.memory_space<vmem>>, vector<1x16xf32>,
          %swap3A_493 = vector.shape_cast %swap3A_492 : vector<1x16xf32> to vector<16xf32>
          %swap3A_494 = vector.shape_cast %sub3A_489 : vector<16xf32> to vector<1x16xf32>
          tpu.vector_store %arg17[%swap3A_490, %swap3A_491], %swap3A_494 {strides = array<i32>} : memref<80x64xf32, #tpu.memory_space<vmem>>, vector<1x16xf32>,
          %get3A_495 = arith.index_cast %add3A_466 : i32 to index
          %get3A_496 = arith.constant 32 : index
          %get3A_497 = tpu.vector_load %arg15[%get3A_495, %get3A_496] {strides = array<i32>} : memref<80x64xf32, #tpu.memory_space<vmem>>, vector<1x16xf32>,
          %get3A_498 = vector.shape_cast %get3A_497 : vector<1x16xf32> to vector<16xf32>
          %get3A_499 = arith.index_cast %add3A_466 : i32 to index
          %get3A_500 = arith.constant 32 : index
          %get3A_501 = tpu.vector_load %arg16[%get3A_499, %get3A_500] {strides = array<i32>} : memref<80x64xf32, #tpu.memory_space<vmem>>, vector<1x16xf32>,
          %get3A_502 = vector.shape_cast %get3A_501 : vector<1x16xf32> to vector<16xf32>
          %sub3A_503 = arith.subf %get3A_498, %get3A_502 : vector<16xf32>
          %swap3A_504 = arith.index_cast %add3A_466 : i32 to index
          %swap3A_505 = arith.constant 32 : index
          %swap3A_506 = tpu.vector_load %arg17[%swap3A_504, %swap3A_505] {strides = array<i32>} : memref<80x64xf32, #tpu.memory_space<vmem>>, vector<1x16xf32>,
          %swap3A_507 = vector.shape_cast %swap3A_506 : vector<1x16xf32> to vector<16xf32>
          %swap3A_508 = vector.shape_cast %sub3A_503 : vector<16xf32> to vector<1x16xf32>
          tpu.vector_store %arg17[%swap3A_504, %swap3A_505], %swap3A_508 {strides = array<i32>} : memref<80x64xf32, #tpu.memory_space<vmem>>, vector<1x16xf32>,
          %get3A_509 = arith.index_cast %add3A_466 : i32 to index
          %get3A_510 = arith.constant 48 : index
          %get3A_511 = tpu.vector_load %arg15[%get3A_509, %get3A_510] {strides = array<i32>} : memref<80x64xf32, #tpu.memory_space<vmem>>, vector<1x16xf32>,
          %get3A_512 = vector.shape_cast %get3A_511 : vector<1x16xf32> to vector<16xf32>
          %get3A_513 = arith.index_cast %add3A_466 : i32 to index
          %get3A_514 = arith.constant 48 : index
          %get3A_515 = tpu.vector_load %arg16[%get3A_513, %get3A_514] {strides = array<i32>} : memref<80x64xf32, #tpu.memory_space<vmem>>, vector<1x16xf32>,
          %get3A_516 = vector.shape_cast %get3A_515 : vector<1x16xf32> to vector<16xf32>
          %sub3A_517 = arith.subf %get3A_512, %get3A_516 : vector<16xf32>
          %swap3A_518 = arith.index_cast %add3A_466 : i32 to index
          %swap3A_519 = arith.constant 48 : index
          %swap3A_520 = tpu.vector_load %arg17[%swap3A_518, %swap3A_519] {strides = array<i32>} : memref<80x64xf32, #tpu.memory_space<vmem>>, vector<1x16xf32>,
          %swap3A_521 = vector.shape_cast %swap3A_520 : vector<1x16xf32> to vector<16xf32>
          %swap3A_522 = vector.shape_cast %sub3A_517 : vector<16xf32> to vector<1x16xf32>
          tpu.vector_store %arg17[%swap3A_518, %swap3A_519], %swap3A_522 {strides = array<i32>} : memref<80x64xf32, #tpu.memory_space<vmem>>, vector<1x16xf32>,
        }
        %scan3A_266 = arith.constant 20 : i32
        %dma_start3A_267 = arith.constant 0 : i32
        %dma_start3A_268 = tpu.memref_slice %arg9[%add3A_178, %dma_start3A_267] : memref<50x80xi32, #tpu.memory_space<vmem>> -> memref<1x80xi32, #tpu.memory_space<vmem>>
        %dma_start3A_269 = tpu.memref_squeeze %dma_start3A_268 : memref<1x80xi32, #tpu.memory_space<vmem>> -> memref<80xi32, #tpu.memory_space<vmem>>
        %dma_start3A_270 = arith.constant 0 : i32
        %dma_start3A_271 = arith.constant 0 : i32
        %dma_start3A_272 = tpu.memref_slice %arg20[%dma_start3A_270, %dma_start3A_271] : memref<20480x64xf32, #tpu.memory_space<vmem_shared>> -> memref<20480x64xf32, #tpu.memory_space<vmem_shared>>
        tpu.enqueue_indirect_dma source(%arg17 : memref<80x64xf32, #tpu.memory_space<vmem>>) target(%dma_start3A_272 : memref<20480x64xf32, #tpu.memory_space<vmem_shared>>) offsets(%dma_start3A_269 : memref<80xi32, #tpu.memory_space<vmem>>) semaphore(%arg28 : memref<!tpu.dma_semaphore, #tpu.memory_space<semaphore_mem>>) {add = true}
        %dma_wait3A_273 = arith.constant 0 : i32
        %dma_wait3A_274 = tpu.memref_slice %arg9[%add3A_178, %dma_wait3A_273] : memref<50x80xi32, #tpu.memory_space<vmem>> -> memref<1x80xi32, #tpu.memory_space<vmem>>
        %dma_wait3A_275 = tpu.memref_squeeze %dma_wait3A_274 : memref<1x80xi32, #tpu.memory_space<vmem>> -> memref<80xi32, #tpu.memory_space<vmem>>
        %dma_wait3A_276 = arith.constant 0 : i32
        %dma_wait3A_277 = arith.constant 0 : i32
        %dma_wait3A_278 = tpu.memref_slice %arg20[%dma_wait3A_276, %dma_wait3A_277] : memref<20480x64xf32, #tpu.memory_space<vmem_shared>> -> memref<20480x64xf32, #tpu.memory_space<vmem_shared>>
        tpu.wait_indirect_dma semaphore(%arg28 : memref<!tpu.dma_semaphore, #tpu.memory_space<semaphore_mem>>) src(%arg17 : memref<80x64xf32, #tpu.memory_space<vmem>>) dst(%dma_wait3A_278 : memref<20480x64xf32, #tpu.memory_space<vmem_shared>>)
        %dma_wait3A_279 = arith.constant 0 : i32
        %dma_wait3A_280 = tpu.memref_slice %arg9[%add3A_178, %dma_wait3A_279] : memref<50x80xi32, #tpu.memory_space<vmem>> -> memref<1x80xi32, #tpu.memory_space<vmem>>
        %dma_wait3A_281 = tpu.memref_squeeze %dma_wait3A_280 : memref<1x80xi32, #tpu.memory_space<vmem>> -> memref<80xi32, #tpu.memory_space<vmem>>
        %dma_wait3A_282 = arith.constant 0 : i32
        %dma_wait3A_283 = tpu.memref_slice %arg21[%dma_wait3A_282] : memref<20480xf32, #tpu.memory_space<vmem_shared>> -> memref<20480xf32, #tpu.memory_space<vmem_shared>>
        tpu.wait_indirect_dma semaphore(%arg29 : memref<!tpu.dma_semaphore, #tpu.memory_space<semaphore_mem>>) src(%arg18 : memref<80xf32, #tpu.memory_space<vmem>>) dst(%dma_wait3A_283 : memref<20480xf32, #tpu.memory_space<vmem_shared>>)
      }
      %scan3A_171 = arith.constant 25 : i32
    }
    %scan3A_134 = arith.constant 5 : i32
    %barrier3A_135 = arith.constant 0 : index
    tpu.barrier barrier_id(%barrier3A_135)
    "tpu.region"() ({
      %run_scoped3A = tpu.sem_alloc : memref<!tpu.dma_semaphore, #tpu.memory_space<semaphore_mem>>
      %dma_start3A = arith.constant 0 : i32
      %dma_start3A_136 = tpu.memref_slice %arg7[%arg0, %mul3A_65, %dma_start3A] : memref<2x20480x64xf32, #tpu.memory_space<hbm>> -> memref<1x1280x64xf32, #tpu.memory_space<hbm>>
      %dma_start3A_137 = tpu.memref_squeeze %dma_start3A_136 : memref<1x1280x64xf32, #tpu.memory_space<hbm>> -> memref<1280x64xf32, #tpu.memory_space<hbm>>
      %dma_start3A_138 = arith.constant 0 : i32
      %dma_start3A_139 = tpu.memref_slice %arg20[%mul3A_65, %dma_start3A_138] : memref<20480x64xf32, #tpu.memory_space<vmem_shared>> -> memref<1280x64xf32, #tpu.memory_space<vmem_shared>>
      tpu.enqueue_dma source(%dma_start3A_139 : memref<1280x64xf32, #tpu.memory_space<vmem_shared>>) target(%dma_start3A_137 : memref<1280x64xf32, #tpu.memory_space<hbm>>) target_semaphore(%run_scoped3A : memref<!tpu.dma_semaphore, #tpu.memory_space<semaphore_mem>>)
      %dma_wait3A = arith.constant 0 : i32
      %dma_wait3A_140 = tpu.memref_slice %arg7[%arg0, %mul3A_65, %dma_wait3A] : memref<2x20480x64xf32, #tpu.memory_space<hbm>> -> memref<1x1280x64xf32, #tpu.memory_space<hbm>>
      %dma_wait3A_141 = tpu.memref_squeeze %dma_wait3A_140 : memref<1x1280x64xf32, #tpu.memory_space<hbm>> -> memref<1280x64xf32, #tpu.memory_space<hbm>>
      %dma_wait3A_142 = arith.constant 0 : i32
      %dma_wait3A_143 = tpu.memref_slice %arg20[%mul3A_65, %dma_wait3A_142] : memref<20480x64xf32, #tpu.memory_space<vmem_shared>> -> memref<1280x64xf32, #tpu.memory_space<vmem_shared>>
      tpu.wait_dma2 semaphore(%run_scoped3A : memref<!tpu.dma_semaphore, #tpu.memory_space<semaphore_mem>>) src(%dma_wait3A_143 : memref<1280x64xf32, #tpu.memory_space<vmem_shared>>) dst(%dma_wait3A_141 : memref<1280x64xf32, #tpu.memory_space<hbm>>)
      tpu.yield
    }) : () -> ()
    "tpu.region"() ({
      %run_scoped3A = tpu.sem_alloc : memref<!tpu.dma_semaphore, #tpu.memory_space<semaphore_mem>>
      %dma_start3A = tpu.memref_slice %arg8[%arg0, %mul3A_65] : memref<2x20480xf32, #tpu.memory_space<hbm>> -> memref<1x1280xf32, #tpu.memory_space<hbm>>
      %dma_start3A_136 = tpu.memref_squeeze %dma_start3A : memref<1x1280xf32, #tpu.memory_space<hbm>> -> memref<1280xf32, #tpu.memory_space<hbm>>
      %dma_start3A_137 = tpu.memref_slice %arg21[%mul3A_65] : memref<20480xf32, #tpu.memory_space<vmem_shared>> -> memref<1280xf32, #tpu.memory_space<vmem_shared>>
      tpu.enqueue_dma source(%dma_start3A_137 : memref<1280xf32, #tpu.memory_space<vmem_shared>>) target(%dma_start3A_136 : memref<1280xf32, #tpu.memory_space<hbm>>) target_semaphore(%run_scoped3A : memref<!tpu.dma_semaphore, #tpu.memory_space<semaphore_mem>>)
      %dma_wait3A = tpu.memref_slice %arg8[%arg0, %mul3A_65] : memref<2x20480xf32, #tpu.memory_space<hbm>> -> memref<1x1280xf32, #tpu.memory_space<hbm>>
      %dma_wait3A_138 = tpu.memref_squeeze %dma_wait3A : memref<1x1280xf32, #tpu.memory_space<hbm>> -> memref<1280xf32, #tpu.memory_space<hbm>>
      %dma_wait3A_139 = tpu.memref_slice %arg21[%mul3A_65] : memref<20480xf32, #tpu.memory_space<vmem_shared>> -> memref<1280xf32, #tpu.memory_space<vmem_shared>>
      tpu.wait_dma2 semaphore(%run_scoped3A : memref<!tpu.dma_semaphore, #tpu.memory_space<semaphore_mem>>) src(%dma_wait3A_139 : memref<1280xf32, #tpu.memory_space<vmem_shared>>) dst(%dma_wait3A_138 : memref<1280xf32, #tpu.memory_space<hbm>>)
      tpu.yield
    }) : () -> ()
    return
  }
}

module attributes {stable_mosaic.version = 14 : i64} {
  func.func @_e_out_body(%arg0: i32, %arg1: memref<2000x128xf32, #tpu.memory_space<vmem>>, %arg2: memref<128x128xf32, #tpu.memory_space<vmem>>, %arg3: memref<1x128xf32, #tpu.memory_space<vmem>>, %arg4: memref<2000x128xf32, #tpu.memory_space<vmem>>) attributes {dimension_semantics = [#tpu.dimension_semantics<arbitrary>], iteration_bounds = array<i64: 160>, scalar_prefetch = 0 : i64, scratch_operands = 0 : i64, tpu.core_type = #tpu.core_type<tc>, window_params = [{transform_indices = @transform_0, window_bounds = array<i64: 2000, 128>}, {pipeline_mode = #tpu.pipeline_mode<synchronous>, transform_indices = @transform_1, window_bounds = array<i64: 128, 128>}, {pipeline_mode = #tpu.pipeline_mode<synchronous>, transform_indices = @transform_2, window_bounds = array<i64: 1, 128>}, {transform_indices = @transform_3, window_bounds = array<i64: 2000, 128>}]} {
    %get3A = arith.constant 0 : index
    %get3A_0 = arith.constant 0 : index
    %get3A_1 = vector.load %arg1[%get3A, %get3A_0] : memref<2000x128xf32, #tpu.memory_space<vmem>>, vector<2000x128xf32>
    %get3A_2 = arith.constant 0 : index
    %get3A_3 = arith.constant 0 : index
    %get3A_4 = vector.load %arg2[%get3A_2, %get3A_3] : memref<128x128xf32, #tpu.memory_space<vmem>>, vector<128x128xf32>
    %dot_general3A = arith.constant dense<0.000000e+00> : vector<2000x128xf32>
    %dot_general3A_5 = tpu.matmul %get3A_1, %get3A_4, %dot_general3A {dimension_numbers = #tpu.dot_dimension_numbers<[1], [0], [0], [1], [0, 0, 1, 1], [], []>, transpose_lhs_hint = false} : vector<2000x128xf32>, vector<128x128xf32>, vector<2000x128xf32> -> vector<2000x128xf32>
    %get3A_6 = arith.constant 0 : index
    %get3A_7 = arith.constant 0 : index
    %get3A_8 = vector.load %arg3[%get3A_6, %get3A_7] : memref<1x128xf32, #tpu.memory_space<vmem>>, vector<1x128xf32>
    %add3A = vector.broadcast %get3A_8 : vector<1x128xf32> to vector<2000x128xf32>
    %add3A_9 = arith.addf %dot_general3A_5, %add3A : vector<2000x128xf32>
    %swap3A = arith.constant 0 : index
    %swap3A_10 = arith.constant 0 : index
    %swap3A_11 = vector.load %arg4[%swap3A, %swap3A_10] : memref<2000x128xf32, #tpu.memory_space<vmem>>, vector<2000x128xf32>
    tpu.vector_store %arg4[%swap3A, %swap3A_10], %add3A_9 {strides = array<i32>} : memref<2000x128xf32, #tpu.memory_space<vmem>>, vector<2000x128xf32>,
    return
  }
  func.func @transform_0(%arg0: i32) -> (i32, i32) {
    %c0_i32 = arith.constant 0 : i32
    %c0_i32_0 = arith.constant 0 : i32
    return %arg0, %c0_i32 : i32, i32
  }
  func.func @transform_1(%arg0: i32) -> (i32, i32) {
    %c0_i32 = arith.constant 0 : i32
    %c0_i32_0 = arith.constant 0 : i32
    %c0_i32_1 = arith.constant 0 : i32
    return %c0_i32, %c0_i32_0 : i32, i32
  }
  func.func @transform_2(%arg0: i32) -> (i32, i32) {
    %c0_i32 = arith.constant 0 : i32
    %c0_i32_0 = arith.constant 0 : i32
    %c0_i32_1 = arith.constant 0 : i32
    return %c0_i32, %c0_i32_0 : i32, i32
  }
  func.func @transform_3(%arg0: i32) -> (i32, i32) {
    %c0_i32 = arith.constant 0 : i32
    %c0_i32_0 = arith.constant 0 : i32
    return %arg0, %c0_i32 : i32, i32
  }
}

module attributes {stable_mosaic.version = 14 : i64} {
  func.func @_n_assemble_body(%arg0: i32, %arg1: memref<2x1000x64xf32, #tpu.memory_space<vmem>>, %arg2: memref<2x1000x64xf32, #tpu.memory_space<vmem>>, %arg3: memref<2x1000x1xf32, #tpu.memory_space<vmem>>, %arg4: memref<2x1000x1xf32, #tpu.memory_space<vmem>>, %arg5: memref<128x128xf32, #tpu.memory_space<vmem>>, %arg6: memref<128x128xf32, #tpu.memory_space<vmem>>, %arg7: memref<1x128xf32, #tpu.memory_space<vmem>>, %arg8: memref<1x128xf32, #tpu.memory_space<vmem>>, %arg9: memref<1000x128xf32, #tpu.memory_space<vmem>>) attributes {dimension_semantics = [#tpu.dimension_semantics<arbitrary>], iteration_bounds = array<i64: 10>, scalar_prefetch = 0 : i64, scratch_operands = 0 : i64, tpu.core_type = #tpu.core_type<tc>, window_params = [{transform_indices = @transform_0, window_bounds = array<i64: 2, 1000, 64>}, {transform_indices = @transform_1, window_bounds = array<i64: 2, 1000, 64>}, {transform_indices = @transform_2, window_bounds = array<i64: 2, 1000, 1>}, {transform_indices = @transform_3, window_bounds = array<i64: 2, 1000, 1>}, {pipeline_mode = #tpu.pipeline_mode<synchronous>, transform_indices = @transform_4, window_bounds = array<i64: 128, 128>}, {pipeline_mode = #tpu.pipeline_mode<synchronous>, transform_indices = @transform_5, window_bounds = array<i64: 128, 128>}, {pipeline_mode = #tpu.pipeline_mode<synchronous>, transform_indices = @transform_6, window_bounds = array<i64: 1, 128>}, {pipeline_mode = #tpu.pipeline_mode<synchronous>, transform_indices = @transform_7, window_bounds = array<i64: 1, 128>}, {transform_indices = @transform_8, window_bounds = array<i64: 1000, 128>}]} {
    %get3A = arith.constant 0 : index
    %get3A_0 = arith.constant 0 : index
    %get3A_1 = arith.constant 0 : index
    %get3A_2 = vector.load %arg1[%get3A, %get3A_0, %get3A_1] : memref<2x1000x64xf32, #tpu.memory_space<vmem>>, vector<1x1000x64xf32>
    %get3A_3 = vector.shape_cast %get3A_2 : vector<1x1000x64xf32> to vector<1000x64xf32>
    %get3A_4 = arith.constant 0 : index
    %get3A_5 = arith.constant 0 : index
    %get3A_6 = vector.load %arg5[%get3A_4, %get3A_5] : memref<128x128xf32, #tpu.memory_space<vmem>>, vector<64x128xf32>
    %dot_general3A = arith.constant dense<0.000000e+00> : vector<1000x128xf32>
    %dot_general3A_7 = tpu.matmul %get3A_3, %get3A_6, %dot_general3A {dimension_numbers = #tpu.dot_dimension_numbers<[1], [0], [0], [1], [0, 0, 1, 1], [], []>, transpose_lhs_hint = false} : vector<1000x64xf32>, vector<64x128xf32>, vector<1000x128xf32> -> vector<1000x128xf32>
    %get3A_8 = arith.constant 1 : index
    %get3A_9 = arith.constant 0 : index
    %get3A_10 = arith.constant 0 : index
    %get3A_11 = vector.load %arg1[%get3A_8, %get3A_9, %get3A_10] : memref<2x1000x64xf32, #tpu.memory_space<vmem>>, vector<1x1000x64xf32>
    %get3A_12 = vector.shape_cast %get3A_11 : vector<1x1000x64xf32> to vector<1000x64xf32>
    %get3A_13 = arith.constant 64 : index
    %get3A_14 = arith.constant 0 : index
    %get3A_15 = vector.load %arg5[%get3A_13, %get3A_14] : memref<128x128xf32, #tpu.memory_space<vmem>>, vector<64x128xf32>
    %dot_general3A_16 = arith.constant dense<0.000000e+00> : vector<1000x128xf32>
    %dot_general3A_17 = tpu.matmul %get3A_12, %get3A_15, %dot_general3A_16 {dimension_numbers = #tpu.dot_dimension_numbers<[1], [0], [0], [1], [0, 0, 1, 1], [], []>, transpose_lhs_hint = false} : vector<1000x64xf32>, vector<64x128xf32>, vector<1000x128xf32> -> vector<1000x128xf32>
    %add3A = arith.addf %dot_general3A_7, %dot_general3A_17 : vector<1000x128xf32>
    %get3A_18 = arith.constant 0 : index
    %get3A_19 = arith.constant 0 : index
    %get3A_20 = arith.constant 0 : index
    %get3A_21 = vector.load %arg2[%get3A_18, %get3A_19, %get3A_20] : memref<2x1000x64xf32, #tpu.memory_space<vmem>>, vector<1x1000x64xf32>
    %get3A_22 = vector.shape_cast %get3A_21 : vector<1x1000x64xf32> to vector<1000x64xf32>
    %get3A_23 = arith.constant 0 : index
    %get3A_24 = arith.constant 0 : index
    %get3A_25 = vector.load %arg6[%get3A_23, %get3A_24] : memref<128x128xf32, #tpu.memory_space<vmem>>, vector<64x128xf32>
    %dot_general3A_26 = arith.constant dense<0.000000e+00> : vector<1000x128xf32>
    %dot_general3A_27 = tpu.matmul %get3A_22, %get3A_25, %dot_general3A_26 {dimension_numbers = #tpu.dot_dimension_numbers<[1], [0], [0], [1], [0, 0, 1, 1], [], []>, transpose_lhs_hint = false} : vector<1000x64xf32>, vector<64x128xf32>, vector<1000x128xf32> -> vector<1000x128xf32>
    %add3A_28 = arith.addf %add3A, %dot_general3A_27 : vector<1000x128xf32>
    %get3A_29 = arith.constant 1 : index
    %get3A_30 = arith.constant 0 : index
    %get3A_31 = arith.constant 0 : index
    %get3A_32 = vector.load %arg2[%get3A_29, %get3A_30, %get3A_31] : memref<2x1000x64xf32, #tpu.memory_space<vmem>>, vector<1x1000x64xf32>
    %get3A_33 = vector.shape_cast %get3A_32 : vector<1x1000x64xf32> to vector<1000x64xf32>
    %get3A_34 = arith.constant 64 : index
    %get3A_35 = arith.constant 0 : index
    %get3A_36 = vector.load %arg6[%get3A_34, %get3A_35] : memref<128x128xf32, #tpu.memory_space<vmem>>, vector<64x128xf32>
    %dot_general3A_37 = arith.constant dense<0.000000e+00> : vector<1000x128xf32>
    %dot_general3A_38 = tpu.matmul %get3A_33, %get3A_36, %dot_general3A_37 {dimension_numbers = #tpu.dot_dimension_numbers<[1], [0], [0], [1], [0, 0, 1, 1], [], []>, transpose_lhs_hint = false} : vector<1000x64xf32>, vector<64x128xf32>, vector<1000x128xf32> -> vector<1000x128xf32>
    %add3A_39 = arith.addf %add3A_28, %dot_general3A_38 : vector<1000x128xf32>
    %get3A_40 = arith.constant 0 : index
    %get3A_41 = arith.constant 0 : index
    %get3A_42 = arith.constant 0 : index
    %get3A_43 = vector.load %arg3[%get3A_40, %get3A_41, %get3A_42] : memref<2x1000x1xf32, #tpu.memory_space<vmem>>, vector<1x1000x1xf32>
    %get3A_44 = vector.shape_cast %get3A_43 : vector<1x1000x1xf32> to vector<1000x1xf32>
    %get3A_45 = arith.constant 0 : index
    %get3A_46 = arith.constant 0 : index
    %get3A_47 = vector.load %arg7[%get3A_45, %get3A_46] : memref<1x128xf32, #tpu.memory_space<vmem>>, vector<1x128xf32>
    %mul3A = vector.broadcast %get3A_44 : vector<1000x1xf32> to vector<1000x128xf32>
    %mul3A_48 = vector.broadcast %get3A_47 : vector<1x128xf32> to vector<1000x128xf32>
    %mul3A_49 = arith.mulf %mul3A, %mul3A_48 : vector<1000x128xf32>
    %add3A_50 = arith.addf %add3A_39, %mul3A_49 : vector<1000x128xf32>
    %get3A_51 = arith.constant 0 : index
    %get3A_52 = arith.constant 0 : index
    %get3A_53 = arith.constant 0 : index
    %get3A_54 = vector.load %arg4[%get3A_51, %get3A_52, %get3A_53] : memref<2x1000x1xf32, #tpu.memory_space<vmem>>, vector<1x1000x1xf32>
    %get3A_55 = vector.shape_cast %get3A_54 : vector<1x1000x1xf32> to vector<1000x1xf32>
    %get3A_56 = arith.constant 0 : index
    %get3A_57 = arith.constant 0 : index
    %get3A_58 = vector.load %arg8[%get3A_56, %get3A_57] : memref<1x128xf32, #tpu.memory_space<vmem>>, vector<1x128xf32>
    %mul3A_59 = vector.broadcast %get3A_55 : vector<1000x1xf32> to vector<1000x128xf32>
    %mul3A_60 = vector.broadcast %get3A_58 : vector<1x128xf32> to vector<1000x128xf32>
    %mul3A_61 = arith.mulf %mul3A_59, %mul3A_60 : vector<1000x128xf32>
    %add3A_62 = arith.addf %add3A_50, %mul3A_61 : vector<1000x128xf32>
    %swap3A = arith.constant 0 : index
    %swap3A_63 = arith.constant 0 : index
    %swap3A_64 = vector.load %arg9[%swap3A, %swap3A_63] : memref<1000x128xf32, #tpu.memory_space<vmem>>, vector<1000x128xf32>
    tpu.vector_store %arg9[%swap3A, %swap3A_63], %add3A_62 {strides = array<i32>} : memref<1000x128xf32, #tpu.memory_space<vmem>>, vector<1000x128xf32>,
    return
  }
  func.func @transform_0(%arg0: i32) -> (i32, i32, i32) {
    %add3A = arith.constant 10 : i32
    %add3A_0 = arith.addi %arg0, %add3A : i32
    %c0_i32 = arith.constant 0 : i32
    %c0_i32_1 = arith.constant 0 : i32
    %c0_i32_2 = arith.constant 0 : i32
    return %c0_i32, %add3A_0, %c0_i32_1 : i32, i32, i32
  }
  func.func @transform_1(%arg0: i32) -> (i32, i32, i32) {
    %c0_i32 = arith.constant 0 : i32
    %c0_i32_0 = arith.constant 0 : i32
    %c0_i32_1 = arith.constant 0 : i32
    return %c0_i32, %arg0, %c0_i32_0 : i32, i32, i32
  }
  func.func @transform_2(%arg0: i32) -> (i32, i32, i32) {
    %add3A = arith.constant 10 : i32
    %add3A_0 = arith.addi %arg0, %add3A : i32
    %c0_i32 = arith.constant 0 : i32
    %c0_i32_1 = arith.constant 0 : i32
    %c0_i32_2 = arith.constant 0 : i32
    return %c0_i32, %add3A_0, %c0_i32_1 : i32, i32, i32
  }
  func.func @transform_3(%arg0: i32) -> (i32, i32, i32) {
    %c0_i32 = arith.constant 0 : i32
    %c0_i32_0 = arith.constant 0 : i32
    %c0_i32_1 = arith.constant 0 : i32
    return %c0_i32, %arg0, %c0_i32_0 : i32, i32, i32
  }
  func.func @transform_4(%arg0: i32) -> (i32, i32) {
    %c0_i32 = arith.constant 0 : i32
    %c0_i32_0 = arith.constant 0 : i32
    %c0_i32_1 = arith.constant 0 : i32
    return %c0_i32, %c0_i32_0 : i32, i32
  }
  func.func @transform_5(%arg0: i32) -> (i32, i32) {
    %c0_i32 = arith.constant 0 : i32
    %c0_i32_0 = arith.constant 0 : i32
    %c0_i32_1 = arith.constant 0 : i32
    return %c0_i32, %c0_i32_0 : i32, i32
  }
  func.func @transform_6(%arg0: i32) -> (i32, i32) {
    %c0_i32 = arith.constant 0 : i32
    %c0_i32_0 = arith.constant 0 : i32
    %c0_i32_1 = arith.constant 0 : i32
    return %c0_i32, %c0_i32_0 : i32, i32
  }
  func.func @transform_7(%arg0: i32) -> (i32, i32) {
    %c0_i32 = arith.constant 0 : i32
    %c0_i32_0 = arith.constant 0 : i32
    %c0_i32_1 = arith.constant 0 : i32
    return %c0_i32, %c0_i32_0 : i32, i32
  }
  func.func @transform_8(%arg0: i32) -> (i32, i32) {
    %c0_i32 = arith.constant 0 : i32
    %c0_i32_0 = arith.constant 0 : i32
    return %arg0, %c0_i32 : i32, i32
  }
}

</mosaic_0001>

<sc_bundles>
// kernel: kernel.5.cloned.1.call-start
scs
__scs_entry_jumppad:
0x0: {  	(pc) =	sbr.rel $0x88, $3  }
0x1: {  	(tag) =	ssettag $0x0;
	lr =	simm.s32 $0x1  }
0x2: {  	[smem:$0x3F97] =	sst lr;
	_ =	strace $0xD0000000  }
0x3: {  	_ = 	snop  }
0x4: {  	_ = 	snop  }
0x5: {  	_ = 	snop  }
0x6: {  	_ = 	snop  }
0x7: {  	_ = 	snop  }
__scs_overlays_trampoline_lowered:
0x8: {  	[smem:$0x3FA6] =	sst s0  }
0x9: {  	[smem:$0x3FA7] =	sst s1  }
0xa: {  	[smem:$0x3FA8] =	sst s2  }
0xb: {  	[smem:$0x3FA9] =	sst s3  }
0xc: {  	[smem:$0x3FAA] =	sst s4  }
0xd: {  	[smem:$0x3FAB] =	sst s5  }
0xe: {  	[smem:$0x3FAC] =	sst s6  }
0xf: {  	[smem:$0x3FAD] =	sst s7  }
0x10: {  	[smem:$0x3FAE] =	sst s8  }
0x11: {  	[smem:$0x3FAF] =	sst s9;
	s0 =	simm.s32 @!p0 $0x0  }
0x12: {  	s1 =	sld [smem:$0x3F95];
	s0 =	simm.s32 @p0 $0x1  }
0x13: {  	[smem:$0x3FB0] =	sst s0;
	s0 =	simm.s32 @!p1 $0x0  }
0x14: {  	s2 =	sld [smem:$0x3F94];
	s0 =	simm.s32 @p1 $0x1  }
0x15: {  	[smem:$0x3FB1] =	sst s0;
	s0 =	simm.s32 @!p2 $0x0  }
0x16: {  	s3 =	sld [smem:$0x3FDB];
	s0 =	simm.s32 @p2 $0x1  }
0x17: {  	s4 =	simm.s32 $0x1BF5;
	[smem:$0x3FB3] =	sst s0  }
0x18: {  	s0 =	sld [smem:$0x3F96];
	_ =	swait.ge [sflag:s4], $0x0  }
0x19: {  	s7 =	sld [smem:$0x3F97]  }
0x1a: {  	s8 =	sadd.s32 $0xFFFFE003, lr  }
0x1b: {  	s9 =	sadd.s32 $0xFFFFFEF7, lr;
	s5 =	simm.s32 $0xFFFFFFFF;
	p2 =	slt.u32 s8, $0xFFFFF086  }
0x1c: {  	p1 =	slt.u32 s9, $0xF7A;
	s5 =	simm.s32 @!p2 $0x0  }
0x1d: {  	s5 =	simm.s32 @p1 $0x1;
	p0 =	seq.s32 s7, s2  }
0x1e: {  	s7 =	smul.u32 @!p0 $0xF7A, s2;
	p2 =	seq.s32 @!p0 s5, $0x0  }
0x1f: {  	s9 =	smul.u32 $0xF7A, s1;
	s8 =	simm.s32 @!p0 $0x1BF5;
	p2 =	por !p2, p0  }
0x20: {  	[sflag:s8] =	ssyncset.s32 @!p0 $0xFFFFF086;
	s6 =	sadd.s32 @!p0 s3, s7;
	s7 =	simm.s32 @!p0 $0x108  }
0x21: {  	s3 =	sadd.s32 s3, s9;
	s6 =	sadd.s32 @!p0 $0x88, s6;
	s7 =	simm.s32 @p2 $0x1082  }
0x22: {  	[simem:s7], [sflag:s8] =	dma.local @!p0 [hbm:s6], $0xF7A  }
0x23: {  	s9 =	sor.u32 $0xD0000000, s2;
	s6 =	simm.s32 $0x108;
	_ =	swait.ge @!p0 [sflag:s8], $0x0  }
0x24: {  	s3 =	sadd.s32 $0x88, s3;
	s6 =	simm.s32 @!p1 $0x1082;
	[sflag:s4] =	ssyncset.s32 $0xFFFFF086  }
0x25: {  	[simem:s6], [sflag:s4] =	dma.local [hbm:s3], $0xF7A  }
0x26: {  	[smem:$0x3F97] =	sst s1;
	(tag) =	ssettag s2;
	_ =	strace s9  }
0x27: {  	s1 =	sld [smem:$0x3FA7]  }
0x28: {  	s2 =	sld [smem:$0x3FA8]  }
0x29: {  	s4 =	sld [smem:$0x3FAA]  }
0x2a: {  	p0 =	seq.s32 s5, $0x0;
	s5 =	sld [smem:$0x3FAB]  }
0x2b: {  	s6 =	sld [smem:$0x3FAC]  }
0x2c: {  	s7 =	sld [smem:$0x3FAD]  }
0x2d: {  	s3 =	simm.s32 $0x108;
	s8 =	sld [smem:$0x3FAE]  }
0x2e: {  	s3 =	simm.s32 @!p0 $0x1082;
	s9 =	sld [smem:$0x3FAF]  }
0x2f: {  	lr =	sadd.s32 s0, s3;
	s0 =	sld [smem:$0x3FA6]  }
0x30: {  	s3 =	sld [smem:$0x3FA9]  }
0x31: {  	[smem:$0x3FB2] =	sst s10  }
0x32: {  	s10 =	sld [smem:$0x3FB0];
	_ =	sdelay $0x3  }
0x33: {  	p0 =	seq.s32 s10, $0x1;
	s10 =	sld [smem:$0x3FB2];
	_ =	sdelay $0x3  }
0x34: {  	[smem:$0x3FB2] =	sst s10  }
0x35: {  	s10 =	sld [smem:$0x3FB1];
	_ =	sdelay $0x3  }
0x36: {  	p1 =	seq.s32 s10, $0x1;
	s10 =	sld [smem:$0x3FB2];
	_ =	sdelay $0x3  }
0x37: {  	[smem:$0x3FB2] =	sst s10  }
0x38: {  	s10 =	sld [smem:$0x3FB3]  }
0x39: {  	_ = 	snop;
	(pc) =	sbr.ind lr, $3  }
0x3a: {  	_ = 	snop  }
0x3b: {  	_ = 	snop  }
0x3c: {  	p2 =	seq.s32 s10, $0x1;
	s10 =	sld [smem:$0x3FB2]  }
0x3d: {  	_ =	shalt  }
0x3e: {  	_ =	shalt  }
0x3f: {  	_ =	shalt  }
0x40: {  	_ =	shalt  }
0x41: {  	_ =	shalt  }
0x42: {  	_ =	shalt  }
0x43: {  	_ =	shalt  }
0x44: {  	_ =	shalt  }
0x45: {  	_ =	shalt  }
0x46: {  	_ =	shalt  }
0x47: {  	_ =	shalt  }
0x48: {  	_ =	shalt  }
0x49: {  	_ =	shalt  }
0x4a: {  	_ =	shalt  }
0x4b: {  	_ =	shalt  }
0x4c: {  	_ =	shalt  }
0x4d: {  	_ =	shalt  }
0x4e: {  	_ =	shalt  }
0x4f: {  	_ =	shalt  }
0x50: {  	_ =	shalt  }
0x51: {  	_ =	shalt  }
0x52: {  	_ =	shalt  }
0x53: {  	_ =	shalt  }
0x54: {  	_ =	shalt  }
0x55: {  	_ =	shalt  }
0x56: {  	_ =	shalt  }
0x57: {  	_ =	shalt  }
0x58: {  	_ =	shalt  }
0x59: {  	_ =	shalt  }
0x5a: {  	_ =	shalt  }
0x5b: {  	_ =	shalt  }
0x5c: {  	_ =	shalt  }
0x5d: {  	_ =	shalt  }
0x5e: {  	_ =	shalt  }
0x5f: {  	_ =	shalt  }
0x60: {  	_ =	shalt  }
0x61: {  	_ =	shalt  }
0x62: {  	_ =	shalt  }
0x63: {  	_ =	shalt  }
0x64: {  	_ =	shalt  }
0x65: {  	_ =	shalt  }
0x66: {  	_ =	shalt  }
0x67: {  	_ =	shalt  }
0x68: {  	_ =	shalt  }
0x69: {  	_ =	shalt  }
0x6a: {  	_ =	shalt  }
0x6b: {  	_ =	shalt  }
0x6c: {  	_ =	shalt  }
0x6d: {  	_ =	shalt  }
0x6e: {  	_ =	shalt  }
0x6f: {  	_ =	shalt  }
0x70: {  	_ =	shalt  }
0x71: {  	_ =	shalt  }
0x72: {  	_ =	shalt  }
0x73: {  	_ =	shalt  }
0x74: {  	_ =	shalt  }
0x75: {  	_ =	shalt  }
0x76: {  	_ =	shalt  }
0x77: {  	_ =	shalt  }
0x78: {  	_ =	shalt  }
0x79: {  	_ =	shalt  }
0x7a: {  	_ =	shalt  }
0x7b: {  	_ =	shalt  }
0x7c: {  	_ =	shalt  }
0x7d: {  	_ =	shalt  }
0x7e: {  	_ =	shalt  }
0x7f: {  	_ =	shalt  }
0x80: {  	_ =	shalt  }
0x81: {  	_ =	shalt  }
0x82: {  	_ =	shalt  }
0x83: {  	_ =	shalt  }
0x84: {  	_ =	shalt  }
0x85: {  	_ =	shalt  }
0x86: {  	_ =	shalt  }
0x87: {  	_ =	shalt  }
.Lfunc_end0:
.L_simem_size_0:
called_computation_lowered:
.L_overlay_start_0:
0x88: {  	s2 =	sld [smem:$0x3FD9]  }
0x89: {  	s3 =	sld [smem:$0x3FFE];
	_ =	sdelay $0x1  }
0x8a: {  	s1 =	srdreg.scid  }
0x8b: {  	s0 =	sand.u32 $0x1, s1  }
0x8c: {  	s14 =	sshll.u32 s0, $0xA;
	s2 =	sadd.s32 s3, s2  }
0x8d: {  	s2 =	sadd.s32 s2, s14  }
0x8e: {  	[smem:$0x3FBE] =	sst s2  }
0x8f: {  	_ = 	snop  }
0x90: {  	s2 =	sld [smem:$0x3FD0];
	_ =	sdelay $0x2  }
0x91: {  	s4 =	simm.s32 $0xA;
	s5 =	simm.s32 $0x10;
	s15 =	sld [smem:$0x3FC8]  }
0x92: {  	[smem:s5], [sflag:s4] =	dma.local [hbm:s2], $0x1  }
0x93: {  	_ =	swait.eq [sflag:s4], $0x1  }
0x94: {  	[sflag:s4] =	ssyncset.done $0x0  }
0x95: {  	[sflag:s4] =	ssyncadd.s32 $0xFFFFFFFF  }
0x96: {  	s16 =	sld [smem:$0x10];
	(tm) =	ssettm $0x1  }
0x97: {  	s17 =	sld [smem:$0x3FFB];
	_ =	sdelay $0x3  }
0x98: {  	_ =	strace s17  }
0x99: {  	s4 =	sld [smem:$0x3FFC];
	_ =	sdelay $0x3  }
0x9a: {  	_ =	strace s4  }
0x9b: {  	s4 =	sld [smem:$0x3FFD];
	_ =	sdelay $0x3  }
0x9c: {  	_ =	strace s4  }
0x9d: {  	_ =	strace $0x8FFFFFFF  }
0x9e: {  	s18 =	sld [smem:$0x3FDB];
	_ =	sdelay $0x1  }
0x9f: {  	s19 =	simm.s32 $_scs_section_size  }
0xa0: {  	s6 =	simm.s32 $_size__tile_overlayer_lowered;
	s7 =	simm.s32 $_tile_overlayer_lowered  }
0xa1: {  	s22 =	simm.s32 $0x1BFF;
	s21 =	sshll.u32 s7, $0x1;
	s4 =	sadd.s32 s19, s18  }
0xa2: {  	s8 =	simm.s32 $0x0;
	s20 =	sshll.u32 s6, $0x1;
	s6 =	sadd.s32 s21, s4  }
0xa3: {  	[timem:s8], [sflag:s22] =	dma.local [hbm:s6], s20  }
0xa4: {  	_ =	swait.ge [sflag:s22], s20  }
0xa5: {  	s5 =	ssub.s32 $0x0, s20;
	[sflag:s22] =	ssyncset.done $0x0  }
0xa6: {  	[sflag:s22] =	ssyncadd.s32 s5;
	_ =	sdelay $0x1  }
0xa7: {  	s23 =	simm.s32 $0x1B8B  }
0xa8: {  	_ =	swait.ge [sflag:s23], $0x1  }
0xa9: {  	[sflag:s23] =	ssyncset.done $0x0  }
0xaa: {  	s25 =	simm.s32 $0x1B8E;
	s24 =	sld [smem:$0x3FFE];
	[sflag:s23] =	ssyncadd.s32 $0xFFFFFFFF  }
0xab: {  	s26 =	simm.s32 $execute0_lowered;
	[smem:$0x3FD2] =	sst s25  }
0xac: {  	s6 =	sshll.u32 s26, $0x1;
	_ =	strace $0x80000046;
	[dreg:$0x1] =	wrdreg $0xFFFFFFFF  }
0xad: {  	s28 =	simm.s32 $_size_execute0_lowered;
	s4 =	sadd.s32 s4, s6;
	[dreg:$0x0] =	wrdreg $0x0  }
0xae: {  	s6 =	sshll.u32 s28, $0x1;
	[dreg:$0x2] =	wrdreg s4  }
0xaf: {  	[dreg:$0x3] =	wrdreg s6  }
0xb0: {  	[dreg:$0x4] =	wrdreg $0xC0  }
0xb1: {  	_ =	task [dreg:s8], $0x5FFFF  }
0xb2: {  	[dreg:$0x1] =	wrdreg $0xFFFFFFFF  }
0xb3: {  	[dreg:$0x0] =	wrdreg $0x60  }
0xb4: {  	[dreg:$0x2] =	wrdreg s16  }
0xb5: {  	[dreg:$0x3] =	wrdreg s15  }
0xb6: {  	[dreg:$0x4] =	wrdreg s24  }
0xb7: {  	[dreg:$0x5] =	wrdreg $0xA7800  }
0xb8: {  	[dreg:$0x6] =	wrdreg $0x1E7800  }
0xb9: {  	[dreg:$0x7] =	wrdreg $0x9  }
0xba: {  	_ =	task.clear_ibuf [dreg:s8], $0x8FFFF;
	_ =	strace $0x90000046  }
0xbb: {  	s29 =	simm.s32 $0x9;
	_ =	strace $0x80000048  }
0xbc: {  	_ =	swait.ge [sflag:s29], $0x1  }
0xbd: {  	[sflag:s29] =	ssyncadd.s32 $0xFFFFFFFF  }
0xbe: {  	_ =	strace $0x90000048  }
0xbf: {  	_ =	sfence  }
0xc0: {  	s30 =	sld [smem:$0x0];
	_ =	sdelay $0x2  }
0xc1: {  	s31 =	sshll.u32 s1, $0xD;
	s1 =	sshrl.u32 s1, $0x2  }
0xc2: {  	s3 =	sand.u32 $0x4000, s31;
	s1 =	sadd.s32 s1, s30  }
0xc3: {  	s0 =	sor.u32 s3, s0;
	s1 =	sshll.u32 s1, $0x11  }
0xc4: {  	s0 =	sor.u32 s1, s0  }
0xc5: {  	s0 =	sadd.s32 $0x8F2B, s0  }
0xc6: {  	[sflag:s0] =	ssyncadd.remote.s32 $0x1  }
0xc7: {  	_ =	sfence.sel $0xFFFF  }
0xc8: {  	[dreg:$0x0] =	wrdreg $0xFFFFFFFF;
	(pc) =	sbr.abs _section_cstart, $3  }
0xc9: {  	[dreg:$0x1] =	wrdreg $0xFFFFFFFF  }
0xca: {  	_ =	task.clear_ibuf [dreg:s8], $0x2FFFF;
	_ =	strace $0x9FFFFFFF  }
0xcb: {  	(tm) =	ssettm $0x7FFFFFFF  }
tec
execute0_lowered:
.L_overlay_start_1:
0x0: {  	(tag) =	ssettag $0x1  }
0x1: {  	s0 =	rddreg [dreg:$0x0]  }
0x2: {  	s2 =	rddreg [dreg:$0x1]  }
0x3: {  	s7 =	rddreg [dreg:$0x2]  }
0x4: {  	s4 =	rddreg [dreg:$0x3]  }
0x5: {  	s1 =	srdreg.scid;
	s13 =	stileid.u32  }
0x6: {  	s5 =	rddreg [dreg:$0x4];
	s26 =	simm.s32 $0x0;
	s30 =	simm.s32 $0x1F40  }
0x7: {  	s31 =	simm.s32 $0x50;
	s1 =	sand.u32 $0x1, s1;
	s9 =	smul.u32 $0x14000, s13  }
0x8: {  	[smem:$0x7FF] =	sst s26;
	s6 =	smul.u32 $0x500, s13;
	s10 =	sadd.s32 $0x14E00, s7  }
0x9: {  	s12 =	sadd.s32 $0xB000, s7;
	_ =	strace $0x80000047;
	[dreg:$0x7] =	wrdreg s10  }
0xa: {  	s14 =	sadd.s32 $0x1200, s7;
	s3 =	smul.u32 $0x140000, s1;
	[dreg:$0x8] =	wrdreg s12  }
0xb: {  	s8 =	smul.u32 $0x5000, s1;
	[dreg:$0x9] =	wrdreg s14;
	s15 =	ssub.s32 $0x2, s1  }
0xc: {  	s16 =	sshrl.u32 s15, $0x1;
	s11 =	sor.u32 $0x50, s6;
	s12 =	sor.u32 $0xA0, s6  }
0xd: {  	s28 =	sadd.s32 s9, s4;
	s21 =	sor.u32 $0xF0, s6;
	s24 =	sadd.s32 $0x140, s6  }
0xe: {  	s29 =	sadd.s32 $0x190, s6;
	s3 =	sadd.s32 s9, s3;
	s8 =	sadd.s32 s6, s8  }
0xf: {  	s17 =	sshll.u32 s11, $0x6;
	s19 =	sshll.u32 s12, $0x6;
	s20 =	sadd.s32 s11, s5  }
0x10: {  	s22 =	sadd.s32 s12, s5;
	s23 =	sshll.u32 s21, $0x6;
	s25 =	sshll.u32 s24, $0x6  }
0x11: {  	[dreg:$0xa] =	wrdreg s28;
	s3 =	sshrl.u32 s3, $0x3;
	s8 =	sshrl.u32 s8, $0x3  }
0x12: {  	s18 =	sadd.s32 s17, s4;
	[dreg:$0xc] =	wrdreg s20;
	s9 =	sadd.s32 s19, s4  }
0x13: {  	[dreg:$0xe] =	wrdreg s22;
	s10 =	sadd.s32 s23, s4;
	s14 =	sadd.s32 s25, s4  }
0x14: {  	s17 =	sadd.s32 $0x1E0, s6;
	s20 =	sadd.s32 $0x230, s6;
	[dreg:$0xb] =	wrdreg s18  }
0x15: {  	s22 =	sadd.s32 $0x280, s6;
	s3 =	sadd.s32 s3, s7;
	[dreg:$0xd] =	wrdreg s9  }
0x16: {  	s7 =	sadd.s32 s8, s7;
	s8 =	ssub.s32 s15, s16;
	[dreg:$0xf] =	wrdreg s10  }
0x17: {  	s9 =	sadd.s32 s21, s5;
	[dreg:$0x11] =	wrdreg s14;
	s15 =	sshll.u32 s29, $0x6  }
0x18: {  	s16 =	sadd.s32 s24, s5;
	s18 =	sadd.s32 s29, s5;
	s19 =	sshll.u32 s17, $0x6  }
0x19: {  	s21 =	sshll.u32 s20, $0x6;
	s24 =	sshll.u32 s22, $0x6;
	[dreg:$0x10] =	wrdreg s9  }
0x1a: {  	s25 =	sadd.s32 s20, s5;
	s29 =	sadd.s32 $0x2D0, s6;
	[dreg:$0x12] =	wrdreg s16  }
0x1b: {  	s11 =	sadd.s32 s22, s5;
	s14 =	sadd.s32 $0x320, s6;
	[dreg:$0x14] =	wrdreg s18  }
0x1c: {  	s20 =	sadd.s32 $0x3C0, s6;
	s9 =	sadd.s32 s15, s4;
	[dreg:$0x18] =	wrdreg s25  }
0x1d: {  	s10 =	sadd.s32 s19, s4;
	s23 =	sadd.s32 s21, s4;
	[dreg:$0x1a] =	wrdreg s11  }
0x1e: {  	s12 =	sshll.u32 s29, $0x6;
	s15 =	sshll.u32 s14, $0x6;
	[dreg:$0x13] =	wrdreg s9  }
0x1f: {  	s16 =	sadd.s32 $0x370, s6;
	s19 =	sadd.s32 s14, s5;
	[dreg:$0x15] =	wrdreg s10  }
0x20: {  	s22 =	sshll.u32 s20, $0x6;
	s9 =	sadd.s32 s17, s5;
	[dreg:$0x17] =	wrdreg s23  }
0x21: {  	s10 =	sadd.s32 s12, s4;
	s17 =	sadd.s32 s15, s4;
	[dreg:$0x1e] =	wrdreg s19  }
0x22: {  	s18 =	sshll.u32 s16, $0x6;
	s21 =	sadd.s32 s16, s5;
	[dreg:$0x16] =	wrdreg s9  }
0x23: {  	s23 =	sadd.s32 $0x410, s6;
	s12 =	sadd.s32 s6, s5;
	[dreg:$0x1b] =	wrdreg s10  }
0x24: {  	s15 =	smul.u32 $0x2710, s1;
	s16 =	simm.s32 $0x7EE0;
	[dreg:$0x1d] =	wrdreg s17  }
0x25: {  	s19 =	simm.s32 $0x3;
	s9 =	sadd.s32 s24, s4;
	[smem:$0x7F1] =	sst s21  }
0x26: {  	s10 =	sadd.s32 s22, s4;
	s24 =	sshll.u32 s23, $0x6;
	[smem:$0x7FD] =	sst s12  }
0x27: {  	s25 =	sadd.s32 s23, s5;
	s17 =	simm.s32 $0x1;
	[dreg:$0x19] =	wrdreg s9  }
0x28: {  	s21 =	simm.s32 $0x4;
	s22 =	simm.s32 $0x5;
	[smem:$0x7F2] =	sst s10  }
0x29: {  	s23 =	simm.s32 $0x6;
	s9 =	sadd.s32 s29, s5;
	[smem:$0x7F5] =	sst s25  }
0x2a: {  	s29 =	sadd.s32 $0x460, s6;
	s6 =	sadd.s32 $0x4B0, s6;
	s25 =	sadd.s32 $0x6EC00, s7  }
0x2b: {  	v0 =	vmov s15;
	s15 =	simm.s32 $0x7;
	[dreg:$0x1c] =	wrdreg s9;
	s9 =	sadd.s32 s18, s4  }
0x2c: {  	s11 =	sshll.u32 s29, $0x6;
	s14 =	sshll.u32 s6, $0x6;
	[smem:$0x7FB] =	sst s25  }
0x2d: {  	s6 =	sadd.s32 s6, s5;
	s25 =	simm.s32 $0x56E0;
	[dreg:$0x1f] =	wrdreg s9  }
0x2e: {  	s18 =	simm.s32 $0x2;
	s9 =	sadd.s32 s20, s5;
	[smem:$0x7F9] =	sst s6  }
0x2f: {  	s10 =	sadd.s32 s11, s4;
	s20 =	sshll.u32 s1, $0x6;
	[smem:$0x7F3] =	sst s9  }
0x30: {  	s1 =	simm.s32 $0x40;
	s9 =	sadd.s32 s24, s4;
	[smem:$0x7F6] =	sst s10  }
0x31: {  	s11 =	simm.s32 $0x80;
	s24 =	sadd.s32 $0x1EC00, s3;
	[smem:$0x7F4] =	sst s9  }
0x32: {  	s6 =	simm.s32 $0x8;
	s9 =	sadd.s32 s29, s5;
	[smem:$0x7FA] =	sst s24  }
0x33: {  	s10 =	simm.s32 $0x92E0;
	s29 =	smax.u32 s8, $0x1;
	[smem:$0x7F7] =	sst s9  }
0x34: {  	s24 =	smul.u32 $0x4E20, s13;
	s9 =	sadd.s32 s14, s4;
	[smem:$0x7FC] =	sst s29  }
0x35: {  	v1 =	vimm.f32 $1.000000000e+00;
	v2 =	vimm.f32 $0.0e+00;
	s13 =	simm.s32 $0xA6E0;
	s14 =	simm.s32 $0x6AE0;
	[smem:$0x7F8] =	sst s9  }
.LBB2_1:
0x36: {  	[tilespmem:$0xA6E0] =	vst v1  }
0x37: {  	[tilespmem:$0xA730] =	vst v2  }
0x38: {  	[tilespmem:$0xA6F0] =	vst v1  }
0x39: {  	[tilespmem:$0xA740] =	vst v2  }
0x3a: {  	[tilespmem:$0xA700] =	vst v1  }
0x3b: {  	[tilespmem:$0xA750] =	vst v2  }
0x3c: {  	[tilespmem:$0xA710] =	vst v1  }
0x3d: {  	[tilespmem:$0xA760] =	vst v2  }
0x3e: {  	[tilespmem:$0xA720] =	vst v1  }
0x3f: {  	[dreg:$0x6] =	wrdreg s26;
	[tilespmem:$0xA770] =	vst v2;
	s7 =	simm.s32 $0x100;
	s3 =	simm.s32 $0x0  }
.LBB2_2:
0x40: {  	p0 =	sne.s32 s7, $0x4F00;
	[tilespmem:s3+$0x5710] =	vst v2;
	s8 =	smov.u32 s7;
	s7 =	sadd.s32 $0x100, s7  }
.Ltmp0:
0x41: {  	[tilespmem:s3+$0x5700] =	vst v2;
	(pc) =	sbr.rel @p0 .LBB2_2-.Ltmp0, $3  }
0x42: {  	[tilespmem:s3+$0x56E0] =	vst v2  }
0x43: {  	[tilespmem:s3+$0x56F0] =	vst v2;
	_ =	sdelay $0x1  }
0x44: {  	s3 =	sshra.s32 s8, $0x2  }
0x45: {  	[tilespmem:s3+$0x5710] =	vst v2  }
0x46: {  	[tilespmem:s3+$0x5700] =	vst v2  }
0x47: {  	[tilespmem:s3+$0x56E0] =	vst v2  }
0x48: {  	[tilespmem:s3+$0x56F0] =	vst v2;
	s7 =	simm.s32 $0x9  }
0x49: {  	[spmem:s28] =	stream.linear.scatter [tilespmem:s25], [sflag:$0x9], $0x1400, $0x38;
	[tilespmem:$0x1EC80] =	vst v63  }
0x4a: {  	_ =	swait.ge [sflag:s7], $0x1400  }
0x4b: {  	[sflag:s7] =	ssyncset.done $0x0  }
0x4c: {  	s8 =	simm.s32 $0xA730;
	[sflag:s7] =	ssyncadd.s32 $0xFFFFEC00  }
0x4d: {  	[spmem:s12] =	stream.linear.scatter [tilespmem:s8], [sflag:$0x9], $0x50, $0x38;
	[tilespmem:$0x1EC80] =	vst v63  }
0x4e: {  	_ =	swait.ge [sflag:s7], $0x50  }
0x4f: {  	[sflag:s7] =	ssyncset.done $0x0  }
0x50: {  	s26 =	rddreg [dreg:$0xb];
	[sflag:s7] =	ssyncadd.s32 $0xFFFFFFB0  }
0x51: {  	[spmem:s26] =	stream.linear.scatter [tilespmem:s25], [sflag:$0x9], $0x1400, $0x38;
	[tilespmem:$0x1EC80] =	vst v63  }
0x52: {  	_ =	swait.ge [sflag:s7], $0x1400  }
0x53: {  	[sflag:s7] =	ssyncset.done $0x0  }
0x54: {  	s28 =	rddreg [dreg:$0xc];
	[sflag:s7] =	ssyncadd.s32 $0xFFFFEC00  }
0x55: {  	[spmem:s28] =	stream.linear.scatter [tilespmem:s8], [sflag:$0x9], $0x50, $0x38;
	[tilespmem:$0x1EC80] =	vst v63  }
0x56: {  	_ =	swait.ge [sflag:s7], $0x50  }
0x57: {  	[sflag:s7] =	ssyncset.done $0x0  }
0x58: {  	s9 =	rddreg [dreg:$0xd];
	[sflag:s7] =	ssyncadd.s32 $0xFFFFFFB0  }
0x59: {  	[spmem:s9] =	stream.linear.scatter [tilespmem:s25], [sflag:$0x9], $0x1400, $0x38;
	[tilespmem:$0x1EC80] =	vst v63  }
0x5a: {  	_ =	swait.ge [sflag:s7], $0x1400  }
0x5b: {  	[sflag:s7] =	ssyncset.done $0x0  }
0x5c: {  	s12 =	rddreg [dreg:$0xe];
	[sflag:s7] =	ssyncadd.s32 $0xFFFFEC00  }
0x5d: {  	[spmem:s12] =	stream.linear.scatter [tilespmem:s8], [sflag:$0x9], $0x50, $0x38;
	[tilespmem:$0x1EC80] =	vst v63  }
0x5e: {  	_ =	swait.ge [sflag:s7], $0x50  }
0x5f: {  	[sflag:s7] =	ssyncset.done $0x0  }
0x60: {  	s26 =	rddreg [dreg:$0xf];
	[sflag:s7] =	ssyncadd.s32 $0xFFFFFFB0  }
0x61: {  	[spmem:s26] =	stream.linear.scatter [tilespmem:s25], [sflag:$0x9], $0x1400, $0x38;
	[tilespmem:$0x1EC80] =	vst v63  }
0x62: {  	_ =	swait.ge [sflag:s7], $0x1400  }
0x63: {  	[sflag:s7] =	ssyncset.done $0x0  }
0x64: {  	s28 =	rddreg [dreg:$0x10];
	[sflag:s7] =	ssyncadd.s32 $0xFFFFEC00  }
0x65: {  	[spmem:s28] =	stream.linear.scatter [tilespmem:s8], [sflag:$0x9], $0x50, $0x38;
	[tilespmem:$0x1EC80] =	vst v63  }
0x66: {  	_ =	swait.ge [sflag:s7], $0x50  }
0x67: {  	[sflag:s7] =	ssyncset.done $0x0  }
0x68: {  	s9 =	rddreg [dreg:$0x11];
	[sflag:s7] =	ssyncadd.s32 $0xFFFFFFB0  }
0x69: {  	[spmem:s9] =	stream.linear.scatter [tilespmem:s25], [sflag:$0x9], $0x1400, $0x38;
	[tilespmem:$0x1EC80] =	vst v63  }
0x6a: {  	_ =	swait.ge [sflag:s7], $0x1400  }
0x6b: {  	[sflag:s7] =	ssyncset.done $0x0  }
0x6c: {  	s12 =	rddreg [dreg:$0x12];
	[sflag:s7] =	ssyncadd.s32 $0xFFFFEC00  }
0x6d: {  	[spmem:s12] =	stream.linear.scatter [tilespmem:s8], [sflag:$0x9], $0x50, $0x38;
	[tilespmem:$0x1EC80] =	vst v63  }
0x6e: {  	_ =	swait.ge [sflag:s7], $0x50  }
0x6f: {  	[sflag:s7] =	ssyncset.done $0x0  }
0x70: {  	s26 =	rddreg [dreg:$0x13];
	[sflag:s7] =	ssyncadd.s32 $0xFFFFFFB0  }
0x71: {  	[spmem:s26] =	stream.linear.scatter [tilespmem:s25], [sflag:$0x9], $0x1400, $0x38;
	[tilespmem:$0x1EC80] =	vst v63  }
0x72: {  	_ =	swait.ge [sflag:s7], $0x1400  }
0x73: {  	[sflag:s7] =	ssyncset.done $0x0  }
0x74: {  	s28 =	rddreg [dreg:$0x14];
	[sflag:s7] =	ssyncadd.s32 $0xFFFFEC00  }
0x75: {  	[spmem:s28] =	stream.linear.scatter [tilespmem:s8], [sflag:$0x9], $0x50, $0x38;
	[tilespmem:$0x1EC80] =	vst v63  }
0x76: {  	_ =	swait.ge [sflag:s7], $0x50  }
0x77: {  	[sflag:s7] =	ssyncset.done $0x0  }
0x78: {  	s9 =	rddreg [dreg:$0x15];
	[sflag:s7] =	ssyncadd.s32 $0xFFFFFFB0  }
0x79: {  	[spmem:s9] =	stream.linear.scatter [tilespmem:s25], [sflag:$0x9], $0x1400, $0x38;
	[tilespmem:$0x1EC80] =	vst v63  }
0x7a: {  	_ =	swait.ge [sflag:s7], $0x1400  }
0x7b: {  	[sflag:s7] =	ssyncset.done $0x0  }
0x7c: {  	s12 =	rddreg [dreg:$0x16];
	[sflag:s7] =	ssyncadd.s32 $0xFFFFEC00  }
0x7d: {  	[spmem:s12] =	stream.linear.scatter [tilespmem:s8], [sflag:$0x9], $0x50, $0x38;
	[tilespmem:$0x1EC80] =	vst v63  }
0x7e: {  	_ =	swait.ge [sflag:s7], $0x50  }
0x7f: {  	[sflag:s7] =	ssyncset.done $0x0  }
0x80: {  	s26 =	rddreg [dreg:$0x17];
	[sflag:s7] =	ssyncadd.s32 $0xFFFFFFB0  }
0x81: {  	[spmem:s26] =	stream.linear.scatter [tilespmem:s25], [sflag:$0x9], $0x1400, $0x38;
	[tilespmem:$0x1EC80] =	vst v63  }
0x82: {  	_ =	swait.ge [sflag:s7], $0x1400  }
0x83: {  	[sflag:s7] =	ssyncset.done $0x0  }
0x84: {  	s28 =	rddreg [dreg:$0x18];
	[sflag:s7] =	ssyncadd.s32 $0xFFFFEC00  }
0x85: {  	[spmem:s28] =	stream.linear.scatter [tilespmem:s8], [sflag:$0x9], $0x50, $0x38;
	[tilespmem:$0x1EC80] =	vst v63  }
0x86: {  	_ =	swait.ge [sflag:s7], $0x50  }
0x87: {  	[sflag:s7] =	ssyncset.done $0x0  }
0x88: {  	s9 =	rddreg [dreg:$0x19];
	[sflag:s7] =	ssyncadd.s32 $0xFFFFFFB0  }
0x89: {  	[spmem:s9] =	stream.linear.scatter [tilespmem:s25], [sflag:$0x9], $0x1400, $0x38;
	[tilespmem:$0x1EC80] =	vst v63  }
0x8a: {  	_ =	swait.ge [sflag:s7], $0x1400  }
0x8b: {  	[sflag:s7] =	ssyncset.done $0x0  }
0x8c: {  	s12 =	rddreg [dreg:$0x1a];
	[sflag:s7] =	ssyncadd.s32 $0xFFFFEC00  }
0x8d: {  	[spmem:s12] =	stream.linear.scatter [tilespmem:s8], [sflag:$0x9], $0x50, $0x38;
	[tilespmem:$0x1EC80] =	vst v63  }
0x8e: {  	_ =	swait.ge [sflag:s7], $0x50  }
0x8f: {  	[sflag:s7] =	ssyncset.done $0x0  }
0x90: {  	s26 =	rddreg [dreg:$0x1b];
	[sflag:s7] =	ssyncadd.s32 $0xFFFFFFB0  }
0x91: {  	[spmem:s26] =	stream.linear.scatter [tilespmem:s25], [sflag:$0x9], $0x1400, $0x38;
	[tilespmem:$0x1EC80] =	vst v63  }
0x92: {  	_ =	swait.ge [sflag:s7], $0x1400  }
0x93: {  	[sflag:s7] =	ssyncset.done $0x0  }
0x94: {  	s28 =	rddreg [dreg:$0x1c];
	[sflag:s7] =	ssyncadd.s32 $0xFFFFEC00  }
0x95: {  	[spmem:s28] =	stream.linear.scatter [tilespmem:s8], [sflag:$0x9], $0x50, $0x38;
	[tilespmem:$0x1EC80] =	vst v63  }
0x96: {  	_ =	swait.ge [sflag:s7], $0x50  }
0x97: {  	[sflag:s7] =	ssyncset.done $0x0  }
0x98: {  	s9 =	rddreg [dreg:$0x1d];
	[sflag:s7] =	ssyncadd.s32 $0xFFFFFFB0  }
0x99: {  	[spmem:s9] =	stream.linear.scatter [tilespmem:s25], [sflag:$0x9], $0x1400, $0x38;
	[tilespmem:$0x1EC80] =	vst v63  }
0x9a: {  	_ =	swait.ge [sflag:s7], $0x1400  }
0x9b: {  	[sflag:s7] =	ssyncset.done $0x0  }
0x9c: {  	s12 =	rddreg [dreg:$0x1e];
	[sflag:s7] =	ssyncadd.s32 $0xFFFFEC00  }
0x9d: {  	[spmem:s12] =	stream.linear.scatter [tilespmem:s8], [sflag:$0x9], $0x50, $0x38;
	[tilespmem:$0x1EC80] =	vst v63  }
0x9e: {  	_ =	swait.ge [sflag:s7], $0x50  }
0x9f: {  	[sflag:s7] =	ssyncset.done $0x0  }
0xa0: {  	s26 =	rddreg [dreg:$0x1f];
	[sflag:s7] =	ssyncadd.s32 $0xFFFFFFB0  }
0xa1: {  	[spmem:s26] =	stream.linear.scatter [tilespmem:s25], [sflag:$0x9], $0x1400, $0x38;
	[tilespmem:$0x1EC80] =	vst v63  }
0xa2: {  	_ =	swait.ge [sflag:s7], $0x1400  }
0xa3: {  	s28 =	sld [smem:$0x7F1]  }
0xa4: {  	[sflag:s7] =	ssyncset.done $0x0  }
0xa5: {  	[sflag:s7] =	ssyncadd.s32 $0xFFFFEC00  }
0xa6: {  	[spmem:s28] =	stream.linear.scatter [tilespmem:s8], [sflag:$0x9], $0x50, $0x38;
	[tilespmem:$0x1EC80] =	vst v63  }
0xa7: {  	_ =	swait.ge [sflag:s7], $0x50  }
0xa8: {  	s9 =	sld [smem:$0x7F2]  }
0xa9: {  	[sflag:s7] =	ssyncset.done $0x0  }
0xaa: {  	[sflag:s7] =	ssyncadd.s32 $0xFFFFFFB0  }
0xab: {  	[spmem:s9] =	stream.linear.scatter [tilespmem:s25], [sflag:$0x9], $0x1400, $0x38;
	[tilespmem:$0x1EC80] =	vst v63  }
0xac: {  	_ =	swait.ge [sflag:s7], $0x1400  }
0xad: {  	s12 =	sld [smem:$0x7F3]  }
0xae: {  	[sflag:s7] =	ssyncset.done $0x0  }
0xaf: {  	[sflag:s7] =	ssyncadd.s32 $0xFFFFEC00  }
0xb0: {  	[spmem:s12] =	stream.linear.scatter [tilespmem:s8], [sflag:$0x9], $0x50, $0x38;
	[tilespmem:$0x1EC80] =	vst v63  }
0xb1: {  	_ =	swait.ge [sflag:s7], $0x50  }
0xb2: {  	s26 =	sld [smem:$0x7F4]  }
0xb3: {  	[sflag:s7] =	ssyncset.done $0x0  }
0xb4: {  	[sflag:s7] =	ssyncadd.s32 $0xFFFFFFB0  }
0xb5: {  	[spmem:s26] =	stream.linear.scatter [tilespmem:s25], [sflag:$0x9], $0x1400, $0x38;
	[tilespmem:$0x1EC80] =	vst v63  }
0xb6: {  	_ =	swait.ge [sflag:s7], $0x1400  }
0xb7: {  	s28 =	sld [smem:$0x7F5]  }
0xb8: {  	[sflag:s7] =	ssyncset.done $0x0  }
0xb9: {  	[sflag:s7] =	ssyncadd.s32 $0xFFFFEC00  }
0xba: {  	[spmem:s28] =	stream.linear.scatter [tilespmem:s8], [sflag:$0x9], $0x50, $0x38;
	[tilespmem:$0x1EC80] =	vst v63  }
0xbb: {  	_ =	swait.ge [sflag:s7], $0x50  }
0xbc: {  	s9 =	sld [smem:$0x7F6]  }
0xbd: {  	[sflag:s7] =	ssyncset.done $0x0  }
0xbe: {  	[sflag:s7] =	ssyncadd.s32 $0xFFFFFFB0  }
0xbf: {  	[spmem:s9] =	stream.linear.scatter [tilespmem:s25], [sflag:$0x9], $0x1400, $0x38;
	[tilespmem:$0x1EC80] =	vst v63  }
0xc0: {  	_ =	swait.ge [sflag:s7], $0x1400  }
0xc1: {  	s12 =	sld [smem:$0x7F7]  }
0xc2: {  	[sflag:s7] =	ssyncset.done $0x0  }
0xc3: {  	[sflag:s7] =	ssyncadd.s32 $0xFFFFEC00  }
0xc4: {  	[spmem:s12] =	stream.linear.scatter [tilespmem:s8], [sflag:$0x9], $0x50, $0x38;
	[tilespmem:$0x1EC80] =	vst v63  }
0xc5: {  	_ =	swait.ge [sflag:s7], $0x50  }
0xc6: {  	s26 =	sld [smem:$0x7F8]  }
0xc7: {  	[sflag:s7] =	ssyncset.done $0x0  }
0xc8: {  	[sflag:s7] =	ssyncadd.s32 $0xFFFFFFB0  }
0xc9: {  	[spmem:s26] =	stream.linear.scatter [tilespmem:s25], [sflag:$0x9], $0x1400, $0x38;
	[tilespmem:$0x1EC80] =	vst v63  }
0xca: {  	_ =	swait.ge [sflag:s7], $0x1400  }
0xcb: {  	s28 =	sld [smem:$0x7F9]  }
0xcc: {  	[sflag:s7] =	ssyncset.done $0x0  }
0xcd: {  	[sflag:s7] =	ssyncadd.s32 $0xFFFFEC00  }
0xce: {  	[spmem:s28] =	stream.linear.scatter [tilespmem:s8], [sflag:$0x9], $0x50, $0x38;
	[tilespmem:$0x1EC80] =	vst v63  }
0xcf: {  	_ =	swait.ge [sflag:s7], $0x50  }
0xd0: {  	[sflag:s7] =	ssyncset.done $0x0  }
0xd1: {  	[sflag:s7] =	ssyncadd.s32 $0xFFFFFFB0  }
0xd2: {  	s29 =	simm.s32 $0x0;
	[bflag:$0x0] =	sbarrier.arrive $0xFFFF  }
.LBB2_4:
0xd3: {  	s3 =	smul.u32 $0xFA0, s29;
	_ =	sdelay $0x1  }
0xd4: {  	s3 =	sadd.s32 s24, s3  }
0xd5: {  	s8 =	rddreg [dreg:$0x8];
	s7 =	sshrl.u32 s3, $0x3  }
0xd6: {  	s26 =	simm.s32 $0x0;
	s9 =	simm.s32 $0x9;
	s8 =	sadd.s32 s8, s7  }
0xd7: {  	[tilespmem:s26], [sflag:$0x9] =	stream.linear.gather [hbm4b:s8+s26], $0xFA0, $0x38;
	[tilespmem:$0x1EC80] =	vst v63  }
0xd8: {  	_ =	swait.ge [sflag:s9], $0xFA0  }
0xd9: {  	[sflag:s9] =	ssyncset.done $0x0;
	s12 =	rddreg [dreg:$0x9]  }
0xda: {  	[sflag:s9] =	ssyncadd.s32 $0xFFFFF060;
	s8 =	sadd.s32 s12, s7;
	s12 =	simm.s32 $0xFA0  }
0xdb: {  	[tilespmem:s12], [sflag:$0x9] =	stream.linear.gather [hbm4b:s8+s26], $0xFA0, $0x38;
	[tilespmem:$0x1EC80] =	vst v63  }
0xdc: {  	_ =	swait.ge [sflag:s9], $0xFA0  }
0xdd: {  	[sflag:s9] =	ssyncset.done $0x0;
	s28 =	rddreg [dreg:$0x7]  }
0xde: {  	[sflag:s9] =	ssyncadd.s32 $0xFFFFF060;
	s7 =	sadd.s32 s28, s7  }
0xdf: {  	[tilespmem:s30], [sflag:$0x9] =	stream.linear.gather [hbm4b:s7+s26], $0xFA0, $0x38;
	[tilespmem:$0x1EC80] =	vst v63  }
0xe0: {  	_ =	swait.ge [sflag:s9], $0xFA0  }
0xe1: {  	[sflag:s9] =	ssyncset.done $0x0  }
0xe2: {  	s7 =	simm.s32 $0x0;
	[sflag:s9] =	ssyncadd.s32 $0xFFFFF060  }
0xe3: {  	v6 =	vld [tilespmem:s7+$0xFA0]  }
0xe4: {  	v7 =	vld [tilespmem:s7+$0xFB0]  }
0xe5: {  	v5 =	vld [tilespmem:s7+$0xFC0]  }
0xe6: {  	v4 =	vld [tilespmem:s7+$0xFD0]  }
0xe7: {  	v11 =	vld [tilespmem:s7+$0x0]  }
0xe8: {  	v3 =	vld [tilespmem:s7+$0xFE0]  }
0xe9: {  	v12 =	vld [tilespmem:s7+$0x1F40]  }
0xea: {  	v10 =	vld [tilespmem:s7+$0x10];
	v6 =	vmul.u32 $0x2710, v6  }
0xeb: {  	v9 =	vld [tilespmem:s7+$0x1F50]  }
0xec: {  	v8 =	vld [tilespmem:s7+$0x20];
	v11 =	vadd.s32 v11, v6  }
0xed: {  	v6 =	vld [tilespmem:s7+$0x1F60];
	[tilespmem:s7+$0x0] =	vst v11;
	v11 =	vmul.u32 $0x2710, v7  }
0xee: {  	s8 =	simm.s32 $0x140;
	v12 =	vadd.s32 v0, v12;
	v7 =	vld [tilespmem:s7+$0x30]  }
.LBB2_5:
0xef: {  	p0 =	sne.s32 s8, $0x3D40;
	[tilespmem:s7+$0x1F40] =	vst v12;
	v10 =	vadd.s32 v10, v11;
	v5 =	vmul.u32 $0x2710, v5;
	v11 =	vld [tilespmem:s7+$0x1F70]  }
0xf0: {  	[tilespmem:s7+$0x10] =	vst v10;
	v9 =	vadd.s32 v0, v9;
	v10 =	vld [tilespmem:s7+$0x40]  }
0xf1: {  	s9 =	sshra.s32 s8, $0x2;
	v4 =	vmul.u32 $0x2710, v4;
	[tilespmem:s7+$0x1F50] =	vst v9;
	v5 =	vadd.s32 v8, v5;
	v8 =	vld [tilespmem:s7+$0x1F80]  }
0xf2: {  	v9 =	vld [tilespmem:s9+$0xFA0];
	[tilespmem:s7+$0x20] =	vst v5;
	v5 =	vadd.s32 v0, v6  }
0xf3: {  	v3 =	vmul.u32 $0x2710, v3;
	v6 =	vld [tilespmem:s9+$0xFB0];
	[tilespmem:s7+$0x1F60] =	vst v5;
	v4 =	vadd.s32 v7, v4  }
0xf4: {  	v5 =	vld [tilespmem:s9+$0xFC0];
	[tilespmem:s7+$0x30] =	vst v4;
	v7 =	vadd.s32 v0, v11  }
0xf5: {  	v4 =	vld [tilespmem:s9+$0xFD0];
	[tilespmem:s7+$0x1F70] =	vst v7;
	v7 =	vadd.s32 v10, v3  }
0xf6: {  	v3 =	vld [tilespmem:s9+$0xFE0];
	[tilespmem:s7+$0x40] =	vst v7;
	v7 =	vadd.s32 v0, v8  }
0xf7: {  	v11 =	vld [tilespmem:s9+$0x0];
	[tilespmem:s7+$0x1F80] =	vst v7;
	s7 =	smov.u32 s9  }
0xf8: {  	v7 =	vld [tilespmem:s7+$0x1F40]  }
.Ltmp1:
0xf9: {  	v10 =	vld [tilespmem:s7+$0x10];
	(pc) =	sbr.rel @p0 .LBB2_5-.Ltmp1, $4  }
0xfa: {  	v12 =	vmul.u32 $0x2710, v9;
	v9 =	vld [tilespmem:s7+$0x1F50]  }
0xfb: {  	v8 =	vld [tilespmem:s7+$0x20]  }
0xfc: {  	v12 =	vadd.s32 v11, v12;
	v11 =	vmul.u32 $0x2710, v6;
	v6 =	vld [tilespmem:s7+$0x1F60]  }
0xfd: {  	s8 =	sadd.s32 $0x140, s8;
	[tilespmem:s7+$0x0] =	vst v12;
	v12 =	vadd.s32 v0, v7;
	v7 =	vld [tilespmem:s7+$0x30]  }
0xfe: {  	[tilespmem:s7+$0x1F40] =	vst v12;
	v10 =	vadd.s32 v10, v11;
	v59 =	vld [tilespmem:s7+$0x1F70];
	v5 =	vmul.u32 $0x2710, v5  }
0xff: {  	v60 =	vld [tilespmem:s7+$0x40];
	[tilespmem:s7+$0x10] =	vst v10;
	v9 =	vadd.s32 v0, v9  }
0x100: {  	v4 =	vmul.u32 $0x2710, v4;
	v61 =	vld [tilespmem:s7+$0x1F80];
	[tilespmem:s7+$0x1F50] =	vst v9;
	v5 =	vadd.s32 v8, v5  }
0x101: {  	[tilespmem:s7+$0x20] =	vst v5;
	v62 =	vadd.s32 v0, v6  }
0x102: {  	v3 =	vmul.u32 $0x2710, v3;
	[tilespmem:s7+$0x1F60] =	vst v62;
	v4 =	vadd.s32 v7, v4  }
0x103: {  	[tilespmem:s7+$0x30] =	vst v4;
	v63 =	vadd.s32 v0, v59  }
0x104: {  	s3 =	sshll.u32 s3, $0x7;
	v3 =	vadd.s32 v60, v3;
	[tilespmem:s7+$0x1F70] =	vst v63  }
0x105: {  	s3 =	sor.u32 s20, s3;
	[tilespmem:s7+$0x40] =	vst v3;
	v3 =	vadd.s32 v0, v61  }
0x106: {  	s28 =	simm.s32 $0x2EE0;
	s3 =	sshrl.u32 s3, $0x3;
	[tilespmem:s7+$0x1F80] =	vst v3  }
0x107: {  	[tilespmem:s28], [sflag:$0x1] =	stream.indirect.gather [hbm4b:s0+s31], $0x40, s30, s31, $0xb8;
	[tilespmem:$0x1EC80] =	vst v63  }
0x108: {  	s3 =	sadd.s32 s2, s3;
	s30 =	simm.s32 $0x42E0  }
0x109: {  	[tilespmem:s30], [sflag:$0x2] =	stream.strided.gather [hbm4b:s3+s1], $0x1400, s11, s1, $0x38;
	[tilespmem:$0x1EC80] =	vst v63  }
0x10a: {  	s12 =	simm.s32 $0x0;
	s3 =	smul.u32 $0x32, s29  }
.LBB2_7:
0x10b: {  	s7 =	smul.u32 $0x280, s12  }
0x10c: {  	s9 =	sshllo.u32 s12, $0x1  }
0x10d: {  	s8 =	sshra.s32 s7, $0x2;
	s7 =	smul.u32 $0x50, s9;
	s9 =	sadd.s32 s3, s9  }
0x10e: {  	[spmem:s5] =	stream.indirect.scatter.add.f32 [tilespmem:s13], [sflag:$0x6], $0x1, s8, s31, $0xb8;
	[tilespmem:$0x1EC80] =	vst v63  }
0x10f: {  	s9 =	smul.u32 $0x50, s9;
	s26 =	sadd.s32 $0x1F40, s7  }
0x110: {  	[tilespmem:s14], [sflag:$0x3] =	stream.indirect.gather [hbm4b:s0+s31], $0x40, s26, s31, $0xb8;
	[tilespmem:$0x1EC80] =	vst v63  }
0x111: {  	s9 =	sadd.s32 s24, s9  }
0x112: {  	s9 =	sshll.u32 s9, $0x7  }
0x113: {  	s9 =	sor.u32 s20, s9  }
0x114: {  	s9 =	sshrl.u32 s9, $0x3  }
0x115: {  	s9 =	sadd.s32 s2, s9  }
0x116: {  	[tilespmem:s16], [sflag:$0x4] =	stream.strided.gather [hbm4b:s9+s1], $0x1400, s11, s1, $0x38;
	[tilespmem:$0x1EC80] =	vst v63  }
0x117: {  	_ =	swait.ge [sflag:s17], $0x1400  }
0x118: {  	[sflag:s17] =	ssyncset.done $0x0  }
0x119: {  	[sflag:s17] =	ssyncadd.s32 $0xFFFFEC00  }
0x11a: {  	_ =	swait.ge [sflag:s18], $0x1400  }
0x11b: {  	[sflag:s18] =	ssyncset.done $0x0  }
0x11c: {  	s9 =	simm.s32 $0x0;
	[sflag:s18] =	ssyncadd.s32 $0xFFFFEC00  }
0x11d: {  	v3 =	vld [tilespmem:s9+$0x2FD0]  }
0x11e: {  	v4 =	vld [tilespmem:s9+$0x43D0]  }
0x11f: {  	v5 =	vld [tilespmem:s9+$0x2EE0]  }
0x120: {  	v6 =	vld [tilespmem:s9+$0x42E0]  }
0x121: {  	v7 =	vld [tilespmem:s9+$0x2EF0]  }
0x122: {  	v8 =	vld [tilespmem:s9+$0x42F0]  }
0x123: {  	v9 =	vld [tilespmem:s9+$0x2F00]  }
0x124: {  	v10 =	vld [tilespmem:s9+$0x2F10]  }
0x125: {  	v3 =	vsub.f32 v3, v4;
	v4 =	vld [tilespmem:s9+$0x4300]  }
0x126: {  	v5 =	vsub.f32 v5, v6;
	v6 =	vld [tilespmem:s9+$0x2F20]  }
0x127: {  	[tilespmem:s9+$0x57D0] =	vst v3;
	v3 =	vld [tilespmem:s9+$0x4310]  }
0x128: {  	[tilespmem:s9+$0x56E0] =	vst v5;
	v5 =	vsub.f32 v7, v8;
	v7 =	vld [tilespmem:s9+$0x4320]  }
0x129: {  	v8 =	vld [tilespmem:s9+$0x4330]  }
0x12a: {  	[tilespmem:s9+$0x56F0] =	vst v5;
	v5 =	vld [tilespmem:s9+$0x2F30];
	v4 =	vsub.f32 v9, v4  }
0x12b: {  	v9 =	vld [tilespmem:s9+$0x4340]  }
0x12c: {  	[tilespmem:s9+$0x5700] =	vst v4;
	v3 =	vsub.f32 v10, v3;
	v4 =	vld [tilespmem:s9+$0x2F40]  }
0x12d: {  	v10 =	vld [tilespmem:s9+$0x4390]  }
0x12e: {  	[tilespmem:s9+$0x5710] =	vst v3;
	v3 =	vsub.f32 v6, v7;
	v6 =	vld [tilespmem:s9+$0x2F50]  }
0x12f: {  	v7 =	vld [tilespmem:s9+$0x4350]  }
0x130: {  	[tilespmem:s9+$0x5720] =	vst v3;
	v3 =	vsub.f32 v5, v8;
	v5 =	vld [tilespmem:s9+$0x2F60]  }
0x131: {  	v8 =	vld [tilespmem:s9+$0x4360]  }
0x132: {  	[tilespmem:s9+$0x5730] =	vst v3;
	v3 =	vsub.f32 v4, v9;
	v4 =	vld [tilespmem:s9+$0x2F70]  }
0x133: {  	v9 =	vld [tilespmem:s9+$0x4370]  }
0x134: {  	[tilespmem:s9+$0x5740] =	vst v3;
	v3 =	vsub.f32 v6, v7;
	v6 =	vld [tilespmem:s9+$0x2F80]  }
0x135: {  	v7 =	vld [tilespmem:s9+$0x4380]  }
0x136: {  	[tilespmem:s9+$0x5750] =	vst v3;
	v3 =	vsub.f32 v5, v8;
	v8 =	vld [tilespmem:s9+$0x2F90]  }
0x137: {  	v11 =	vld [tilespmem:s9+$0x43A0]  }
0x138: {  	[tilespmem:s9+$0x5760] =	vst v3;
	v3 =	vsub.f32 v4, v9;
	v9 =	vld [tilespmem:s9+$0x2FA0]  }
0x139: {  	v5 =	vld [tilespmem:s9+$0x2FB0]  }
0x13a: {  	[tilespmem:s9+$0x5770] =	vst v3;
	v3 =	vsub.f32 v6, v7;
	v6 =	vld [tilespmem:s9+$0x43B0]  }
0x13b: {  	v7 =	vld [tilespmem:s9+$0x43C0];
	v8 =	vsub.f32 v8, v10  }
0x13c: {  	s28 =	simm.s32 $0x100;
	[tilespmem:s9+$0x5780] =	vst v3;
	v3 =	vld [tilespmem:s9+$0x2FC0]  }
0x13d: {  	s30 =	sshll.u32 s12, $0x1;
	s26 =	simm.s32 $0x800;
	v4 =	vld [tilespmem:s28+$0x2FD0];
	[tilespmem:s9+$0x5790] =	vst v8;
	v8 =	vsub.f32 v9, v11  }
.LBB2_8:
0x13e: {  	p0 =	sne.s32 s26, $0x4C00;
	v9 =	vld [tilespmem:s28+$0x43D0]  }
0x13f: {  	v10 =	vld [tilespmem:s28+$0x2EE0];
	[tilespmem:s9+$0x57A0] =	vst v8;
	v5 =	vsub.f32 v5, v6  }
0x140: {  	v6 =	vld [tilespmem:s28+$0x42E0]  }
0x141: {  	v8 =	vld [tilespmem:s28+$0x2EF0];
	[tilespmem:s9+$0x57B0] =	vst v5;
	v3 =	vsub.f32 v3, v7  }
0x142: {  	v5 =	vld [tilespmem:s28+$0x42F0]  }
0x143: {  	v7 =	vld [tilespmem:s28+$0x2F00];
	v4 =	vsub.f32 v4, v9;
	[tilespmem:s9+$0x57C0] =	vst v3;
	s9 =	smov.u32 s28  }
0x144: {  	v3 =	vld [tilespmem:s9+$0x4300]  }
0x145: {  	v6 =	vsub.f32 v10, v6;
	v9 =	vld [tilespmem:s9+$0x2F10];
	[tilespmem:s9+$0x57D0] =	vst v4  }
0x146: {  	v4 =	vld [tilespmem:s9+$0x4310]  }
0x147: {  	[tilespmem:s9+$0x56E0] =	vst v6;
	v5 =	vsub.f32 v8, v5;
	v6 =	vld [tilespmem:s9+$0x2F20]  }
0x148: {  	v8 =	vld [tilespmem:s9+$0x4320]  }
0x149: {  	[tilespmem:s9+$0x56F0] =	vst v5;
	v3 =	vsub.f32 v7, v3;
	v5 =	vld [tilespmem:s9+$0x2F30]  }
0x14a: {  	v7 =	vld [tilespmem:s9+$0x4330]  }
0x14b: {  	[tilespmem:s9+$0x5700] =	vst v3;
	v3 =	vsub.f32 v9, v4;
	v4 =	vld [tilespmem:s9+$0x2F40]  }
0x14c: {  	v9 =	vld [tilespmem:s9+$0x4340]  }
0x14d: {  	[tilespmem:s9+$0x5710] =	vst v3;
	v3 =	vsub.f32 v6, v8;
	v6 =	vld [tilespmem:s9+$0x2F50]  }
0x14e: {  	v8 =	vld [tilespmem:s9+$0x4350]  }
0x14f: {  	[tilespmem:s9+$0x5720] =	vst v3;
	v3 =	vsub.f32 v5, v7;
	v5 =	vld [tilespmem:s9+$0x2F60]  }
0x150: {  	v7 =	vld [tilespmem:s9+$0x4360]  }
0x151: {  	[tilespmem:s9+$0x5730] =	vst v3;
	v3 =	vsub.f32 v4, v9;
	v4 =	vld [tilespmem:s9+$0x2F70]  }
0x152: {  	v9 =	vld [tilespmem:s9+$0x4370]  }
0x153: {  	[tilespmem:s9+$0x5740] =	vst v3;
	v3 =	vsub.f32 v6, v8;
	v6 =	vld [tilespmem:s9+$0x2F80]  }
0x154: {  	v8 =	vld [tilespmem:s9+$0x4380]  }
0x155: {  	[tilespmem:s9+$0x5750] =	vst v3;
	v3 =	vsub.f32 v5, v7;
	v7 =	vld [tilespmem:s9+$0x2F90]  }
0x156: {  	v10 =	vld [tilespmem:s9+$0x4390]  }
0x157: {  	[tilespmem:s9+$0x5760] =	vst v3;
	v3 =	vsub.f32 v4, v9;
	v9 =	vld [tilespmem:s9+$0x2FA0]  }
0x158: {  	v11 =	vld [tilespmem:s9+$0x43A0]  }
.Ltmp2:
0x159: {  	[tilespmem:s9+$0x5770] =	vst v3;
	v3 =	vsub.f32 v6, v8;
	v5 =	vld [tilespmem:s9+$0x2FB0];
	(pc) =	sbr.rel @p0 .LBB2_8-.Ltmp2, $4  }
0x15a: {  	v6 =	vld [tilespmem:s9+$0x43B0]  }
0x15b: {  	[tilespmem:s9+$0x5780] =	vst v3;
	v8 =	vsub.f32 v7, v10;
	v3 =	vld [tilespmem:s9+$0x2FC0]  }
0x15c: {  	s28 =	sshra.s32 s26, $0x2;
	v7 =	vld [tilespmem:s9+$0x43C0]  }
0x15d: {  	s26 =	sadd.s32 $0x400, s26;
	v4 =	vld [tilespmem:s28+$0x2FD0];
	[tilespmem:s9+$0x5790] =	vst v8;
	v8 =	vsub.f32 v9, v11  }
0x15e: {  	v9 =	vld [tilespmem:s28+$0x43D0]  }
0x15f: {  	v10 =	vld [tilespmem:s28+$0x2EE0];
	[tilespmem:s9+$0x57A0] =	vst v8;
	v5 =	vsub.f32 v5, v6  }
0x160: {  	v6 =	vld [tilespmem:s28+$0x42E0]  }
0x161: {  	v8 =	vld [tilespmem:s28+$0x2EF0];
	[tilespmem:s9+$0x57B0] =	vst v5;
	v3 =	vsub.f32 v3, v7  }
0x162: {  	v5 =	vld [tilespmem:s28+$0x42F0]  }
0x163: {  	v7 =	vld [tilespmem:s28+$0x2F00];
	[tilespmem:s9+$0x57C0] =	vst v3  }
0x164: {  	v3 =	vsub.f32 v4, v9;
	v4 =	vld [tilespmem:s28+$0x4300]  }
0x165: {  	v9 =	vld [tilespmem:s28+$0x2F10]  }
0x166: {  	v6 =	vsub.f32 v10, v6;
	[tilespmem:s28+$0x57D0] =	vst v3;
	v3 =	vld [tilespmem:s28+$0x4310]  }
0x167: {  	v10 =	vld [tilespmem:s28+$0x43C0]  }
0x168: {  	[tilespmem:s28+$0x56E0] =	vst v6;
	v5 =	vsub.f32 v8, v5;
	v6 =	vld [tilespmem:s28+$0x2F20]  }
0x169: {  	v8 =	vld [tilespmem:s28+$0x4320]  }
0x16a: {  	[tilespmem:s28+$0x56F0] =	vst v5;
	v5 =	vld [tilespmem:s28+$0x2F30]  }
0x16b: {  	v4 =	vsub.f32 v7, v4;
	v7 =	vld [tilespmem:s28+$0x4330]  }
0x16c: {  	v3 =	vsub.f32 v9, v3;
	v9 =	vld [tilespmem:s28+$0x4340]  }
0x16d: {  	[tilespmem:s28+$0x5700] =	vst v4;
	v4 =	vld [tilespmem:s28+$0x2F40]  }
0x16e: {  	[tilespmem:s28+$0x5710] =	vst v3;
	v3 =	vsub.f32 v6, v8;
	v6 =	vld [tilespmem:s28+$0x2F50]  }
0x16f: {  	v8 =	vld [tilespmem:s28+$0x4350]  }
0x170: {  	[tilespmem:s28+$0x5720] =	vst v3;
	v3 =	vsub.f32 v5, v7;
	v5 =	vld [tilespmem:s28+$0x2F60]  }
0x171: {  	v7 =	vld [tilespmem:s28+$0x4360]  }
0x172: {  	[tilespmem:s28+$0x5730] =	vst v3;
	v3 =	vsub.f32 v4, v9;
	v4 =	vld [tilespmem:s28+$0x2F70]  }
0x173: {  	v9 =	vld [tilespmem:s28+$0x4370]  }
0x174: {  	[tilespmem:s28+$0x5740] =	vst v3;
	v3 =	vsub.f32 v6, v8;
	v6 =	vld [tilespmem:s28+$0x2F80]  }
0x175: {  	v8 =	vld [tilespmem:s28+$0x4380]  }
0x176: {  	[tilespmem:s28+$0x5750] =	vst v3;
	v3 =	vsub.f32 v5, v7;
	v5 =	vld [tilespmem:s28+$0x2F90]  }
0x177: {  	v7 =	vld [tilespmem:s28+$0x4390]  }
0x178: {  	[tilespmem:s28+$0x5760] =	vst v3;
	v3 =	vsub.f32 v4, v9;
	v4 =	vld [tilespmem:s28+$0x2FA0]  }
0x179: {  	v9 =	vld [tilespmem:s28+$0x43A0]  }
0x17a: {  	[tilespmem:s28+$0x5770] =	vst v3;
	v3 =	vsub.f32 v6, v8;
	v6 =	vld [tilespmem:s28+$0x2FB0]  }
0x17b: {  	v8 =	vld [tilespmem:s28+$0x43B0]  }
0x17c: {  	[tilespmem:s28+$0x5780] =	vst v3;
	v3 =	vld [tilespmem:s28+$0x2FC0];
	_ =	sdelay $0x1  }
0x17d: {  	v5 =	vsub.f32 v5, v7  }
0x17e: {  	v4 =	vsub.f32 v4, v9  }
0x17f: {  	[tilespmem:s28+$0x5790] =	vst v5;
	v5 =	vsub.f32 v6, v8  }
0x180: {  	p0 =	seq.s32 s12, $0x18;
	[tilespmem:s28+$0x57A0] =	vst v4;
	v3 =	vsub.f32 v3, v10  }
0x181: {  	s9 =	sadd.s32 @!p0 $0x2, s30;
	[tilespmem:s28+$0x57B0] =	vst v5  }
0x182: {  	s26 =	smul.u32 @!p0 $0x140, s9;
	s9 =	sadd.s32 @!p0 s3, s9;
	[tilespmem:s28+$0x57C0] =	vst v3  }
0x183: {  	[spmem:s4] =	stream.indirect.scatter.add.f32 [tilespmem:s25], [sflag:$0x5], $0x40, s8, s31, $0xb8;
	[tilespmem:$0x1EC80] =	vst v63  }
0x184: {  	s9 =	smul.u32 @!p0 $0x50, s9;
	s8 =	sshra.s32 @!p0 s26, $0x2  }
0x185: {  	s28 =	simm.s32 @!p0 $0x2EE0;
	s26 =	simm.s32 @!p0 $0x50;
	s8 =	sadd.s32 @!p0 $0x1F40, s8  }
0x186: {  	[tilespmem:s28], [sflag:$0x1] =	stream.indirect.gather @!p0 [hbm4b:s0+s26], $0x40, s8, s26, $0xb8;
	[tilespmem:$0x1EC80] =	vst v63  }
0x187: {  	s8 =	sadd.s32 @!p0 s24, s9  }
0x188: {  	s8 =	sshll.u32 @!p0 s8, $0x7  }
0x189: {  	s8 =	sor.u32 @!p0 s20, s8  }
0x18a: {  	s9 =	simm.s32 @!p0 $0x40;
	s8 =	sshrl.u32 @!p0 s8, $0x3  }
0x18b: {  	s26 =	simm.s32 @!p0 $0x80;
	s28 =	simm.s32 @!p0 $0x42E0;
	s8 =	sadd.s32 @!p0 s2, s8  }
0x18c: {  	[tilespmem:s28], [sflag:$0x2] =	stream.strided.gather @!p0 [hbm4b:s8+s9], $0x1400, s26, s9, $0x38;
	[tilespmem:$0x1EC80] =	vst v63  }
0x18d: {  	_ = 	snop  }
0x18e: {  	[spmem:s5] =	stream.indirect.scatter.add.f32 [tilespmem:s13], [sflag:$0x8], $0x1, s7, s31, $0xb8;
	[tilespmem:$0x1EC80] =	vst v63  }
0x18f: {  	_ =	swait.ge [sflag:s19], $0x1400  }
0x190: {  	[sflag:s19] =	ssyncset.done $0x0  }
0x191: {  	[sflag:s19] =	ssyncadd.s32 $0xFFFFEC00  }
0x192: {  	_ =	swait.ge [sflag:s21], $0x1400  }
0x193: {  	[sflag:s21] =	ssyncset.done $0x0  }
0x194: {  	[sflag:s21] =	ssyncadd.s32 $0xFFFFEC00  }
0x195: {  	_ =	swait.ge [sflag:s22], $0x1400  }
0x196: {  	[sflag:s22] =	ssyncset.done $0x0  }
0x197: {  	[sflag:s22] =	ssyncadd.s32 $0xFFFFEC00  }
0x198: {  	_ =	swait.ge [sflag:s23], $0x50  }
0x199: {  	[sflag:s23] =	ssyncset.done $0x0  }
0x19a: {  	s8 =	simm.s32 $0x0;
	[sflag:s23] =	ssyncadd.s32 $0xFFFFFFB0  }
0x19b: {  	v3 =	vld [tilespmem:s8+$0x6BD0]  }
0x19c: {  	v4 =	vld [tilespmem:s8+$0x7FD0]  }
0x19d: {  	v5 =	vld [tilespmem:s8+$0x6AE0]  }
0x19e: {  	v6 =	vld [tilespmem:s8+$0x7EE0]  }
0x19f: {  	v7 =	vld [tilespmem:s8+$0x6AF0]  }
0x1a0: {  	v8 =	vld [tilespmem:s8+$0x7EF0]  }
0x1a1: {  	v9 =	vld [tilespmem:s8+$0x6B00]  }
0x1a2: {  	v10 =	vld [tilespmem:s8+$0x6B10]  }
0x1a3: {  	v3 =	vsub.f32 v3, v4;
	v4 =	vld [tilespmem:s8+$0x7F00]  }
0x1a4: {  	v5 =	vsub.f32 v5, v6;
	v6 =	vld [tilespmem:s8+$0x6B20]  }
0x1a5: {  	[tilespmem:s8+$0x93D0] =	vst v3;
	v3 =	vld [tilespmem:s8+$0x7F10]  }
0x1a6: {  	[tilespmem:s8+$0x92E0] =	vst v5;
	v5 =	vsub.f32 v7, v8;
	v7 =	vld [tilespmem:s8+$0x7F20]  }
0x1a7: {  	v8 =	vld [tilespmem:s8+$0x7F30]  }
0x1a8: {  	[tilespmem:s8+$0x92F0] =	vst v5;
	v5 =	vld [tilespmem:s8+$0x6B30];
	v4 =	vsub.f32 v9, v4  }
0x1a9: {  	v9 =	vld [tilespmem:s8+$0x7F40]  }
0x1aa: {  	[tilespmem:s8+$0x9300] =	vst v4;
	v3 =	vsub.f32 v10, v3;
	v4 =	vld [tilespmem:s8+$0x6B40]  }
0x1ab: {  	v10 =	vld [tilespmem:s8+$0x7F90]  }
0x1ac: {  	[tilespmem:s8+$0x9310] =	vst v3;
	v3 =	vsub.f32 v6, v7;
	v6 =	vld [tilespmem:s8+$0x6B50]  }
0x1ad: {  	v7 =	vld [tilespmem:s8+$0x7F50]  }
0x1ae: {  	[tilespmem:s8+$0x9320] =	vst v3;
	v3 =	vsub.f32 v5, v8;
	v5 =	vld [tilespmem:s8+$0x6B60]  }
0x1af: {  	v8 =	vld [tilespmem:s8+$0x7F60]  }
0x1b0: {  	[tilespmem:s8+$0x9330] =	vst v3;
	v3 =	vsub.f32 v4, v9;
	v4 =	vld [tilespmem:s8+$0x6B70]  }
0x1b1: {  	v9 =	vld [tilespmem:s8+$0x7F70]  }
0x1b2: {  	[tilespmem:s8+$0x9340] =	vst v3;
	v3 =	vsub.f32 v6, v7;
	v6 =	vld [tilespmem:s8+$0x6B80]  }
0x1b3: {  	v7 =	vld [tilespmem:s8+$0x7F80]  }
0x1b4: {  	[tilespmem:s8+$0x9350] =	vst v3;
	v3 =	vsub.f32 v5, v8;
	v8 =	vld [tilespmem:s8+$0x6B90]  }
0x1b5: {  	v11 =	vld [tilespmem:s8+$0x7FA0]  }
0x1b6: {  	[tilespmem:s8+$0x9360] =	vst v3;
	v3 =	vsub.f32 v4, v9;
	v9 =	vld [tilespmem:s8+$0x6BA0]  }
0x1b7: {  	v5 =	vld [tilespmem:s8+$0x6BB0]  }
0x1b8: {  	[tilespmem:s8+$0x9370] =	vst v3;
	v3 =	vsub.f32 v6, v7;
	v6 =	vld [tilespmem:s8+$0x7FB0]  }
0x1b9: {  	v7 =	vld [tilespmem:s8+$0x7FC0];
	v8 =	vsub.f32 v8, v10  }
0x1ba: {  	s26 =	simm.s32 $0x100;
	[tilespmem:s8+$0x9380] =	vst v3;
	v3 =	vld [tilespmem:s8+$0x6BC0]  }
0x1bb: {  	s9 =	simm.s32 $0x800;
	v4 =	vld [tilespmem:s26+$0x6BD0];
	[tilespmem:s8+$0x9390] =	vst v8;
	v8 =	vsub.f32 v9, v11  }
.LBB2_10:
0x1bc: {  	p0 =	sne.s32 s9, $0x4C00;
	v9 =	vld [tilespmem:s26+$0x7FD0]  }
0x1bd: {  	v10 =	vld [tilespmem:s26+$0x6AE0];
	[tilespmem:s8+$0x93A0] =	vst v8;
	v5 =	vsub.f32 v5, v6  }
0x1be: {  	v6 =	vld [tilespmem:s26+$0x7EE0]  }
0x1bf: {  	v8 =	vld [tilespmem:s26+$0x6AF0];
	[tilespmem:s8+$0x93B0] =	vst v5;
	v3 =	vsub.f32 v3, v7  }
0x1c0: {  	v5 =	vld [tilespmem:s26+$0x7EF0]  }
0x1c1: {  	v7 =	vld [tilespmem:s26+$0x6B00];
	v4 =	vsub.f32 v4, v9;
	[tilespmem:s8+$0x93C0] =	vst v3;
	s8 =	smov.u32 s26  }
0x1c2: {  	v3 =	vld [tilespmem:s8+$0x7F00]  }
0x1c3: {  	v6 =	vsub.f32 v10, v6;
	v9 =	vld [tilespmem:s8+$0x6B10];
	[tilespmem:s8+$0x93D0] =	vst v4  }
0x1c4: {  	v4 =	vld [tilespmem:s8+$0x7F10]  }
0x1c5: {  	[tilespmem:s8+$0x92E0] =	vst v6;
	v5 =	vsub.f32 v8, v5;
	v6 =	vld [tilespmem:s8+$0x6B20]  }
0x1c6: {  	v8 =	vld [tilespmem:s8+$0x7F20]  }
0x1c7: {  	[tilespmem:s8+$0x92F0] =	vst v5;
	v3 =	vsub.f32 v7, v3;
	v5 =	vld [tilespmem:s8+$0x6B30]  }
0x1c8: {  	v7 =	vld [tilespmem:s8+$0x7F30]  }
0x1c9: {  	[tilespmem:s8+$0x9300] =	vst v3;
	v3 =	vsub.f32 v9, v4;
	v4 =	vld [tilespmem:s8+$0x6B40]  }
0x1ca: {  	v9 =	vld [tilespmem:s8+$0x7F40]  }
0x1cb: {  	[tilespmem:s8+$0x9310] =	vst v3;
	v3 =	vsub.f32 v6, v8;
	v6 =	vld [tilespmem:s8+$0x6B50]  }
0x1cc: {  	v8 =	vld [tilespmem:s8+$0x7F50]  }
0x1cd: {  	[tilespmem:s8+$0x9320] =	vst v3;
	v3 =	vsub.f32 v5, v7;
	v5 =	vld [tilespmem:s8+$0x6B60]  }
0x1ce: {  	v7 =	vld [tilespmem:s8+$0x7F60]  }
0x1cf: {  	[tilespmem:s8+$0x9330] =	vst v3;
	v3 =	vsub.f32 v4, v9;
	v4 =	vld [tilespmem:s8+$0x6B70]  }
0x1d0: {  	v9 =	vld [tilespmem:s8+$0x7F70]  }
0x1d1: {  	[tilespmem:s8+$0x9340] =	vst v3;
	v3 =	vsub.f32 v6, v8;
	v6 =	vld [tilespmem:s8+$0x6B80]  }
0x1d2: {  	v8 =	vld [tilespmem:s8+$0x7F80]  }
0x1d3: {  	[tilespmem:s8+$0x9350] =	vst v3;
	v3 =	vsub.f32 v5, v7;
	v7 =	vld [tilespmem:s8+$0x6B90]  }
0x1d4: {  	v10 =	vld [tilespmem:s8+$0x7F90]  }
0x1d5: {  	[tilespmem:s8+$0x9360] =	vst v3;
	v3 =	vsub.f32 v4, v9;
	v9 =	vld [tilespmem:s8+$0x6BA0]  }
0x1d6: {  	v11 =	vld [tilespmem:s8+$0x7FA0]  }
.Ltmp3:
0x1d7: {  	[tilespmem:s8+$0x9370] =	vst v3;
	v3 =	vsub.f32 v6, v8;
	v5 =	vld [tilespmem:s8+$0x6BB0];
	(pc) =	sbr.rel @p0 .LBB2_10-.Ltmp3, $4  }
0x1d8: {  	v6 =	vld [tilespmem:s8+$0x7FB0]  }
0x1d9: {  	[tilespmem:s8+$0x9380] =	vst v3;
	v8 =	vsub.f32 v7, v10;
	v3 =	vld [tilespmem:s8+$0x6BC0]  }
0x1da: {  	s26 =	sshra.s32 s9, $0x2;
	v7 =	vld [tilespmem:s8+$0x7FC0]  }
0x1db: {  	s9 =	sadd.s32 $0x400, s9;
	v4 =	vld [tilespmem:s26+$0x6BD0];
	[tilespmem:s8+$0x9390] =	vst v8;
	v8 =	vsub.f32 v9, v11  }
0x1dc: {  	v9 =	vld [tilespmem:s26+$0x7FD0]  }
0x1dd: {  	v10 =	vld [tilespmem:s26+$0x6AE0];
	[tilespmem:s8+$0x93A0] =	vst v8;
	v5 =	vsub.f32 v5, v6  }
0x1de: {  	v38 =	vld [tilespmem:s26+$0x7EE0]  }
0x1df: {  	v8 =	vld [tilespmem:s26+$0x6AF0];
	[tilespmem:s8+$0x93B0] =	vst v5;
	v3 =	vsub.f32 v3, v7  }
0x1e0: {  	v5 =	vld [tilespmem:s26+$0x7EF0]  }
0x1e1: {  	v39 =	vld [tilespmem:s26+$0x6B00];
	[tilespmem:s8+$0x93C0] =	vst v3  }
0x1e2: {  	v40 =	vld [tilespmem:s26+$0x7F00]  }
0x1e3: {  	v3 =	vsub.f32 v4, v9;
	v41 =	vld [tilespmem:s26+$0x6B10]  }
0x1e4: {  	v42 =	vld [tilespmem:s26+$0x6B20]  }
0x1e5: {  	[tilespmem:s26+$0x93D0] =	vst v3;
	v3 =	vld [tilespmem:s26+$0x7F10]  }
0x1e6: {  	v43 =	vld [tilespmem:s26+$0x7F20]  }
0x1e7: {  	v44 =	vld [tilespmem:s26+$0x6B30]  }
0x1e8: {  	v45 =	vld [tilespmem:s26+$0x7F30]  }
0x1e9: {  	v46 =	vld [tilespmem:s26+$0x6B40]  }
0x1ea: {  	v47 =	vld [tilespmem:s26+$0x7F40];
	v3 =	vsub.f32 v41, v3  }
0x1eb: {  	v48 =	vld [tilespmem:s26+$0x6B50]  }
0x1ec: {  	v49 =	vld [tilespmem:s26+$0x7F50];
	[tilespmem:s26+$0x9310] =	vst v3;
	v3 =	vsub.f32 v42, v43  }
0x1ed: {  	v50 =	vld [tilespmem:s26+$0x6B60]  }
0x1ee: {  	v51 =	vld [tilespmem:s26+$0x7F60];
	[tilespmem:s26+$0x9320] =	vst v3;
	v3 =	vsub.f32 v44, v45  }
0x1ef: {  	v52 =	vld [tilespmem:s26+$0x6B70]  }
0x1f0: {  	v53 =	vld [tilespmem:s26+$0x7F70];
	[tilespmem:s26+$0x9330] =	vst v3;
	v3 =	vsub.f32 v46, v47  }
0x1f1: {  	v54 =	vld [tilespmem:s26+$0x6B80]  }
0x1f2: {  	v55 =	vld [tilespmem:s26+$0x7F80];
	[tilespmem:s26+$0x9340] =	vst v3;
	v3 =	vsub.f32 v48, v49  }
0x1f3: {  	v56 =	vld [tilespmem:s26+$0x6B90]  }
0x1f4: {  	v57 =	vld [tilespmem:s26+$0x7F90];
	[tilespmem:s26+$0x9350] =	vst v3;
	v3 =	vsub.f32 v50, v51  }
0x1f5: {  	v58 =	vld [tilespmem:s26+$0x6BA0]  }
0x1f6: {  	v59 =	vld [tilespmem:s26+$0x7FA0];
	[tilespmem:s26+$0x9360] =	vst v3;
	v3 =	vsub.f32 v52, v53  }
0x1f7: {  	v60 =	vld [tilespmem:s26+$0x6BB0]  }
0x1f8: {  	v61 =	vld [tilespmem:s26+$0x7FB0];
	[tilespmem:s26+$0x9370] =	vst v3;
	v3 =	vsub.f32 v54, v55  }
0x1f9: {  	v62 =	vld [tilespmem:s26+$0x7FC0];
	v6 =	vsub.f32 v10, v38  }
0x1fa: {  	v5 =	vsub.f32 v8, v5;
	[tilespmem:s26+$0x9380] =	vst v3;
	v3 =	vld [tilespmem:s26+$0x6BC0]  }
0x1fb: {  	[tilespmem:s26+$0x92E0] =	vst v6;
	v4 =	vsub.f32 v39, v40  }
0x1fc: {  	[tilespmem:s26+$0x92F0] =	vst v5;
	v5 =	vsub.f32 v56, v57  }
0x1fd: {  	v63 =	vsub.f32 v60, v61;
	[tilespmem:s26+$0x9300] =	vst v4  }
0x1fe: {  	v4 =	vsub.f32 v58, v59;
	[tilespmem:s26+$0x9390] =	vst v5  }
0x1ff: {  	[tilespmem:s26+$0x93B0] =	vst v63;
	v3 =	vsub.f32 v3, v62  }
0x200: {  	[tilespmem:s26+$0x93A0] =	vst v4  }
0x201: {  	s12 =	sadd.s32 $0x1, s12;
	[tilespmem:s26+$0x93C0] =	vst v3  }
0x202: {  	[spmem:s4] =	stream.indirect.scatter.add.f32 [tilespmem:s10], [sflag:$0x7], $0x40, s7, s31, $0xb8;
	[tilespmem:$0x1EC80] =	vst v63  }
0x203: {  	p0 =	sne.s32 s12, $0x19;
	_ =	swait.ge [sflag:s15], $0x1400  }
.Ltmp4:
0x204: {  	[sflag:s15] =	ssyncset.done $0x0;
	(pc) =	sbr.rel @p0 .LBB2_7-.Ltmp4, $4  }
0x205: {  	[sflag:s15] =	ssyncadd.s32 $0xFFFFEC00  }
0x206: {  	_ =	swait.ge [sflag:s6], $0x50  }
0x207: {  	[sflag:s6] =	ssyncset.done $0x0  }
0x208: {  	[sflag:s6] =	ssyncadd.s32 $0xFFFFFFB0  }
0x209: {  	s29 =	sadd.s32 $0x1, s29  }
0x20a: {  	p0 =	sne.s32 s29, $0x5  }
.Ltmp5:
0x20b: {  	_ = 	snop;
	(pc) =	sbr.rel @p0 .LBB2_4-.Ltmp5, $2  }
0x20c: {  	_ =	sdelay $0x2  }
0x20d: {  	s30 =	simm.s32 $0x1F40  }
0x20e: {  	[bflag:$0x0] =	sbarrier.arrive $0xFFFF  }
0x20f: {  	s3 =	stileid.u32;
	s8 =	sld [smem:$0x7FA]  }
0x210: {  	s3 =	sshll.u32 s3, $0x6;
	s28 =	rddreg [dreg:$0xa]  }
0x211: {  	s9 =	simm.s32 $0x9;
	s3 =	sor.u32 $0x1C09, s3;
	s7 =	sshrl.u32 s28, $0x3  }
0x212: {  	[hbm:s8], [sflag:s3] =	dma.local [spmem:s7], $0x2800  }
0x213: {  	_ =	swait.ge [sflag:s9], $0x2800  }
0x214: {  	s12 =	sld [smem:$0x7FD]  }
0x215: {  	s26 =	sld [smem:$0x7FB]  }
0x216: {  	[sflag:s9] =	ssyncset.done $0x0  }
0x217: {  	[sflag:s9] =	ssyncadd.s32 $0xFFFFD800;
	s8 =	sshrl.u32 s12, $0x3  }
0x218: {  	[hbm:s26], [sflag:s3] =	dma.local [spmem:s8], $0xA0  }
0x219: {  	_ =	swait.ge [sflag:s9], $0xA0  }
0x21a: {  	s29 =	sld [smem:$0x7FC]  }
0x21b: {  	s26 =	rddreg [dreg:$0x6]  }
0x21c: {  	s26 =	sadd.s32 $0x1, s26  }
0x21d: {  	p0 =	sne.s32 s26, s29  }
.Ltmp6:
0x21e: {  	_ = 	snop;
	(pc) =	sbr.rel @p0 .LBB2_1-.Ltmp6, $3  }
0x21f: {  	_ =	sdelay $0x1  }
0x220: {  	[sflag:s9] =	ssyncset.done $0x0  }
0x221: {  	[sflag:s9] =	ssyncadd.s32 $0xFFFFFF60  }
0x222: {  	_ =	sfence.sel $0x180000  }
0x223: {  	[bflag:$0x0] =	sbarrier.arrive $0xFFFF  }
0x224: {  	_ =	strace $0x90000047  }
0x225: {  	s0 =	stileid.u32;
	[bflag:$0x2] =	sbarrier.arrive $0xFFFF  }
0x226: {  	p0 =	sne.s32 s0, $0x0;
	s0 =	rddreg [dreg:$0x5]  }
0x227: {  	s0 =	sadd.s32 @!p0 $0x100000, s0  }
0x228: {  	[sflag:s0] =	ssyncadd.tile.s32 @!p0 $0x1;
	_ =	shalt  }
.Lfunc_end2:
_tile_overlayer_lowered:
.L_overlay_start_2:
0x229: {  	(tag) =	ssettag $0x2  }
0x22a: {  	s0 =	rddreg [dreg:$0x0];
	s2 =	stileid.u32  }
0x22b: {  	s1 =	rddreg [dreg:$0x1];
	p0 =	sne.s32 s2, $0x0  }
0x22c: {  	s3 =	rddreg [dreg:$0x2];
	[bflag:$0x3] =	sbarrier.arrive $0xFFFF;
	s2 =	simm.s32 @!p0 $0x1C09  }
0x22d: {  	[timem:s3], [sflag:s2] =	dma.local @!p0 [hbm:s0], s1  }
0x22e: {  	s0 =	simm.s32 @!p0 $0x9  }
0x22f: {  	_ =	swait.ge @!p0 [sflag:s0], s1  }
0x230: {  	s1 =	ssub.s32 @!p0 $0x0, s1;
	[sflag:s0] =	ssyncset.done @!p0 $0x0  }
0x231: {  	[sflag:s0] =	ssyncadd.s32 @!p0 s1  }
0x232: {  	[bflag:$0x3] =	sbarrier.arrive $0xFFFF  }
0x233: {  	_ =	shalt  }

</sc_bundles>
